<compile_context>
chip_gen: v7x
topology: tpu7x:2x2x1
jax: 0.10.2.dev20260603
libtpu: 0.0.44.dev20260713+nightly
codegen_flags: <defaults>
</compile_context>

<pallas_src>
import jax
import jax.numpy as jnp
from jax import lax
from jax.experimental import pallas as pl
from jax.experimental.pallas import tpu as pltpu
from jax.experimental.pallas import tpu_sc as plsc

N = 10000
NPAD = 10240
E = 320000
DI = 128
DH = 64
NCLS = 16

NC = 2
NS = 16
NW = NC * NS
CNK = 128
ROWS2 = E // CNK
CPW = ROWS2 // NW
EXTRA = ROWS2 - NW * CPW
G = 6
SEGG = 2
NBODY = 19
RPT = NPAD // NS

_MESH = plsc.VectorSubcoreMesh(core_axis_name="c", subcore_axis_name="s")


def _hist_body(e_hbm, out_hbm, hs_sh, hd_sh, ones_v, zb_v,
               idx_v, idx_x, sem_s):
    c = lax.axis_index("c")
    s = lax.axis_index("s")
    w = c * NS + s
    for i in range(CNK // 16):
        ones_v[pl.ds(16 * i, 16)] = jnp.ones((16,), jnp.float32)
    for i in range(RPT // 16):
        zb_v[pl.ds(16 * i, 16)] = jnp.zeros((16,), jnp.float32)
    pltpu.sync_copy(zb_v, hs_sh.at[pl.ds(RPT * s, RPT)])
    pltpu.sync_copy(zb_v, hd_sh.at[pl.ds(RPT * s, RPT)])
    pltpu.sync_copy(e_hbm.at[0, pl.ds(w * CPW, CPW)], idx_v.at[0])
    pltpu.sync_copy(e_hbm.at[1, pl.ds(w * CPW, CPW)], idx_v.at[1])

    @pl.when(w < EXTRA)
    def _():
        pltpu.sync_copy(e_hbm.at[0, pl.ds(NW * CPW + w, 1)], idx_x.at[0])
        pltpu.sync_copy(e_hbm.at[1, pl.ds(NW * CPW + w, 1)], idx_x.at[1])

    plsc.subcore_barrier()

    def block(chunks):
        descs = []
        for j in chunks:
            descs.append(pltpu.async_copy(
                ones_v, hs_sh.at[idx_v.at[0, j]], sem_s, add=True))
            descs.append(pltpu.async_copy(
                ones_v, hd_sh.at[idx_v.at[1, j]], sem_s, add=True))
        for d in descs:
            d.wait()

    def step(g, carry):
        block([g * G + i for i in range(G)])
        return carry

    lax.fori_loop(0, CPW // G, step, 0)

    @pl.when(w < EXTRA)
    def _():
        da = pltpu.async_copy(ones_v, hs_sh.at[idx_x.at[0, 0]], sem_s,
                              add=True)
        db = pltpu.async_copy(ones_v, hd_sh.at[idx_x.at[1, 0]], sem_s,
                              add=True)
        da.wait()
        db.wait()

    plsc.subcore_barrier()
    pltpu.sync_copy(hs_sh.at[pl.ds(RPT * s, RPT)],
                    out_hbm.at[c, 0, pl.ds(RPT * s, RPT)])
    pltpu.sync_copy(hd_sh.at[pl.ds(RPT * s, RPT)],
                    out_hbm.at[c, 1, pl.ds(RPT * s, RPT)])


_hist_kernel = pl.kernel(
    _hist_body,
    out_type=jax.ShapeDtypeStruct((NC, 2, NPAD), jnp.float32),
    mesh=_MESH,
    scratch_types=[
        pltpu.VMEM_SHARED((NPAD,), jnp.float32),
        pltpu.VMEM_SHARED((NPAD,), jnp.float32),
        pltpu.VMEM((CNK,), jnp.float32),
        pltpu.VMEM((RPT,), jnp.float32),
        pltpu.VMEM((2, CPW, CNK), jnp.int32),
        pltpu.VMEM((2, 1, CNK), jnp.int32),
        pltpu.SemaphoreType.DMA,
    ],
    compiler_params=pltpu.CompilerParams(use_tc_tiling_on_sc=False),
)


def _seg_body(h_hbm, e_hbm, z_hbm, o0_hbm, o1_hbm,
              h_sh, agg_sh, idx_v, idx_x, rows_v,
              sem_g0, sem_g1, sem_s0, sem_s1, sem_i):
    c = lax.axis_index("c")
    s = lax.axis_index("s")
    w = c * NS + s
    r0 = RPT * s

    @pl.when(s < NS - 1)
    def _():
        dh = pltpu.async_copy(h_hbm.at[pl.ds(r0, RPT)],
                              h_sh.at[pl.ds(r0, RPT)], sem_i)
        dz = pltpu.async_copy(z_hbm, agg_sh.at[pl.ds(r0, RPT)], sem_g0)
        dh.wait()
        dz.wait()

    @pl.when(s == NS - 1)
    def _():
        lastn = N - (NS - 1) * RPT
        dh = pltpu.async_copy(h_hbm.at[pl.ds((NS - 1) * RPT, lastn)],
                              h_sh.at[pl.ds((NS - 1) * RPT, lastn)], sem_i)
        dz = pltpu.async_copy(z_hbm, agg_sh.at[pl.ds(r0, RPT)], sem_g0)
        dh.wait()
        dz.wait()

    @pl.when(w < EXTRA)
    def _():
        pltpu.sync_copy(e_hbm.at[0, pl.ds(NW * CPW + w, 1)], idx_x.at[0])
        pltpu.sync_copy(e_hbm.at[1, pl.ds(NW * CPW + w, 1)], idx_x.at[1])

    def load_idx(m, q):
        base = w * CPW + 2 * SEGG * m
        pltpu.async_copy(e_hbm.at[0, pl.ds(base, 2 * SEGG)],
                         idx_v.at[q, 0], sem_i)
        pltpu.async_copy(e_hbm.at[1, pl.ds(base, 2 * SEGG)],
                         idx_v.at[q, 1], sem_i)

    def wait_idx(q):
        for j in range(2):
            pltpu.make_async_copy(e_hbm.at[0, pl.ds(0, 2 * SEGG)],
                                  idx_v.at[q, j], sem_i).wait()

    load_idx(0, 0)
    plsc.subcore_barrier()

    def gathers(q, ks, p, sem):
        return [pltpu.async_copy(h_sh.at[idx_v.at[q, 0, k]],
                                 rows_v.at[p, i], sem)
                for i, k in enumerate(ks)]

    def scatters(q, ks, p, sem):
        return [pltpu.async_copy(rows_v.at[p, i],
                                 agg_sh.at[idx_v.at[q, 1, k]], sem, add=True)
                for i, k in enumerate(ks)]

    def step(m, carry):
        q = lax.rem(m, 2)
        wait_idx(q)

        @pl.when(m + 1 < NBODY)
        def _():
            load_idx(m + 1, 1 - q)

        ga = gathers(q, range(SEGG), 0, sem_g0)
        gb = gathers(q, range(SEGG, 2 * SEGG), 1, sem_g1)
        for d in ga:
            d.wait()
        sa = scatters(q, range(SEGG), 0, sem_s0)
        for d in gb:
            d.wait()
        sb = scatters(q, range(SEGG, 2 * SEGG), 1, sem_s1)
        for d in sa + sb:
            d.wait()
        return carry

    lax.fori_loop(0, NBODY, step, 0)

    base = w * CPW + 2 * SEGG * NBODY
    pltpu.sync_copy(e_hbm.at[0, pl.ds(base, 2)], idx_v.at[0, 0, pl.ds(0, 2)])
    pltpu.sync_copy(e_hbm.at[1, pl.ds(base, 2)], idx_v.at[0, 1, pl.ds(0, 2)])
    gt = gathers(0, range(2), 0, sem_g0)
    for d in gt:
        d.wait()
    st = scatters(0, range(2), 0, sem_s0)
    for d in st:
        d.wait()

    @pl.when(w < EXTRA)
    def _():
        gx = pltpu.async_copy(h_sh.at[idx_x.at[0, 0]], rows_v.at[1, 0],
                              sem_g1)
        gx.wait()
        sx = pltpu.async_copy(rows_v.at[1, 0], agg_sh.at[idx_x.at[1, 0]],
                              sem_s1, add=True)
        sx.wait()

    plsc.subcore_barrier()

    @pl.when(c == 0)
    def _():
        pltpu.sync_copy(agg_sh.at[pl.ds(r0, RPT)], o0_hbm.at[pl.ds(r0, RPT)])

    @pl.when(c == 1)
    def _():
        pltpu.sync_copy(agg_sh.at[pl.ds(r0, RPT)], o1_hbm.at[pl.ds(r0, RPT)])


_seg_kernel = pl.kernel(
    _seg_body,
    out_type=(jax.ShapeDtypeStruct((NPAD, DH), jnp.float32),
              jax.ShapeDtypeStruct((NPAD, DH), jnp.float32)),
    mesh=_MESH,
    scratch_types=[
        pltpu.VMEM_SHARED((NPAD, DH), jnp.float32),
        pltpu.VMEM_SHARED((NPAD, DH), jnp.float32),
        pltpu.VMEM((2, 2, 2 * SEGG, CNK), jnp.int32),
        pltpu.VMEM((2, 1, CNK), jnp.int32),
        pltpu.VMEM((2, SEGG, CNK, DH), jnp.float32),
        pltpu.SemaphoreType.DMA,
        pltpu.SemaphoreType.DMA,
        pltpu.SemaphoreType.DMA,
        pltpu.SemaphoreType.DMA,
        pltpu.SemaphoreType.DMA,
    ],
    compiler_params=pltpu.CompilerParams(use_tc_tiling_on_sc=False),
)


def _mm_body(x_ref, w_ref, deg_ref, h_ref):
    d = deg_ref[0, 0] + deg_ref[1, 0] + 1.0
    norm = lax.rsqrt(d)[:N].reshape(N, 1)
    h = jnp.dot(x_ref[...], w_ref[...], preferred_element_type=jnp.float32)
    h_ref[...] = h * norm


def _ep_body(a0_ref, a1_ref, h_ref, deg_ref, b_ref, wc_ref, bc_ref, out_ref):
    agg = a0_ref[pl.ds(0, N), :] + a1_ref[pl.ds(0, N), :] + h_ref[...]
    d = deg_ref[0, 1] + deg_ref[1, 1] + 1.0
    norm = lax.rsqrt(d)[:N].reshape(N, 1)
    act = jnp.maximum(agg * norm + b_ref[...], 0.0)
    hg = jnp.max(act, axis=0, keepdims=True)
    logits = lax.dot_general(hg, wc_ref[...],
                             (((1,), (1,)), ((), ()))) + bc_ref[...]
    m = jnp.max(logits, axis=1, keepdims=True)
    lse = jnp.log(jnp.sum(jnp.exp(logits - m), axis=1, keepdims=True)) + m
    out_ref[...] = logits - lse


def kernel(x, edge_index, W, b, Wc, bc):
    e3 = edge_index.reshape(2, ROWS2, CNK)

    deg = _hist_kernel(e3)

    h = pl.pallas_call(
        _mm_body,
        out_shape=jax.ShapeDtypeStruct((N, DH), jnp.float32),
    )(x, W, deg)

    zrows = jnp.zeros((RPT, DH), jnp.float32)
    a0, a1 = _seg_kernel(h, e3, zrows)

    out = pl.pallas_call(
        _ep_body,
        out_shape=jax.ShapeDtypeStruct((1, NCLS), jnp.float32),
    )(a0, a1, h, deg, b.reshape(1, DH), Wc, bc.reshape(1, NCLS))
    return out

# --- scband reference (transcript-rebuilt; emitter-appended) ---
"""Pipeline reference for scband-gcnclassifier-64209761075716 (READ-ONLY COPY).

The authoritative reference and input builder live on the scoring server;
editing this copy changes nothing except your own understanding.
"""

import jax, jax.numpy as jnp
import numpy as np

N_NODES = 10000
N_EDGES = 320000
D_IN = 128
D_H = 64
N_CLS = 16


def setup_inputs(seed: int = 0) -> dict:
    key = jax.random.key(seed)
    k1, k2, k3, k4, k5 = jax.random.split(key, 5)
    x = jax.random.normal(k1, (N_NODES, D_IN), dtype=jnp.float32)
    edge_index = jax.random.randint(k2, (2, N_EDGES), 0, N_NODES, dtype=jnp.int32)
    # GraphConv weight (glorot-ish scale) and bias
    W = jax.random.normal(k3, (D_IN, D_H), dtype=jnp.float32) * (1.0 / np.sqrt(D_IN))
    b = jnp.zeros((D_H,), dtype=jnp.float32)
    # classifier linear: weight [n_classes, hidden], bias [n_classes]
    Wc = jax.random.normal(k4, (N_CLS, D_H), dtype=jnp.float32) * (1.0 / np.sqrt(D_H))
    bc = jnp.zeros((N_CLS,), dtype=jnp.float32)
    return {"x": x, "edge_index": edge_index, "W": W, "b": b, "Wc": Wc, "bc": bc}


def reference(x, edge_index, W, b, Wc, bc):
    n = x.shape[0]
    idx = jnp.arange(n, dtype=edge_index.dtype)
    # dgl.add_self_loop
    src = jnp.concatenate([edge_index[0], idx])
    dst = jnp.concatenate([edge_index[1], idx])
    # GraphConv norm='both': D_out^{-1/2} on src side, D_in^{-1/2} on dst side
    out_deg = jnp.bincount(src, length=n).astype(x.dtype)
    in_deg = jnp.bincount(dst, length=n).astype(x.dtype)
    norm_src = jnp.where(out_deg > 0, out_deg ** -0.5, 0.0)
    norm_dst = jnp.where(in_deg > 0, in_deg ** -0.5, 0.0)
    # in_feats > out_feats -> apply weight before aggregation (DGL mult_first path)
    h = x @ W
    h = h * norm_src[:, None]
    agg = jax.ops.segment_sum(h[src], dst, num_segments=n)
    agg = agg * norm_dst[:, None] + b
    h = jax.nn.relu(agg)
    # dgl.max_nodes over a single graph -> [1, hidden]
    hg = jnp.max(h, axis=0, keepdims=True)
    logits = hg @ Wc.T + bc
    return jax.nn.log_softmax(logits, axis=1)

if __name__ == "__main__":
    import jax
    _d = setup_inputs()
    print(jax.jit(kernel)(*tuple(_d.values())))

</pallas_src>

<mosaic_0001>
#map = affine_map<(d0, d1) -> (0, 0)>
#map1 = affine_map<(d0, d1) -> (0, 0, 0)>
module attributes {stable_mosaic.version = 14 : i64} {
  func.func @_seg_body(%arg0: i32, %arg1: i32, %arg2: memref<10000x64xf32, #tpu.memory_space<hbm>>, %arg3: memref<2x2500x128xi32, #tpu.memory_space<hbm>>, %arg4: memref<640x64xf32, #tpu.memory_space<hbm>>, %arg5: memref<10240x64xf32, #tpu.memory_space<hbm>>, %arg6: memref<10240x64xf32, #tpu.memory_space<hbm>>, %arg7: memref<10240x64xf32, #tpu.memory_space<vmem_shared>>, %arg8: memref<10240x64xf32, #tpu.memory_space<vmem_shared>>, %arg9: memref<2x2x4x128xi32, #tpu.memory_space<vmem>>, %arg10: memref<2x1x128xi32, #tpu.memory_space<vmem>>, %arg11: memref<2x2x128x64xf32, #tpu.memory_space<vmem>>, %arg12: memref<!tpu.dma_semaphore, #tpu.memory_space<semaphore_mem>>, %arg13: memref<!tpu.dma_semaphore, #tpu.memory_space<semaphore_mem>>, %arg14: memref<!tpu.dma_semaphore, #tpu.memory_space<semaphore_mem>>, %arg15: memref<!tpu.dma_semaphore, #tpu.memory_space<semaphore_mem>>, %arg16: memref<!tpu.dma_semaphore, #tpu.memory_space<semaphore_mem>>) attributes {dimension_semantics = [#tpu.dimension_semantics<core_parallel>, #tpu.dimension_semantics<subcore_parallel>], iteration_bounds = array<i64: 2, 16>, scalar_prefetch = 0 : i64, scratch_operands = 10 : i64, tpu.core_type = #tpu.core_type<sc_vector_subcore>, window_params = [{transform_indices = #map}, {transform_indices = #map1}, {transform_indices = #map}, {transform_indices = #map}, {transform_indices = #map}]} {
    %mul3A = arith.constant 16 : i32
    %mul3A_0 = arith.muli %arg0, %mul3A : i32
    %add3A = arith.addi %mul3A_0, %arg1 : i32
    %mul3A_1 = arith.constant 640 : i32
    %mul3A_2 = arith.muli %mul3A_1, %arg1 : i32
    %lt3A = arith.constant 15 : i32
    %lt3A_3 = arith.cmpi slt, %arg1, %lt3A : i32
    %convert_element_type3A = arith.extui %lt3A_3 : i1 to i32
    %cond3A = arith.constant 0 : i32
    %cond3A_4 = arith.cmpi ne, %convert_element_type3A, %cond3A : i32
    scf.if %cond3A_4 {
      %dma_start3A_200 = arith.constant 0 : i32
      %dma_start3A_201 = tpu.memref_slice %arg7[%mul3A_2, %dma_start3A_200] : memref<10240x64xf32, #tpu.memory_space<vmem_shared>> -> memref<640x64xf32, #tpu.memory_space<vmem_shared>>
      %dma_start3A_202 = arith.constant 0 : i32
      %dma_start3A_203 = tpu.memref_slice %arg2[%mul3A_2, %dma_start3A_202] : memref<10000x64xf32, #tpu.memory_space<hbm>> -> memref<640x64xf32, #tpu.memory_space<hbm>>
      tpu.enqueue_dma source(%dma_start3A_203 : memref<640x64xf32, #tpu.memory_space<hbm>>) target(%dma_start3A_201 : memref<640x64xf32, #tpu.memory_space<vmem_shared>>) target_semaphore(%arg16 : memref<!tpu.dma_semaphore, #tpu.memory_space<semaphore_mem>>)
      %dma_start3A_204 = arith.constant 0 : i32
      %dma_start3A_205 = tpu.memref_slice %arg8[%mul3A_2, %dma_start3A_204] : memref<10240x64xf32, #tpu.memory_space<vmem_shared>> -> memref<640x64xf32, #tpu.memory_space<vmem_shared>>
      tpu.enqueue_dma source(%arg4 : memref<640x64xf32, #tpu.memory_space<hbm>>) target(%dma_start3A_205 : memref<640x64xf32, #tpu.memory_space<vmem_shared>>) target_semaphore(%arg12 : memref<!tpu.dma_semaphore, #tpu.memory_space<semaphore_mem>>)
      %dma_wait3A_206 = arith.constant 0 : i32
      %dma_wait3A_207 = tpu.memref_slice %arg7[%mul3A_2, %dma_wait3A_206] : memref<10240x64xf32, #tpu.memory_space<vmem_shared>> -> memref<640x64xf32, #tpu.memory_space<vmem_shared>>
      %dma_wait3A_208 = arith.constant 0 : i32
      %dma_wait3A_209 = tpu.memref_slice %arg2[%mul3A_2, %dma_wait3A_208] : memref<10000x64xf32, #tpu.memory_space<hbm>> -> memref<640x64xf32, #tpu.memory_space<hbm>>
      tpu.wait_dma2 semaphore(%arg16 : memref<!tpu.dma_semaphore, #tpu.memory_space<semaphore_mem>>) src(%dma_wait3A_209 : memref<640x64xf32, #tpu.memory_space<hbm>>) dst(%dma_wait3A_207 : memref<640x64xf32, #tpu.memory_space<vmem_shared>>)
      %dma_wait3A_210 = arith.constant 0 : i32
      %dma_wait3A_211 = tpu.memref_slice %arg8[%mul3A_2, %dma_wait3A_210] : memref<10240x64xf32, #tpu.memory_space<vmem_shared>> -> memref<640x64xf32, #tpu.memory_space<vmem_shared>>
      tpu.wait_dma2 semaphore(%arg12 : memref<!tpu.dma_semaphore, #tpu.memory_space<semaphore_mem>>) src(%arg4 : memref<640x64xf32, #tpu.memory_space<hbm>>) dst(%dma_wait3A_211 : memref<640x64xf32, #tpu.memory_space<vmem_shared>>)
    } else {
    }
    %eq3A = arith.constant 15 : i32
    %eq3A_5 = arith.cmpi eq, %arg1, %eq3A : i32
    %convert_element_type3A_6 = arith.extui %eq3A_5 : i1 to i32
    %cond3A_7 = arith.constant 0 : i32
    %cond3A_8 = arith.cmpi ne, %convert_element_type3A_6, %cond3A_7 : i32
    scf.if %cond3A_8 {
      %dma_start3A_200 = arith.constant 9600 : i32
      %dma_start3A_201 = arith.constant 0 : i32
      %dma_start3A_202 = tpu.memref_slice %arg7[%dma_start3A_200, %dma_start3A_201] : memref<10240x64xf32, #tpu.memory_space<vmem_shared>> -> memref<400x64xf32, #tpu.memory_space<vmem_shared>>
      %dma_start3A_203 = arith.constant 9600 : i32
      %dma_start3A_204 = arith.constant 0 : i32
      %dma_start3A_205 = tpu.memref_slice %arg2[%dma_start3A_203, %dma_start3A_204] : memref<10000x64xf32, #tpu.memory_space<hbm>> -> memref<400x64xf32, #tpu.memory_space<hbm>>
      tpu.enqueue_dma source(%dma_start3A_205 : memref<400x64xf32, #tpu.memory_space<hbm>>) target(%dma_start3A_202 : memref<400x64xf32, #tpu.memory_space<vmem_shared>>) target_semaphore(%arg16 : memref<!tpu.dma_semaphore, #tpu.memory_space<semaphore_mem>>)
      %dma_start3A_206 = arith.constant 0 : i32
      %dma_start3A_207 = tpu.memref_slice %arg8[%mul3A_2, %dma_start3A_206] : memref<10240x64xf32, #tpu.memory_space<vmem_shared>> -> memref<640x64xf32, #tpu.memory_space<vmem_shared>>
      tpu.enqueue_dma source(%arg4 : memref<640x64xf32, #tpu.memory_space<hbm>>) target(%dma_start3A_207 : memref<640x64xf32, #tpu.memory_space<vmem_shared>>) target_semaphore(%arg12 : memref<!tpu.dma_semaphore, #tpu.memory_space<semaphore_mem>>)
      %dma_wait3A_208 = arith.constant 9600 : i32
      %dma_wait3A_209 = arith.constant 0 : i32
      %dma_wait3A_210 = tpu.memref_slice %arg7[%dma_wait3A_208, %dma_wait3A_209] : memref<10240x64xf32, #tpu.memory_space<vmem_shared>> -> memref<400x64xf32, #tpu.memory_space<vmem_shared>>
      %dma_wait3A_211 = arith.constant 9600 : i32
      %dma_wait3A_212 = arith.constant 0 : i32
      %dma_wait3A_213 = tpu.memref_slice %arg2[%dma_wait3A_211, %dma_wait3A_212] : memref<10000x64xf32, #tpu.memory_space<hbm>> -> memref<400x64xf32, #tpu.memory_space<hbm>>
      tpu.wait_dma2 semaphore(%arg16 : memref<!tpu.dma_semaphore, #tpu.memory_space<semaphore_mem>>) src(%dma_wait3A_213 : memref<400x64xf32, #tpu.memory_space<hbm>>) dst(%dma_wait3A_210 : memref<400x64xf32, #tpu.memory_space<vmem_shared>>)
      %dma_wait3A_214 = arith.constant 0 : i32
      %dma_wait3A_215 = tpu.memref_slice %arg8[%mul3A_2, %dma_wait3A_214] : memref<10240x64xf32, #tpu.memory_space<vmem_shared>> -> memref<640x64xf32, #tpu.memory_space<vmem_shared>>
      tpu.wait_dma2 semaphore(%arg12 : memref<!tpu.dma_semaphore, #tpu.memory_space<semaphore_mem>>) src(%arg4 : memref<640x64xf32, #tpu.memory_space<hbm>>) dst(%dma_wait3A_215 : memref<640x64xf32, #tpu.memory_space<vmem_shared>>)
    } else {
    }
    %lt3A_9 = arith.constant 4 : i32
    %lt3A_10 = arith.cmpi slt, %add3A, %lt3A_9 : i32
    %convert_element_type3A_11 = arith.extui %lt3A_10 : i1 to i32
    %cond3A_12 = arith.constant 0 : i32
    %cond3A_13 = arith.cmpi ne, %convert_element_type3A_11, %cond3A_12 : i32
    scf.if %cond3A_13 {
      %add3A_200 = arith.constant 2496 : i32
      %add3A_201 = arith.addi %add3A_200, %add3A : i32
      %run_scoped3A_202 = arith.constant 0 : i32
      %run_scoped3A_203 = arith.constant 0 : i32
      "tpu.region"() ({
        %run_scoped3A_208 = tpu.sem_alloc : memref<!tpu.dma_semaphore, #tpu.memory_space<semaphore_mem>>
        %dma_start3A_209 = arith.constant 0 : i32
        %dma_start3A_210 = arith.constant 0 : i32
        %dma_start3A_211 = tpu.memref_slice %arg10[%run_scoped3A_203, %dma_start3A_209, %dma_start3A_210] : memref<2x1x128xi32, #tpu.memory_space<vmem>> -> memref<1x1x128xi32, #tpu.memory_space<vmem>>
        %dma_start3A_212 = tpu.memref_squeeze %dma_start3A_211 : memref<1x1x128xi32, #tpu.memory_space<vmem>> -> memref<1x128xi32, #tpu.memory_space<vmem>>
        %dma_start3A_213 = arith.constant 0 : i32
        %dma_start3A_214 = tpu.memref_slice %arg3[%run_scoped3A_202, %add3A_201, %dma_start3A_213] : memref<2x2500x128xi32, #tpu.memory_space<hbm>> -> memref<1x1x128xi32, #tpu.memory_space<hbm>>
        %dma_start3A_215 = tpu.memref_squeeze %dma_start3A_214 : memref<1x1x128xi32, #tpu.memory_space<hbm>> -> memref<1x128xi32, #tpu.memory_space<hbm>>
        %dma_start3A_216 = arith.constant 0 : i32
        %dma_start3A_217 = arith.constant 0 : i32
        %dma_start3A_218 = tpu.memref_slice %arg10[%run_scoped3A_203, %dma_start3A_216, %dma_start3A_217] : memref<2x1x128xi32, #tpu.memory_space<vmem>> -> memref<1x1x128xi32, #tpu.memory_space<vmem>>
        %dma_start3A_219 = tpu.memref_squeeze %dma_start3A_218 : memref<1x1x128xi32, #tpu.memory_space<vmem>> -> memref<1x128xi32, #tpu.memory_space<vmem>>
        %dma_start3A_220 = arith.constant 0 : i32
        %dma_start3A_221 = tpu.memref_slice %arg3[%run_scoped3A_202, %add3A_201, %dma_start3A_220] : memref<2x2500x128xi32, #tpu.memory_space<hbm>> -> memref<1x1x128xi32, #tpu.memory_space<hbm>>
        %dma_start3A_222 = tpu.memref_squeeze %dma_start3A_221 : memref<1x1x128xi32, #tpu.memory_space<hbm>> -> memref<1x128xi32, #tpu.memory_space<hbm>>
        tpu.enqueue_dma source(%dma_start3A_222 : memref<1x128xi32, #tpu.memory_space<hbm>>) target(%dma_start3A_219 : memref<1x128xi32, #tpu.memory_space<vmem>>) target_semaphore(%run_scoped3A_208 : memref<!tpu.dma_semaphore, #tpu.memory_space<semaphore_mem>>)
        %dma_wait3A_223 = arith.constant 0 : i32
        %dma_wait3A_224 = arith.constant 0 : i32
        %dma_wait3A_225 = tpu.memref_slice %arg10[%run_scoped3A_203, %dma_wait3A_223, %dma_wait3A_224] : memref<2x1x128xi32, #tpu.memory_space<vmem>> -> memref<1x1x128xi32, #tpu.memory_space<vmem>>
        %dma_wait3A_226 = tpu.memref_squeeze %dma_wait3A_225 : memref<1x1x128xi32, #tpu.memory_space<vmem>> -> memref<1x128xi32, #tpu.memory_space<vmem>>
        %dma_wait3A_227 = arith.constant 0 : i32
        %dma_wait3A_228 = tpu.memref_slice %arg3[%run_scoped3A_202, %add3A_201, %dma_wait3A_227] : memref<2x2500x128xi32, #tpu.memory_space<hbm>> -> memref<1x1x128xi32, #tpu.memory_space<hbm>>
        %dma_wait3A_229 = tpu.memref_squeeze %dma_wait3A_228 : memref<1x1x128xi32, #tpu.memory_space<hbm>> -> memref<1x128xi32, #tpu.memory_space<hbm>>
        %dma_wait3A_230 = arith.constant 0 : i32
        %dma_wait3A_231 = arith.constant 0 : i32
        %dma_wait3A_232 = tpu.memref_slice %arg10[%run_scoped3A_203, %dma_wait3A_230, %dma_wait3A_231] : memref<2x1x128xi32, #tpu.memory_space<vmem>> -> memref<1x1x128xi32, #tpu.memory_space<vmem>>
        %dma_wait3A_233 = tpu.memref_squeeze %dma_wait3A_232 : memref<1x1x128xi32, #tpu.memory_space<vmem>> -> memref<1x128xi32, #tpu.memory_space<vmem>>
        %dma_wait3A_234 = arith.constant 0 : i32
        %dma_wait3A_235 = tpu.memref_slice %arg3[%run_scoped3A_202, %add3A_201, %dma_wait3A_234] : memref<2x2500x128xi32, #tpu.memory_space<hbm>> -> memref<1x1x128xi32, #tpu.memory_space<hbm>>
        %dma_wait3A_236 = tpu.memref_squeeze %dma_wait3A_235 : memref<1x1x128xi32, #tpu.memory_space<hbm>> -> memref<1x128xi32, #tpu.memory_space<hbm>>
        tpu.wait_dma2 semaphore(%run_scoped3A_208 : memref<!tpu.dma_semaphore, #tpu.memory_space<semaphore_mem>>) src(%dma_wait3A_236 : memref<1x128xi32, #tpu.memory_space<hbm>>) dst(%dma_wait3A_233 : memref<1x128xi32, #tpu.memory_space<vmem>>)
        tpu.yield
      }) : () -> ()
      %add3A_204 = arith.constant 2496 : i32
      %add3A_205 = arith.addi %add3A_204, %add3A : i32
      %run_scoped3A_206 = arith.constant 1 : i32
      %run_scoped3A_207 = arith.constant 1 : i32
      "tpu.region"() ({
        %run_scoped3A_208 = tpu.sem_alloc : memref<!tpu.dma_semaphore, #tpu.memory_space<semaphore_mem>>
        %dma_start3A_209 = arith.constant 0 : i32
        %dma_start3A_210 = arith.constant 0 : i32
        %dma_start3A_211 = tpu.memref_slice %arg10[%run_scoped3A_207, %dma_start3A_209, %dma_start3A_210] : memref<2x1x128xi32, #tpu.memory_space<vmem>> -> memref<1x1x128xi32, #tpu.memory_space<vmem>>
        %dma_start3A_212 = tpu.memref_squeeze %dma_start3A_211 : memref<1x1x128xi32, #tpu.memory_space<vmem>> -> memref<1x128xi32, #tpu.memory_space<vmem>>
        %dma_start3A_213 = arith.constant 0 : i32
        %dma_start3A_214 = tpu.memref_slice %arg3[%run_scoped3A_206, %add3A_205, %dma_start3A_213] : memref<2x2500x128xi32, #tpu.memory_space<hbm>> -> memref<1x1x128xi32, #tpu.memory_space<hbm>>
        %dma_start3A_215 = tpu.memref_squeeze %dma_start3A_214 : memref<1x1x128xi32, #tpu.memory_space<hbm>> -> memref<1x128xi32, #tpu.memory_space<hbm>>
        %dma_start3A_216 = arith.constant 0 : i32
        %dma_start3A_217 = arith.constant 0 : i32
        %dma_start3A_218 = tpu.memref_slice %arg10[%run_scoped3A_207, %dma_start3A_216, %dma_start3A_217] : memref<2x1x128xi32, #tpu.memory_space<vmem>> -> memref<1x1x128xi32, #tpu.memory_space<vmem>>
        %dma_start3A_219 = tpu.memref_squeeze %dma_start3A_218 : memref<1x1x128xi32, #tpu.memory_space<vmem>> -> memref<1x128xi32, #tpu.memory_space<vmem>>
        %dma_start3A_220 = arith.constant 0 : i32
        %dma_start3A_221 = tpu.memref_slice %arg3[%run_scoped3A_206, %add3A_205, %dma_start3A_220] : memref<2x2500x128xi32, #tpu.memory_space<hbm>> -> memref<1x1x128xi32, #tpu.memory_space<hbm>>
        %dma_start3A_222 = tpu.memref_squeeze %dma_start3A_221 : memref<1x1x128xi32, #tpu.memory_space<hbm>> -> memref<1x128xi32, #tpu.memory_space<hbm>>
        tpu.enqueue_dma source(%dma_start3A_222 : memref<1x128xi32, #tpu.memory_space<hbm>>) target(%dma_start3A_219 : memref<1x128xi32, #tpu.memory_space<vmem>>) target_semaphore(%run_scoped3A_208 : memref<!tpu.dma_semaphore, #tpu.memory_space<semaphore_mem>>)
        %dma_wait3A_223 = arith.constant 0 : i32
        %dma_wait3A_224 = arith.constant 0 : i32
        %dma_wait3A_225 = tpu.memref_slice %arg10[%run_scoped3A_207, %dma_wait3A_223, %dma_wait3A_224] : memref<2x1x128xi32, #tpu.memory_space<vmem>> -> memref<1x1x128xi32, #tpu.memory_space<vmem>>
        %dma_wait3A_226 = tpu.memref_squeeze %dma_wait3A_225 : memref<1x1x128xi32, #tpu.memory_space<vmem>> -> memref<1x128xi32, #tpu.memory_space<vmem>>
        %dma_wait3A_227 = arith.constant 0 : i32
        %dma_wait3A_228 = tpu.memref_slice %arg3[%run_scoped3A_206, %add3A_205, %dma_wait3A_227] : memref<2x2500x128xi32, #tpu.memory_space<hbm>> -> memref<1x1x128xi32, #tpu.memory_space<hbm>>
        %dma_wait3A_229 = tpu.memref_squeeze %dma_wait3A_228 : memref<1x1x128xi32, #tpu.memory_space<hbm>> -> memref<1x128xi32, #tpu.memory_space<hbm>>
        %dma_wait3A_230 = arith.constant 0 : i32
        %dma_wait3A_231 = arith.constant 0 : i32
        %dma_wait3A_232 = tpu.memref_slice %arg10[%run_scoped3A_207, %dma_wait3A_230, %dma_wait3A_231] : memref<2x1x128xi32, #tpu.memory_space<vmem>> -> memref<1x1x128xi32, #tpu.memory_space<vmem>>
        %dma_wait3A_233 = tpu.memref_squeeze %dma_wait3A_232 : memref<1x1x128xi32, #tpu.memory_space<vmem>> -> memref<1x128xi32, #tpu.memory_space<vmem>>
        %dma_wait3A_234 = arith.constant 0 : i32
        %dma_wait3A_235 = tpu.memref_slice %arg3[%run_scoped3A_206, %add3A_205, %dma_wait3A_234] : memref<2x2500x128xi32, #tpu.memory_space<hbm>> -> memref<1x1x128xi32, #tpu.memory_space<hbm>>
        %dma_wait3A_236 = tpu.memref_squeeze %dma_wait3A_235 : memref<1x1x128xi32, #tpu.memory_space<hbm>> -> memref<1x128xi32, #tpu.memory_space<hbm>>
        tpu.wait_dma2 semaphore(%run_scoped3A_208 : memref<!tpu.dma_semaphore, #tpu.memory_space<semaphore_mem>>) src(%dma_wait3A_236 : memref<1x128xi32, #tpu.memory_space<hbm>>) dst(%dma_wait3A_233 : memref<1x128xi32, #tpu.memory_space<vmem>>)
        tpu.yield
      }) : () -> ()
    } else {
    }
    %mul3A_14 = arith.constant 78 : i32
    %mul3A_15 = arith.muli %add3A, %mul3A_14 : i32
    %add3A_16 = arith.constant 0 : i32
    %add3A_17 = arith.addi %mul3A_15, %add3A_16 : i32
    %dma_start3A = arith.constant 0 : i32
    %dma_start3A_18 = arith.constant 0 : i32
    %dma_start3A_19 = arith.constant 0 : i32
    %dma_start3A_20 = arith.constant 0 : i32
    %dma_start3A_21 = arith.constant 0 : i32
    %dma_start3A_22 = tpu.memref_slice %arg9[%dma_start3A_18, %dma_start3A_19, %dma_start3A_20, %dma_start3A_21] : memref<2x2x4x128xi32, #tpu.memory_space<vmem>> -> memref<1x1x4x128xi32, #tpu.memory_space<vmem>>
    %dma_start3A_23 = tpu.memref_squeeze %dma_start3A_22 : memref<1x1x4x128xi32, #tpu.memory_space<vmem>> -> memref<4x128xi32, #tpu.memory_space<vmem>>
    %dma_start3A_24 = arith.constant 0 : i32
    %dma_start3A_25 = tpu.memref_slice %arg3[%dma_start3A, %add3A_17, %dma_start3A_24] : memref<2x2500x128xi32, #tpu.memory_space<hbm>> -> memref<1x4x128xi32, #tpu.memory_space<hbm>>
    %dma_start3A_26 = tpu.memref_squeeze %dma_start3A_25 : memref<1x4x128xi32, #tpu.memory_space<hbm>> -> memref<4x128xi32, #tpu.memory_space<hbm>>
    %dma_start3A_27 = arith.constant 0 : i32
    %dma_start3A_28 = arith.constant 0 : i32
    %dma_start3A_29 = tpu.memref_slice %arg9[%dma_start3A_18, %dma_start3A_19, %dma_start3A_27, %dma_start3A_28] : memref<2x2x4x128xi32, #tpu.memory_space<vmem>> -> memref<1x1x4x128xi32, #tpu.memory_space<vmem>>
    %dma_start3A_30 = tpu.memref_squeeze %dma_start3A_29 : memref<1x1x4x128xi32, #tpu.memory_space<vmem>> -> memref<4x128xi32, #tpu.memory_space<vmem>>
    %dma_start3A_31 = arith.constant 0 : i32
    %dma_start3A_32 = tpu.memref_slice %arg3[%dma_start3A, %add3A_17, %dma_start3A_31] : memref<2x2500x128xi32, #tpu.memory_space<hbm>> -> memref<1x4x128xi32, #tpu.memory_space<hbm>>
    %dma_start3A_33 = tpu.memref_squeeze %dma_start3A_32 : memref<1x4x128xi32, #tpu.memory_space<hbm>> -> memref<4x128xi32, #tpu.memory_space<hbm>>
    tpu.enqueue_dma source(%dma_start3A_33 : memref<4x128xi32, #tpu.memory_space<hbm>>) target(%dma_start3A_30 : memref<4x128xi32, #tpu.memory_space<vmem>>) target_semaphore(%arg16 : memref<!tpu.dma_semaphore, #tpu.memory_space<semaphore_mem>>)
    %dma_start3A_34 = arith.constant 1 : i32
    %dma_start3A_35 = arith.constant 0 : i32
    %dma_start3A_36 = arith.constant 1 : i32
    %dma_start3A_37 = arith.constant 0 : i32
    %dma_start3A_38 = arith.constant 0 : i32
    %dma_start3A_39 = tpu.memref_slice %arg9[%dma_start3A_35, %dma_start3A_36, %dma_start3A_37, %dma_start3A_38] : memref<2x2x4x128xi32, #tpu.memory_space<vmem>> -> memref<1x1x4x128xi32, #tpu.memory_space<vmem>>
    %dma_start3A_40 = tpu.memref_squeeze %dma_start3A_39 : memref<1x1x4x128xi32, #tpu.memory_space<vmem>> -> memref<4x128xi32, #tpu.memory_space<vmem>>
    %dma_start3A_41 = arith.constant 0 : i32
    %dma_start3A_42 = tpu.memref_slice %arg3[%dma_start3A_34, %add3A_17, %dma_start3A_41] : memref<2x2500x128xi32, #tpu.memory_space<hbm>> -> memref<1x4x128xi32, #tpu.memory_space<hbm>>
    %dma_start3A_43 = tpu.memref_squeeze %dma_start3A_42 : memref<1x4x128xi32, #tpu.memory_space<hbm>> -> memref<4x128xi32, #tpu.memory_space<hbm>>
    %dma_start3A_44 = arith.constant 0 : i32
    %dma_start3A_45 = arith.constant 0 : i32
    %dma_start3A_46 = tpu.memref_slice %arg9[%dma_start3A_35, %dma_start3A_36, %dma_start3A_44, %dma_start3A_45] : memref<2x2x4x128xi32, #tpu.memory_space<vmem>> -> memref<1x1x4x128xi32, #tpu.memory_space<vmem>>
    %dma_start3A_47 = tpu.memref_squeeze %dma_start3A_46 : memref<1x1x4x128xi32, #tpu.memory_space<vmem>> -> memref<4x128xi32, #tpu.memory_space<vmem>>
    %dma_start3A_48 = arith.constant 0 : i32
    %dma_start3A_49 = tpu.memref_slice %arg3[%dma_start3A_34, %add3A_17, %dma_start3A_48] : memref<2x2500x128xi32, #tpu.memory_space<hbm>> -> memref<1x4x128xi32, #tpu.memory_space<hbm>>
    %dma_start3A_50 = tpu.memref_squeeze %dma_start3A_49 : memref<1x4x128xi32, #tpu.memory_space<hbm>> -> memref<4x128xi32, #tpu.memory_space<hbm>>
    tpu.enqueue_dma source(%dma_start3A_50 : memref<4x128xi32, #tpu.memory_space<hbm>>) target(%dma_start3A_47 : memref<4x128xi32, #tpu.memory_space<vmem>>) target_semaphore(%arg16 : memref<!tpu.dma_semaphore, #tpu.memory_space<semaphore_mem>>)
    %barrier3A = arith.constant 0 : index
    tpu.barrier barrier_id(%barrier3A)
    %scan3A = arith.constant 0 : i32
    %scan3A_51 = arith.constant 0 : i32
    %scan3A_52 = arith.constant 19 : i32
    %scan3A_53 = arith.addi %scan3A_51, %scan3A_52 : i32
    %scan3A_54 = arith.constant 1 : i32
    scf.for %scan3A_200 = %scan3A_51 to %scan3A_53 step %scan3A_54  : i32 {
      %rem3A = arith.constant 2 : i32
      %rem3A_201 = arith.remsi %scan3A_200, %rem3A : i32
      %dma_wait3A_202 = arith.constant 0 : i32
      %dma_wait3A_203 = arith.constant 0 : i32
      %dma_wait3A_204 = arith.constant 0 : i32
      %dma_wait3A_205 = arith.constant 0 : i32
      %dma_wait3A_206 = tpu.memref_slice %arg9[%rem3A_201, %dma_wait3A_203, %dma_wait3A_204, %dma_wait3A_205] : memref<2x2x4x128xi32, #tpu.memory_space<vmem>> -> memref<1x1x4x128xi32, #tpu.memory_space<vmem>>
      %dma_wait3A_207 = tpu.memref_squeeze %dma_wait3A_206 : memref<1x1x4x128xi32, #tpu.memory_space<vmem>> -> memref<4x128xi32, #tpu.memory_space<vmem>>
      %dma_wait3A_208 = arith.constant 0 : i32
      %dma_wait3A_209 = arith.constant 0 : i32
      %dma_wait3A_210 = tpu.memref_slice %arg3[%dma_wait3A_202, %dma_wait3A_208, %dma_wait3A_209] : memref<2x2500x128xi32, #tpu.memory_space<hbm>> -> memref<1x4x128xi32, #tpu.memory_space<hbm>>
      %dma_wait3A_211 = tpu.memref_squeeze %dma_wait3A_210 : memref<1x4x128xi32, #tpu.memory_space<hbm>> -> memref<4x128xi32, #tpu.memory_space<hbm>>
      %dma_wait3A_212 = arith.constant 0 : i32
      %dma_wait3A_213 = arith.constant 0 : i32
      %dma_wait3A_214 = tpu.memref_slice %arg9[%rem3A_201, %dma_wait3A_203, %dma_wait3A_212, %dma_wait3A_213] : memref<2x2x4x128xi32, #tpu.memory_space<vmem>> -> memref<1x1x4x128xi32, #tpu.memory_space<vmem>>
      %dma_wait3A_215 = tpu.memref_squeeze %dma_wait3A_214 : memref<1x1x4x128xi32, #tpu.memory_space<vmem>> -> memref<4x128xi32, #tpu.memory_space<vmem>>
      %dma_wait3A_216 = arith.constant 0 : i32
      %dma_wait3A_217 = arith.constant 0 : i32
      %dma_wait3A_218 = tpu.memref_slice %arg3[%dma_wait3A_202, %dma_wait3A_216, %dma_wait3A_217] : memref<2x2500x128xi32, #tpu.memory_space<hbm>> -> memref<1x4x128xi32, #tpu.memory_space<hbm>>
      %dma_wait3A_219 = tpu.memref_squeeze %dma_wait3A_218 : memref<1x4x128xi32, #tpu.memory_space<hbm>> -> memref<4x128xi32, #tpu.memory_space<hbm>>
      tpu.wait_dma2 semaphore(%arg16 : memref<!tpu.dma_semaphore, #tpu.memory_space<semaphore_mem>>) src(%dma_wait3A_219 : memref<4x128xi32, #tpu.memory_space<hbm>>) dst(%dma_wait3A_215 : memref<4x128xi32, #tpu.memory_space<vmem>>)
      %dma_wait3A_220 = arith.constant 0 : i32
      %dma_wait3A_221 = arith.constant 1 : i32
      %dma_wait3A_222 = arith.constant 0 : i32
      %dma_wait3A_223 = arith.constant 0 : i32
      %dma_wait3A_224 = tpu.memref_slice %arg9[%rem3A_201, %dma_wait3A_221, %dma_wait3A_222, %dma_wait3A_223] : memref<2x2x4x128xi32, #tpu.memory_space<vmem>> -> memref<1x1x4x128xi32, #tpu.memory_space<vmem>>
      %dma_wait3A_225 = tpu.memref_squeeze %dma_wait3A_224 : memref<1x1x4x128xi32, #tpu.memory_space<vmem>> -> memref<4x128xi32, #tpu.memory_space<vmem>>
      %dma_wait3A_226 = arith.constant 0 : i32
      %dma_wait3A_227 = arith.constant 0 : i32
      %dma_wait3A_228 = tpu.memref_slice %arg3[%dma_wait3A_220, %dma_wait3A_226, %dma_wait3A_227] : memref<2x2500x128xi32, #tpu.memory_space<hbm>> -> memref<1x4x128xi32, #tpu.memory_space<hbm>>
      %dma_wait3A_229 = tpu.memref_squeeze %dma_wait3A_228 : memref<1x4x128xi32, #tpu.memory_space<hbm>> -> memref<4x128xi32, #tpu.memory_space<hbm>>
      %dma_wait3A_230 = arith.constant 0 : i32
      %dma_wait3A_231 = arith.constant 0 : i32
      %dma_wait3A_232 = tpu.memref_slice %arg9[%rem3A_201, %dma_wait3A_221, %dma_wait3A_230, %dma_wait3A_231] : memref<2x2x4x128xi32, #tpu.memory_space<vmem>> -> memref<1x1x4x128xi32, #tpu.memory_space<vmem>>
      %dma_wait3A_233 = tpu.memref_squeeze %dma_wait3A_232 : memref<1x1x4x128xi32, #tpu.memory_space<vmem>> -> memref<4x128xi32, #tpu.memory_space<vmem>>
      %dma_wait3A_234 = arith.constant 0 : i32
      %dma_wait3A_235 = arith.constant 0 : i32
      %dma_wait3A_236 = tpu.memref_slice %arg3[%dma_wait3A_220, %dma_wait3A_234, %dma_wait3A_235] : memref<2x2500x128xi32, #tpu.memory_space<hbm>> -> memref<1x4x128xi32, #tpu.memory_space<hbm>>
      %dma_wait3A_237 = tpu.memref_squeeze %dma_wait3A_236 : memref<1x4x128xi32, #tpu.memory_space<hbm>> -> memref<4x128xi32, #tpu.memory_space<hbm>>
      tpu.wait_dma2 semaphore(%arg16 : memref<!tpu.dma_semaphore, #tpu.memory_space<semaphore_mem>>) src(%dma_wait3A_237 : memref<4x128xi32, #tpu.memory_space<hbm>>) dst(%dma_wait3A_233 : memref<4x128xi32, #tpu.memory_space<vmem>>)
      %add3A_238 = arith.constant 1 : i32
      %add3A_239 = arith.addi %scan3A_200, %add3A_238 : i32
      %lt3A_240 = arith.constant 19 : i32
      %lt3A_241 = arith.cmpi slt, %add3A_239, %lt3A_240 : i32
      %convert_element_type3A_242 = arith.extui %lt3A_241 : i1 to i32
      %cond3A_243 = arith.constant 0 : i32
      %cond3A_244 = arith.cmpi ne, %convert_element_type3A_242, %cond3A_243 : i32
      scf.if %cond3A_244 {
        %add3A_469 = arith.constant 1 : i32
        %add3A_470 = arith.addi %scan3A_200, %add3A_469 : i32
        %sub3A = arith.constant 1 : i32
        %sub3A_471 = arith.subi %sub3A, %rem3A_201 : i32
        %mul3A_472 = arith.constant 78 : i32
        %mul3A_473 = arith.muli %add3A, %mul3A_472 : i32
        %mul3A_474 = arith.constant 4 : i32
        %mul3A_475 = arith.muli %mul3A_474, %add3A_470 : i32
        %add3A_476 = arith.addi %mul3A_473, %mul3A_475 : i32
        %dma_start3A_477 = arith.constant 0 : i32
        %dma_start3A_478 = arith.constant 0 : i32
        %dma_start3A_479 = arith.constant 0 : i32
        %dma_start3A_480 = arith.constant 0 : i32
        %dma_start3A_481 = tpu.memref_slice %arg9[%sub3A_471, %dma_start3A_478, %dma_start3A_479, %dma_start3A_480] : memref<2x2x4x128xi32, #tpu.memory_space<vmem>> -> memref<1x1x4x128xi32, #tpu.memory_space<vmem>>
        %dma_start3A_482 = tpu.memref_squeeze %dma_start3A_481 : memref<1x1x4x128xi32, #tpu.memory_space<vmem>> -> memref<4x128xi32, #tpu.memory_space<vmem>>
        %dma_start3A_483 = arith.constant 0 : i32
        %dma_start3A_484 = tpu.memref_slice %arg3[%dma_start3A_477, %add3A_476, %dma_start3A_483] : memref<2x2500x128xi32, #tpu.memory_space<hbm>> -> memref<1x4x128xi32, #tpu.memory_space<hbm>>
        %dma_start3A_485 = tpu.memref_squeeze %dma_start3A_484 : memref<1x4x128xi32, #tpu.memory_space<hbm>> -> memref<4x128xi32, #tpu.memory_space<hbm>>
        %dma_start3A_486 = arith.constant 0 : i32
        %dma_start3A_487 = arith.constant 0 : i32
        %dma_start3A_488 = tpu.memref_slice %arg9[%sub3A_471, %dma_start3A_478, %dma_start3A_486, %dma_start3A_487] : memref<2x2x4x128xi32, #tpu.memory_space<vmem>> -> memref<1x1x4x128xi32, #tpu.memory_space<vmem>>
        %dma_start3A_489 = tpu.memref_squeeze %dma_start3A_488 : memref<1x1x4x128xi32, #tpu.memory_space<vmem>> -> memref<4x128xi32, #tpu.memory_space<vmem>>
        %dma_start3A_490 = arith.constant 0 : i32
        %dma_start3A_491 = tpu.memref_slice %arg3[%dma_start3A_477, %add3A_476, %dma_start3A_490] : memref<2x2500x128xi32, #tpu.memory_space<hbm>> -> memref<1x4x128xi32, #tpu.memory_space<hbm>>
        %dma_start3A_492 = tpu.memref_squeeze %dma_start3A_491 : memref<1x4x128xi32, #tpu.memory_space<hbm>> -> memref<4x128xi32, #tpu.memory_space<hbm>>
        tpu.enqueue_dma source(%dma_start3A_492 : memref<4x128xi32, #tpu.memory_space<hbm>>) target(%dma_start3A_489 : memref<4x128xi32, #tpu.memory_space<vmem>>) target_semaphore(%arg16 : memref<!tpu.dma_semaphore, #tpu.memory_space<semaphore_mem>>)
        %dma_start3A_493 = arith.constant 1 : i32
        %dma_start3A_494 = arith.constant 1 : i32
        %dma_start3A_495 = arith.constant 0 : i32
        %dma_start3A_496 = arith.constant 0 : i32
        %dma_start3A_497 = tpu.memref_slice %arg9[%sub3A_471, %dma_start3A_494, %dma_start3A_495, %dma_start3A_496] : memref<2x2x4x128xi32, #tpu.memory_space<vmem>> -> memref<1x1x4x128xi32, #tpu.memory_space<vmem>>
        %dma_start3A_498 = tpu.memref_squeeze %dma_start3A_497 : memref<1x1x4x128xi32, #tpu.memory_space<vmem>> -> memref<4x128xi32, #tpu.memory_space<vmem>>
        %dma_start3A_499 = arith.constant 0 : i32
        %dma_start3A_500 = tpu.memref_slice %arg3[%dma_start3A_493, %add3A_476, %dma_start3A_499] : memref<2x2500x128xi32, #tpu.memory_space<hbm>> -> memref<1x4x128xi32, #tpu.memory_space<hbm>>
        %dma_start3A_501 = tpu.memref_squeeze %dma_start3A_500 : memref<1x4x128xi32, #tpu.memory_space<hbm>> -> memref<4x128xi32, #tpu.memory_space<hbm>>
        %dma_start3A_502 = arith.constant 0 : i32
        %dma_start3A_503 = arith.constant 0 : i32
        %dma_start3A_504 = tpu.memref_slice %arg9[%sub3A_471, %dma_start3A_494, %dma_start3A_502, %dma_start3A_503] : memref<2x2x4x128xi32, #tpu.memory_space<vmem>> -> memref<1x1x4x128xi32, #tpu.memory_space<vmem>>
        %dma_start3A_505 = tpu.memref_squeeze %dma_start3A_504 : memref<1x1x4x128xi32, #tpu.memory_space<vmem>> -> memref<4x128xi32, #tpu.memory_space<vmem>>
        %dma_start3A_506 = arith.constant 0 : i32
        %dma_start3A_507 = tpu.memref_slice %arg3[%dma_start3A_493, %add3A_476, %dma_start3A_506] : memref<2x2500x128xi32, #tpu.memory_space<hbm>> -> memref<1x4x128xi32, #tpu.memory_space<hbm>>
        %dma_start3A_508 = tpu.memref_squeeze %dma_start3A_507 : memref<1x4x128xi32, #tpu.memory_space<hbm>> -> memref<4x128xi32, #tpu.memory_space<hbm>>
        tpu.enqueue_dma source(%dma_start3A_508 : memref<4x128xi32, #tpu.memory_space<hbm>>) target(%dma_start3A_505 : memref<4x128xi32, #tpu.memory_space<vmem>>) target_semaphore(%arg16 : memref<!tpu.dma_semaphore, #tpu.memory_space<semaphore_mem>>)
      } else {
      }
      %dma_start3A_245 = arith.constant 0 : i32
      %dma_start3A_246 = arith.constant 0 : i32
      %dma_start3A_247 = arith.constant 0 : i32
      %dma_start3A_248 = arith.constant 0 : i32
      %dma_start3A_249 = arith.constant 0 : i32
      %dma_start3A_250 = arith.constant 0 : i32
      %dma_start3A_251 = tpu.memref_slice %arg11[%dma_start3A_247, %dma_start3A_248, %dma_start3A_249, %dma_start3A_250] : memref<2x2x128x64xf32, #tpu.memory_space<vmem>> -> memref<1x1x128x64xf32, #tpu.memory_space<vmem>>
      %dma_start3A_252 = tpu.memref_squeeze %dma_start3A_251 : memref<1x1x128x64xf32, #tpu.memory_space<vmem>> -> memref<128x64xf32, #tpu.memory_space<vmem>>
      %dma_start3A_253 = arith.constant 0 : i32
      %dma_start3A_254 = tpu.memref_slice %arg9[%rem3A_201, %dma_start3A_245, %dma_start3A_246, %dma_start3A_253] : memref<2x2x4x128xi32, #tpu.memory_space<vmem>> -> memref<1x1x1x128xi32, #tpu.memory_space<vmem>>
      %dma_start3A_255 = tpu.memref_squeeze %dma_start3A_254 : memref<1x1x1x128xi32, #tpu.memory_space<vmem>> -> memref<128xi32, #tpu.memory_space<vmem>>
      %dma_start3A_256 = arith.constant 0 : i32
      %dma_start3A_257 = arith.constant 0 : i32
      %dma_start3A_258 = tpu.memref_slice %arg7[%dma_start3A_256, %dma_start3A_257] : memref<10240x64xf32, #tpu.memory_space<vmem_shared>> -> memref<10240x64xf32, #tpu.memory_space<vmem_shared>>
      tpu.enqueue_indirect_dma source(%dma_start3A_258 : memref<10240x64xf32, #tpu.memory_space<vmem_shared>>) target(%dma_start3A_252 : memref<128x64xf32, #tpu.memory_space<vmem>>) offsets(%dma_start3A_255 : memref<128xi32, #tpu.memory_space<vmem>>) semaphore(%arg12 : memref<!tpu.dma_semaphore, #tpu.memory_space<semaphore_mem>>)
      %dma_start3A_259 = arith.constant 0 : i32
      %dma_start3A_260 = arith.constant 1 : i32
      %dma_start3A_261 = arith.constant 0 : i32
      %dma_start3A_262 = arith.constant 1 : i32
      %dma_start3A_263 = arith.constant 0 : i32
      %dma_start3A_264 = arith.constant 0 : i32
      %dma_start3A_265 = tpu.memref_slice %arg11[%dma_start3A_261, %dma_start3A_262, %dma_start3A_263, %dma_start3A_264] : memref<2x2x128x64xf32, #tpu.memory_space<vmem>> -> memref<1x1x128x64xf32, #tpu.memory_space<vmem>>
      %dma_start3A_266 = tpu.memref_squeeze %dma_start3A_265 : memref<1x1x128x64xf32, #tpu.memory_space<vmem>> -> memref<128x64xf32, #tpu.memory_space<vmem>>
      %dma_start3A_267 = arith.constant 0 : i32
      %dma_start3A_268 = tpu.memref_slice %arg9[%rem3A_201, %dma_start3A_259, %dma_start3A_260, %dma_start3A_267] : memref<2x2x4x128xi32, #tpu.memory_space<vmem>> -> memref<1x1x1x128xi32, #tpu.memory_space<vmem>>
      %dma_start3A_269 = tpu.memref_squeeze %dma_start3A_268 : memref<1x1x1x128xi32, #tpu.memory_space<vmem>> -> memref<128xi32, #tpu.memory_space<vmem>>
      %dma_start3A_270 = arith.constant 0 : i32
      %dma_start3A_271 = arith.constant 0 : i32
      %dma_start3A_272 = tpu.memref_slice %arg7[%dma_start3A_270, %dma_start3A_271] : memref<10240x64xf32, #tpu.memory_space<vmem_shared>> -> memref<10240x64xf32, #tpu.memory_space<vmem_shared>>
      tpu.enqueue_indirect_dma source(%dma_start3A_272 : memref<10240x64xf32, #tpu.memory_space<vmem_shared>>) target(%dma_start3A_266 : memref<128x64xf32, #tpu.memory_space<vmem>>) offsets(%dma_start3A_269 : memref<128xi32, #tpu.memory_space<vmem>>) semaphore(%arg12 : memref<!tpu.dma_semaphore, #tpu.memory_space<semaphore_mem>>)
      %dma_start3A_273 = arith.constant 0 : i32
      %dma_start3A_274 = arith.constant 2 : i32
      %dma_start3A_275 = arith.constant 1 : i32
      %dma_start3A_276 = arith.constant 0 : i32
      %dma_start3A_277 = arith.constant 0 : i32
      %dma_start3A_278 = arith.constant 0 : i32
      %dma_start3A_279 = tpu.memref_slice %arg11[%dma_start3A_275, %dma_start3A_276, %dma_start3A_277, %dma_start3A_278] : memref<2x2x128x64xf32, #tpu.memory_space<vmem>> -> memref<1x1x128x64xf32, #tpu.memory_space<vmem>>
      %dma_start3A_280 = tpu.memref_squeeze %dma_start3A_279 : memref<1x1x128x64xf32, #tpu.memory_space<vmem>> -> memref<128x64xf32, #tpu.memory_space<vmem>>
      %dma_start3A_281 = arith.constant 0 : i32
      %dma_start3A_282 = tpu.memref_slice %arg9[%rem3A_201, %dma_start3A_273, %dma_start3A_274, %dma_start3A_281] : memref<2x2x4x128xi32, #tpu.memory_space<vmem>> -> memref<1x1x1x128xi32, #tpu.memory_space<vmem>>
      %dma_start3A_283 = tpu.memref_squeeze %dma_start3A_282 : memref<1x1x1x128xi32, #tpu.memory_space<vmem>> -> memref<128xi32, #tpu.memory_space<vmem>>
      %dma_start3A_284 = arith.constant 0 : i32
      %dma_start3A_285 = arith.constant 0 : i32
      %dma_start3A_286 = tpu.memref_slice %arg7[%dma_start3A_284, %dma_start3A_285] : memref<10240x64xf32, #tpu.memory_space<vmem_shared>> -> memref<10240x64xf32, #tpu.memory_space<vmem_shared>>
      tpu.enqueue_indirect_dma source(%dma_start3A_286 : memref<10240x64xf32, #tpu.memory_space<vmem_shared>>) target(%dma_start3A_280 : memref<128x64xf32, #tpu.memory_space<vmem>>) offsets(%dma_start3A_283 : memref<128xi32, #tpu.memory_space<vmem>>) semaphore(%arg13 : memref<!tpu.dma_semaphore, #tpu.memory_space<semaphore_mem>>)
      %dma_start3A_287 = arith.constant 0 : i32
      %dma_start3A_288 = arith.constant 3 : i32
      %dma_start3A_289 = arith.constant 1 : i32
      %dma_start3A_290 = arith.constant 1 : i32
      %dma_start3A_291 = arith.constant 0 : i32
      %dma_start3A_292 = arith.constant 0 : i32
      %dma_start3A_293 = tpu.memref_slice %arg11[%dma_start3A_289, %dma_start3A_290, %dma_start3A_291, %dma_start3A_292] : memref<2x2x128x64xf32, #tpu.memory_space<vmem>> -> memref<1x1x128x64xf32, #tpu.memory_space<vmem>>
      %dma_start3A_294 = tpu.memref_squeeze %dma_start3A_293 : memref<1x1x128x64xf32, #tpu.memory_space<vmem>> -> memref<128x64xf32, #tpu.memory_space<vmem>>
      %dma_start3A_295 = arith.constant 0 : i32
      %dma_start3A_296 = tpu.memref_slice %arg9[%rem3A_201, %dma_start3A_287, %dma_start3A_288, %dma_start3A_295] : memref<2x2x4x128xi32, #tpu.memory_space<vmem>> -> memref<1x1x1x128xi32, #tpu.memory_space<vmem>>
      %dma_start3A_297 = tpu.memref_squeeze %dma_start3A_296 : memref<1x1x1x128xi32, #tpu.memory_space<vmem>> -> memref<128xi32, #tpu.memory_space<vmem>>
      %dma_start3A_298 = arith.constant 0 : i32
      %dma_start3A_299 = arith.constant 0 : i32
      %dma_start3A_300 = tpu.memref_slice %arg7[%dma_start3A_298, %dma_start3A_299] : memref<10240x64xf32, #tpu.memory_space<vmem_shared>> -> memref<10240x64xf32, #tpu.memory_space<vmem_shared>>
      tpu.enqueue_indirect_dma source(%dma_start3A_300 : memref<10240x64xf32, #tpu.memory_space<vmem_shared>>) target(%dma_start3A_294 : memref<128x64xf32, #tpu.memory_space<vmem>>) offsets(%dma_start3A_297 : memref<128xi32, #tpu.memory_space<vmem>>) semaphore(%arg13 : memref<!tpu.dma_semaphore, #tpu.memory_space<semaphore_mem>>)
      %dma_wait3A_301 = arith.constant 0 : i32
      %dma_wait3A_302 = arith.constant 0 : i32
      %dma_wait3A_303 = arith.constant 0 : i32
      %dma_wait3A_304 = arith.constant 0 : i32
      %dma_wait3A_305 = arith.constant 0 : i32
      %dma_wait3A_306 = arith.constant 0 : i32
      %dma_wait3A_307 = tpu.memref_slice %arg11[%dma_wait3A_303, %dma_wait3A_304, %dma_wait3A_305, %dma_wait3A_306] : memref<2x2x128x64xf32, #tpu.memory_space<vmem>> -> memref<1x1x128x64xf32, #tpu.memory_space<vmem>>
      %dma_wait3A_308 = tpu.memref_squeeze %dma_wait3A_307 : memref<1x1x128x64xf32, #tpu.memory_space<vmem>> -> memref<128x64xf32, #tpu.memory_space<vmem>>
      %dma_wait3A_309 = arith.constant 0 : i32
      %dma_wait3A_310 = tpu.memref_slice %arg9[%rem3A_201, %dma_wait3A_301, %dma_wait3A_302, %dma_wait3A_309] : memref<2x2x4x128xi32, #tpu.memory_space<vmem>> -> memref<1x1x1x128xi32, #tpu.memory_space<vmem>>
      %dma_wait3A_311 = tpu.memref_squeeze %dma_wait3A_310 : memref<1x1x1x128xi32, #tpu.memory_space<vmem>> -> memref<128xi32, #tpu.memory_space<vmem>>
      %dma_wait3A_312 = arith.constant 0 : i32
      %dma_wait3A_313 = arith.constant 0 : i32
      %dma_wait3A_314 = tpu.memref_slice %arg7[%dma_wait3A_312, %dma_wait3A_313] : memref<10240x64xf32, #tpu.memory_space<vmem_shared>> -> memref<10240x64xf32, #tpu.memory_space<vmem_shared>>
      tpu.wait_indirect_dma semaphore(%arg12 : memref<!tpu.dma_semaphore, #tpu.memory_space<semaphore_mem>>) src(%dma_wait3A_314 : memref<10240x64xf32, #tpu.memory_space<vmem_shared>>) dst(%dma_wait3A_308 : memref<128x64xf32, #tpu.memory_space<vmem>>)
      %dma_wait3A_315 = arith.constant 0 : i32
      %dma_wait3A_316 = arith.constant 1 : i32
      %dma_wait3A_317 = arith.constant 0 : i32
      %dma_wait3A_318 = arith.constant 1 : i32
      %dma_wait3A_319 = arith.constant 0 : i32
      %dma_wait3A_320 = arith.constant 0 : i32
      %dma_wait3A_321 = tpu.memref_slice %arg11[%dma_wait3A_317, %dma_wait3A_318, %dma_wait3A_319, %dma_wait3A_320] : memref<2x2x128x64xf32, #tpu.memory_space<vmem>> -> memref<1x1x128x64xf32, #tpu.memory_space<vmem>>
      %dma_wait3A_322 = tpu.memref_squeeze %dma_wait3A_321 : memref<1x1x128x64xf32, #tpu.memory_space<vmem>> -> memref<128x64xf32, #tpu.memory_space<vmem>>
      %dma_wait3A_323 = arith.constant 0 : i32
      %dma_wait3A_324 = tpu.memref_slice %arg9[%rem3A_201, %dma_wait3A_315, %dma_wait3A_316, %dma_wait3A_323] : memref<2x2x4x128xi32, #tpu.memory_space<vmem>> -> memref<1x1x1x128xi32, #tpu.memory_space<vmem>>
      %dma_wait3A_325 = tpu.memref_squeeze %dma_wait3A_324 : memref<1x1x1x128xi32, #tpu.memory_space<vmem>> -> memref<128xi32, #tpu.memory_space<vmem>>
      %dma_wait3A_326 = arith.constant 0 : i32
      %dma_wait3A_327 = arith.constant 0 : i32
      %dma_wait3A_328 = tpu.memref_slice %arg7[%dma_wait3A_326, %dma_wait3A_327] : memref<10240x64xf32, #tpu.memory_space<vmem_shared>> -> memref<10240x64xf32, #tpu.memory_space<vmem_shared>>
      tpu.wait_indirect_dma semaphore(%arg12 : memref<!tpu.dma_semaphore, #tpu.memory_space<semaphore_mem>>) src(%dma_wait3A_328 : memref<10240x64xf32, #tpu.memory_space<vmem_shared>>) dst(%dma_wait3A_322 : memref<128x64xf32, #tpu.memory_space<vmem>>)
      %dma_start3A_329 = arith.constant 0 : i32
      %dma_start3A_330 = arith.constant 0 : i32
      %dma_start3A_331 = arith.constant 1 : i32
      %dma_start3A_332 = arith.constant 0 : i32
      %dma_start3A_333 = arith.constant 0 : i32
      %dma_start3A_334 = arith.constant 0 : i32
      %dma_start3A_335 = tpu.memref_slice %arg11[%dma_start3A_329, %dma_start3A_330, %dma_start3A_333, %dma_start3A_334] : memref<2x2x128x64xf32, #tpu.memory_space<vmem>> -> memref<1x1x128x64xf32, #tpu.memory_space<vmem>>
      %dma_start3A_336 = tpu.memref_squeeze %dma_start3A_335 : memref<1x1x128x64xf32, #tpu.memory_space<vmem>> -> memref<128x64xf32, #tpu.memory_space<vmem>>
      %dma_start3A_337 = arith.constant 0 : i32
      %dma_start3A_338 = tpu.memref_slice %arg9[%rem3A_201, %dma_start3A_331, %dma_start3A_332, %dma_start3A_337] : memref<2x2x4x128xi32, #tpu.memory_space<vmem>> -> memref<1x1x1x128xi32, #tpu.memory_space<vmem>>
      %dma_start3A_339 = tpu.memref_squeeze %dma_start3A_338 : memref<1x1x1x128xi32, #tpu.memory_space<vmem>> -> memref<128xi32, #tpu.memory_space<vmem>>
      %dma_start3A_340 = arith.constant 0 : i32
      %dma_start3A_341 = arith.constant 0 : i32
      %dma_start3A_342 = tpu.memref_slice %arg8[%dma_start3A_340, %dma_start3A_341] : memref<10240x64xf32, #tpu.memory_space<vmem_shared>> -> memref<10240x64xf32, #tpu.memory_space<vmem_shared>>
      tpu.enqueue_indirect_dma source(%dma_start3A_336 : memref<128x64xf32, #tpu.memory_space<vmem>>) target(%dma_start3A_342 : memref<10240x64xf32, #tpu.memory_space<vmem_shared>>) offsets(%dma_start3A_339 : memref<128xi32, #tpu.memory_space<vmem>>) semaphore(%arg14 : memref<!tpu.dma_semaphore, #tpu.memory_space<semaphore_mem>>) {add = true}
      %dma_start3A_343 = arith.constant 0 : i32
      %dma_start3A_344 = arith.constant 1 : i32
      %dma_start3A_345 = arith.constant 1 : i32
      %dma_start3A_346 = arith.constant 1 : i32
      %dma_start3A_347 = arith.constant 0 : i32
      %dma_start3A_348 = arith.constant 0 : i32
      %dma_start3A_349 = tpu.memref_slice %arg11[%dma_start3A_343, %dma_start3A_344, %dma_start3A_347, %dma_start3A_348] : memref<2x2x128x64xf32, #tpu.memory_space<vmem>> -> memref<1x1x128x64xf32, #tpu.memory_space<vmem>>
      %dma_start3A_350 = tpu.memref_squeeze %dma_start3A_349 : memref<1x1x128x64xf32, #tpu.memory_space<vmem>> -> memref<128x64xf32, #tpu.memory_space<vmem>>
      %dma_start3A_351 = arith.constant 0 : i32
      %dma_start3A_352 = tpu.memref_slice %arg9[%rem3A_201, %dma_start3A_345, %dma_start3A_346, %dma_start3A_351] : memref<2x2x4x128xi32, #tpu.memory_space<vmem>> -> memref<1x1x1x128xi32, #tpu.memory_space<vmem>>
      %dma_start3A_353 = tpu.memref_squeeze %dma_start3A_352 : memref<1x1x1x128xi32, #tpu.memory_space<vmem>> -> memref<128xi32, #tpu.memory_space<vmem>>
      %dma_start3A_354 = arith.constant 0 : i32
      %dma_start3A_355 = arith.constant 0 : i32
      %dma_start3A_356 = tpu.memref_slice %arg8[%dma_start3A_354, %dma_start3A_355] : memref<10240x64xf32, #tpu.memory_space<vmem_shared>> -> memref<10240x64xf32, #tpu.memory_space<vmem_shared>>
      tpu.enqueue_indirect_dma source(%dma_start3A_350 : memref<128x64xf32, #tpu.memory_space<vmem>>) target(%dma_start3A_356 : memref<10240x64xf32, #tpu.memory_space<vmem_shared>>) offsets(%dma_start3A_353 : memref<128xi32, #tpu.memory_space<vmem>>) semaphore(%arg14 : memref<!tpu.dma_semaphore, #tpu.memory_space<semaphore_mem>>) {add = true}
      %dma_wait3A_357 = arith.constant 0 : i32
      %dma_wait3A_358 = arith.constant 2 : i32
      %dma_wait3A_359 = arith.constant 1 : i32
      %dma_wait3A_360 = arith.constant 0 : i32
      %dma_wait3A_361 = arith.constant 0 : i32
      %dma_wait3A_362 = arith.constant 0 : i32
      %dma_wait3A_363 = tpu.memref_slice %arg11[%dma_wait3A_359, %dma_wait3A_360, %dma_wait3A_361, %dma_wait3A_362] : memref<2x2x128x64xf32, #tpu.memory_space<vmem>> -> memref<1x1x128x64xf32, #tpu.memory_space<vmem>>
      %dma_wait3A_364 = tpu.memref_squeeze %dma_wait3A_363 : memref<1x1x128x64xf32, #tpu.memory_space<vmem>> -> memref<128x64xf32, #tpu.memory_space<vmem>>
      %dma_wait3A_365 = arith.constant 0 : i32
      %dma_wait3A_366 = tpu.memref_slice %arg9[%rem3A_201, %dma_wait3A_357, %dma_wait3A_358, %dma_wait3A_365] : memref<2x2x4x128xi32, #tpu.memory_space<vmem>> -> memref<1x1x1x128xi32, #tpu.memory_space<vmem>>
      %dma_wait3A_367 = tpu.memref_squeeze %dma_wait3A_366 : memref<1x1x1x128xi32, #tpu.memory_space<vmem>> -> memref<128xi32, #tpu.memory_space<vmem>>
      %dma_wait3A_368 = arith.constant 0 : i32
      %dma_wait3A_369 = arith.constant 0 : i32
      %dma_wait3A_370 = tpu.memref_slice %arg7[%dma_wait3A_368, %dma_wait3A_369] : memref<10240x64xf32, #tpu.memory_space<vmem_shared>> -> memref<10240x64xf32, #tpu.memory_space<vmem_shared>>
      tpu.wait_indirect_dma semaphore(%arg13 : memref<!tpu.dma_semaphore, #tpu.memory_space<semaphore_mem>>) src(%dma_wait3A_370 : memref<10240x64xf32, #tpu.memory_space<vmem_shared>>) dst(%dma_wait3A_364 : memref<128x64xf32, #tpu.memory_space<vmem>>)
      %dma_wait3A_371 = arith.constant 0 : i32
      %dma_wait3A_372 = arith.constant 3 : i32
      %dma_wait3A_373 = arith.constant 1 : i32
      %dma_wait3A_374 = arith.constant 1 : i32
      %dma_wait3A_375 = arith.constant 0 : i32
      %dma_wait3A_376 = arith.constant 0 : i32
      %dma_wait3A_377 = tpu.memref_slice %arg11[%dma_wait3A_373, %dma_wait3A_374, %dma_wait3A_375, %dma_wait3A_376] : memref<2x2x128x64xf32, #tpu.memory_space<vmem>> -> memref<1x1x128x64xf32, #tpu.memory_space<vmem>>
      %dma_wait3A_378 = tpu.memref_squeeze %dma_wait3A_377 : memref<1x1x128x64xf32, #tpu.memory_space<vmem>> -> memref<128x64xf32, #tpu.memory_space<vmem>>
      %dma_wait3A_379 = arith.constant 0 : i32
      %dma_wait3A_380 = tpu.memref_slice %arg9[%rem3A_201, %dma_wait3A_371, %dma_wait3A_372, %dma_wait3A_379] : memref<2x2x4x128xi32, #tpu.memory_space<vmem>> -> memref<1x1x1x128xi32, #tpu.memory_space<vmem>>
      %dma_wait3A_381 = tpu.memref_squeeze %dma_wait3A_380 : memref<1x1x1x128xi32, #tpu.memory_space<vmem>> -> memref<128xi32, #tpu.memory_space<vmem>>
      %dma_wait3A_382 = arith.constant 0 : i32
      %dma_wait3A_383 = arith.constant 0 : i32
      %dma_wait3A_384 = tpu.memref_slice %arg7[%dma_wait3A_382, %dma_wait3A_383] : memref<10240x64xf32, #tpu.memory_space<vmem_shared>> -> memref<10240x64xf32, #tpu.memory_space<vmem_shared>>
      tpu.wait_indirect_dma semaphore(%arg13 : memref<!tpu.dma_semaphore, #tpu.memory_space<semaphore_mem>>) src(%dma_wait3A_384 : memref<10240x64xf32, #tpu.memory_space<vmem_shared>>) dst(%dma_wait3A_378 : memref<128x64xf32, #tpu.memory_space<vmem>>)
      %dma_start3A_385 = arith.constant 1 : i32
      %dma_start3A_386 = arith.constant 0 : i32
      %dma_start3A_387 = arith.constant 1 : i32
      %dma_start3A_388 = arith.constant 2 : i32
      %dma_start3A_389 = arith.constant 0 : i32
      %dma_start3A_390 = arith.constant 0 : i32
      %dma_start3A_391 = tpu.memref_slice %arg11[%dma_start3A_385, %dma_start3A_386, %dma_start3A_389, %dma_start3A_390] : memref<2x2x128x64xf32, #tpu.memory_space<vmem>> -> memref<1x1x128x64xf32, #tpu.memory_space<vmem>>
      %dma_start3A_392 = tpu.memref_squeeze %dma_start3A_391 : memref<1x1x128x64xf32, #tpu.memory_space<vmem>> -> memref<128x64xf32, #tpu.memory_space<vmem>>
      %dma_start3A_393 = arith.constant 0 : i32
      %dma_start3A_394 = tpu.memref_slice %arg9[%rem3A_201, %dma_start3A_387, %dma_start3A_388, %dma_start3A_393] : memref<2x2x4x128xi32, #tpu.memory_space<vmem>> -> memref<1x1x1x128xi32, #tpu.memory_space<vmem>>
      %dma_start3A_395 = tpu.memref_squeeze %dma_start3A_394 : memref<1x1x1x128xi32, #tpu.memory_space<vmem>> -> memref<128xi32, #tpu.memory_space<vmem>>
      %dma_start3A_396 = arith.constant 0 : i32
      %dma_start3A_397 = arith.constant 0 : i32
      %dma_start3A_398 = tpu.memref_slice %arg8[%dma_start3A_396, %dma_start3A_397] : memref<10240x64xf32, #tpu.memory_space<vmem_shared>> -> memref<10240x64xf32, #tpu.memory_space<vmem_shared>>
      tpu.enqueue_indirect_dma source(%dma_start3A_392 : memref<128x64xf32, #tpu.memory_space<vmem>>) target(%dma_start3A_398 : memref<10240x64xf32, #tpu.memory_space<vmem_shared>>) offsets(%dma_start3A_395 : memref<128xi32, #tpu.memory_space<vmem>>) semaphore(%arg15 : memref<!tpu.dma_semaphore, #tpu.memory_space<semaphore_mem>>) {add = true}
      %dma_start3A_399 = arith.constant 1 : i32
      %dma_start3A_400 = arith.constant 1 : i32
      %dma_start3A_401 = arith.constant 1 : i32
      %dma_start3A_402 = arith.constant 3 : i32
      %dma_start3A_403 = arith.constant 0 : i32
      %dma_start3A_404 = arith.constant 0 : i32
      %dma_start3A_405 = tpu.memref_slice %arg11[%dma_start3A_399, %dma_start3A_400, %dma_start3A_403, %dma_start3A_404] : memref<2x2x128x64xf32, #tpu.memory_space<vmem>> -> memref<1x1x128x64xf32, #tpu.memory_space<vmem>>
      %dma_start3A_406 = tpu.memref_squeeze %dma_start3A_405 : memref<1x1x128x64xf32, #tpu.memory_space<vmem>> -> memref<128x64xf32, #tpu.memory_space<vmem>>
      %dma_start3A_407 = arith.constant 0 : i32
      %dma_start3A_408 = tpu.memref_slice %arg9[%rem3A_201, %dma_start3A_401, %dma_start3A_402, %dma_start3A_407] : memref<2x2x4x128xi32, #tpu.memory_space<vmem>> -> memref<1x1x1x128xi32, #tpu.memory_space<vmem>>
      %dma_start3A_409 = tpu.memref_squeeze %dma_start3A_408 : memref<1x1x1x128xi32, #tpu.memory_space<vmem>> -> memref<128xi32, #tpu.memory_space<vmem>>
      %dma_start3A_410 = arith.constant 0 : i32
      %dma_start3A_411 = arith.constant 0 : i32
      %dma_start3A_412 = tpu.memref_slice %arg8[%dma_start3A_410, %dma_start3A_411] : memref<10240x64xf32, #tpu.memory_space<vmem_shared>> -> memref<10240x64xf32, #tpu.memory_space<vmem_shared>>
      tpu.enqueue_indirect_dma source(%dma_start3A_406 : memref<128x64xf32, #tpu.memory_space<vmem>>) target(%dma_start3A_412 : memref<10240x64xf32, #tpu.memory_space<vmem_shared>>) offsets(%dma_start3A_409 : memref<128xi32, #tpu.memory_space<vmem>>) semaphore(%arg15 : memref<!tpu.dma_semaphore, #tpu.memory_space<semaphore_mem>>) {add = true}
      %dma_wait3A_413 = arith.constant 0 : i32
      %dma_wait3A_414 = arith.constant 0 : i32
      %dma_wait3A_415 = arith.constant 1 : i32
      %dma_wait3A_416 = arith.constant 0 : i32
      %dma_wait3A_417 = arith.constant 0 : i32
      %dma_wait3A_418 = arith.constant 0 : i32
      %dma_wait3A_419 = tpu.memref_slice %arg11[%dma_wait3A_413, %dma_wait3A_414, %dma_wait3A_417, %dma_wait3A_418] : memref<2x2x128x64xf32, #tpu.memory_space<vmem>> -> memref<1x1x128x64xf32, #tpu.memory_space<vmem>>
      %dma_wait3A_420 = tpu.memref_squeeze %dma_wait3A_419 : memref<1x1x128x64xf32, #tpu.memory_space<vmem>> -> memref<128x64xf32, #tpu.memory_space<vmem>>
      %dma_wait3A_421 = arith.constant 0 : i32
      %dma_wait3A_422 = tpu.memref_slice %arg9[%rem3A_201, %dma_wait3A_415, %dma_wait3A_416, %dma_wait3A_421] : memref<2x2x4x128xi32, #tpu.memory_space<vmem>> -> memref<1x1x1x128xi32, #tpu.memory_space<vmem>>
      %dma_wait3A_423 = tpu.memref_squeeze %dma_wait3A_422 : memref<1x1x1x128xi32, #tpu.memory_space<vmem>> -> memref<128xi32, #tpu.memory_space<vmem>>
      %dma_wait3A_424 = arith.constant 0 : i32
      %dma_wait3A_425 = arith.constant 0 : i32
      %dma_wait3A_426 = tpu.memref_slice %arg8[%dma_wait3A_424, %dma_wait3A_425] : memref<10240x64xf32, #tpu.memory_space<vmem_shared>> -> memref<10240x64xf32, #tpu.memory_space<vmem_shared>>
      tpu.wait_indirect_dma semaphore(%arg14 : memref<!tpu.dma_semaphore, #tpu.memory_space<semaphore_mem>>) src(%dma_wait3A_420 : memref<128x64xf32, #tpu.memory_space<vmem>>) dst(%dma_wait3A_426 : memref<10240x64xf32, #tpu.memory_space<vmem_shared>>)
      %dma_wait3A_427 = arith.constant 0 : i32
      %dma_wait3A_428 = arith.constant 1 : i32
      %dma_wait3A_429 = arith.constant 1 : i32
      %dma_wait3A_430 = arith.constant 1 : i32
      %dma_wait3A_431 = arith.constant 0 : i32
      %dma_wait3A_432 = arith.constant 0 : i32
      %dma_wait3A_433 = tpu.memref_slice %arg11[%dma_wait3A_427, %dma_wait3A_428, %dma_wait3A_431, %dma_wait3A_432] : memref<2x2x128x64xf32, #tpu.memory_space<vmem>> -> memref<1x1x128x64xf32, #tpu.memory_space<vmem>>
      %dma_wait3A_434 = tpu.memref_squeeze %dma_wait3A_433 : memref<1x1x128x64xf32, #tpu.memory_space<vmem>> -> memref<128x64xf32, #tpu.memory_space<vmem>>
      %dma_wait3A_435 = arith.constant 0 : i32
      %dma_wait3A_436 = tpu.memref_slice %arg9[%rem3A_201, %dma_wait3A_429, %dma_wait3A_430, %dma_wait3A_435] : memref<2x2x4x128xi32, #tpu.memory_space<vmem>> -> memref<1x1x1x128xi32, #tpu.memory_space<vmem>>
      %dma_wait3A_437 = tpu.memref_squeeze %dma_wait3A_436 : memref<1x1x1x128xi32, #tpu.memory_space<vmem>> -> memref<128xi32, #tpu.memory_space<vmem>>
      %dma_wait3A_438 = arith.constant 0 : i32
      %dma_wait3A_439 = arith.constant 0 : i32
      %dma_wait3A_440 = tpu.memref_slice %arg8[%dma_wait3A_438, %dma_wait3A_439] : memref<10240x64xf32, #tpu.memory_space<vmem_shared>> -> memref<10240x64xf32, #tpu.memory_space<vmem_shared>>
      tpu.wait_indirect_dma semaphore(%arg14 : memref<!tpu.dma_semaphore, #tpu.memory_space<semaphore_mem>>) src(%dma_wait3A_434 : memref<128x64xf32, #tpu.memory_space<vmem>>) dst(%dma_wait3A_440 : memref<10240x64xf32, #tpu.memory_space<vmem_shared>>)
      %dma_wait3A_441 = arith.constant 1 : i32
      %dma_wait3A_442 = arith.constant 0 : i32
      %dma_wait3A_443 = arith.constant 1 : i32
      %dma_wait3A_444 = arith.constant 2 : i32
      %dma_wait3A_445 = arith.constant 0 : i32
      %dma_wait3A_446 = arith.constant 0 : i32
      %dma_wait3A_447 = tpu.memref_slice %arg11[%dma_wait3A_441, %dma_wait3A_442, %dma_wait3A_445, %dma_wait3A_446] : memref<2x2x128x64xf32, #tpu.memory_space<vmem>> -> memref<1x1x128x64xf32, #tpu.memory_space<vmem>>
      %dma_wait3A_448 = tpu.memref_squeeze %dma_wait3A_447 : memref<1x1x128x64xf32, #tpu.memory_space<vmem>> -> memref<128x64xf32, #tpu.memory_space<vmem>>
      %dma_wait3A_449 = arith.constant 0 : i32
      %dma_wait3A_450 = tpu.memref_slice %arg9[%rem3A_201, %dma_wait3A_443, %dma_wait3A_444, %dma_wait3A_449] : memref<2x2x4x128xi32, #tpu.memory_space<vmem>> -> memref<1x1x1x128xi32, #tpu.memory_space<vmem>>
      %dma_wait3A_451 = tpu.memref_squeeze %dma_wait3A_450 : memref<1x1x1x128xi32, #tpu.memory_space<vmem>> -> memref<128xi32, #tpu.memory_space<vmem>>
      %dma_wait3A_452 = arith.constant 0 : i32
      %dma_wait3A_453 = arith.constant 0 : i32
      %dma_wait3A_454 = tpu.memref_slice %arg8[%dma_wait3A_452, %dma_wait3A_453] : memref<10240x64xf32, #tpu.memory_space<vmem_shared>> -> memref<10240x64xf32, #tpu.memory_space<vmem_shared>>
      tpu.wait_indirect_dma semaphore(%arg15 : memref<!tpu.dma_semaphore, #tpu.memory_space<semaphore_mem>>) src(%dma_wait3A_448 : memref<128x64xf32, #tpu.memory_space<vmem>>) dst(%dma_wait3A_454 : memref<10240x64xf32, #tpu.memory_space<vmem_shared>>)
      %dma_wait3A_455 = arith.constant 1 : i32
      %dma_wait3A_456 = arith.constant 1 : i32
      %dma_wait3A_457 = arith.constant 1 : i32
      %dma_wait3A_458 = arith.constant 3 : i32
      %dma_wait3A_459 = arith.constant 0 : i32
      %dma_wait3A_460 = arith.constant 0 : i32
      %dma_wait3A_461 = tpu.memref_slice %arg11[%dma_wait3A_455, %dma_wait3A_456, %dma_wait3A_459, %dma_wait3A_460] : memref<2x2x128x64xf32, #tpu.memory_space<vmem>> -> memref<1x1x128x64xf32, #tpu.memory_space<vmem>>
      %dma_wait3A_462 = tpu.memref_squeeze %dma_wait3A_461 : memref<1x1x128x64xf32, #tpu.memory_space<vmem>> -> memref<128x64xf32, #tpu.memory_space<vmem>>
      %dma_wait3A_463 = arith.constant 0 : i32
      %dma_wait3A_464 = tpu.memref_slice %arg9[%rem3A_201, %dma_wait3A_457, %dma_wait3A_458, %dma_wait3A_463] : memref<2x2x4x128xi32, #tpu.memory_space<vmem>> -> memref<1x1x1x128xi32, #tpu.memory_space<vmem>>
      %dma_wait3A_465 = tpu.memref_squeeze %dma_wait3A_464 : memref<1x1x1x128xi32, #tpu.memory_space<vmem>> -> memref<128xi32, #tpu.memory_space<vmem>>
      %dma_wait3A_466 = arith.constant 0 : i32
      %dma_wait3A_467 = arith.constant 0 : i32
      %dma_wait3A_468 = tpu.memref_slice %arg8[%dma_wait3A_466, %dma_wait3A_467] : memref<10240x64xf32, #tpu.memory_space<vmem_shared>> -> memref<10240x64xf32, #tpu.memory_space<vmem_shared>>
      tpu.wait_indirect_dma semaphore(%arg15 : memref<!tpu.dma_semaphore, #tpu.memory_space<semaphore_mem>>) src(%dma_wait3A_462 : memref<128x64xf32, #tpu.memory_space<vmem>>) dst(%dma_wait3A_468 : memref<10240x64xf32, #tpu.memory_space<vmem_shared>>)
    }
    %scan3A_55 = arith.constant 19 : i32
    %mul3A_56 = arith.constant 78 : i32
    %mul3A_57 = arith.muli %add3A, %mul3A_56 : i32
    %add3A_58 = arith.constant 76 : i32
    %add3A_59 = arith.addi %mul3A_57, %add3A_58 : i32
    %run_scoped3A = arith.constant 0 : i32
    %run_scoped3A_60 = arith.constant 0 : i32
    %run_scoped3A_61 = arith.constant 0 : i32
    "tpu.region"() ({
      %run_scoped3A_200 = tpu.sem_alloc : memref<!tpu.dma_semaphore, #tpu.memory_space<semaphore_mem>>
      %dma_start3A_201 = arith.constant 0 : i32
      %dma_start3A_202 = arith.constant 0 : i32
      %dma_start3A_203 = tpu.memref_slice %arg9[%run_scoped3A_60, %run_scoped3A_61, %dma_start3A_201, %dma_start3A_202] : memref<2x2x4x128xi32, #tpu.memory_space<vmem>> -> memref<1x1x2x128xi32, #tpu.memory_space<vmem>>
      %dma_start3A_204 = tpu.memref_squeeze %dma_start3A_203 : memref<1x1x2x128xi32, #tpu.memory_space<vmem>> -> memref<2x128xi32, #tpu.memory_space<vmem>>
      %dma_start3A_205 = arith.constant 0 : i32
      %dma_start3A_206 = tpu.memref_slice %arg3[%run_scoped3A, %add3A_59, %dma_start3A_205] : memref<2x2500x128xi32, #tpu.memory_space<hbm>> -> memref<1x2x128xi32, #tpu.memory_space<hbm>>
      %dma_start3A_207 = tpu.memref_squeeze %dma_start3A_206 : memref<1x2x128xi32, #tpu.memory_space<hbm>> -> memref<2x128xi32, #tpu.memory_space<hbm>>
      %dma_start3A_208 = arith.constant 0 : i32
      %dma_start3A_209 = arith.constant 0 : i32
      %dma_start3A_210 = tpu.memref_slice %arg9[%run_scoped3A_60, %run_scoped3A_61, %dma_start3A_208, %dma_start3A_209] : memref<2x2x4x128xi32, #tpu.memory_space<vmem>> -> memref<1x1x2x128xi32, #tpu.memory_space<vmem>>
      %dma_start3A_211 = tpu.memref_squeeze %dma_start3A_210 : memref<1x1x2x128xi32, #tpu.memory_space<vmem>> -> memref<2x128xi32, #tpu.memory_space<vmem>>
      %dma_start3A_212 = arith.constant 0 : i32
      %dma_start3A_213 = tpu.memref_slice %arg3[%run_scoped3A, %add3A_59, %dma_start3A_212] : memref<2x2500x128xi32, #tpu.memory_space<hbm>> -> memref<1x2x128xi32, #tpu.memory_space<hbm>>
      %dma_start3A_214 = tpu.memref_squeeze %dma_start3A_213 : memref<1x2x128xi32, #tpu.memory_space<hbm>> -> memref<2x128xi32, #tpu.memory_space<hbm>>
      tpu.enqueue_dma source(%dma_start3A_214 : memref<2x128xi32, #tpu.memory_space<hbm>>) target(%dma_start3A_211 : memref<2x128xi32, #tpu.memory_space<vmem>>) target_semaphore(%run_scoped3A_200 : memref<!tpu.dma_semaphore, #tpu.memory_space<semaphore_mem>>)
      %dma_wait3A_215 = arith.constant 0 : i32
      %dma_wait3A_216 = arith.constant 0 : i32
      %dma_wait3A_217 = tpu.memref_slice %arg9[%run_scoped3A_60, %run_scoped3A_61, %dma_wait3A_215, %dma_wait3A_216] : memref<2x2x4x128xi32, #tpu.memory_space<vmem>> -> memref<1x1x2x128xi32, #tpu.memory_space<vmem>>
      %dma_wait3A_218 = tpu.memref_squeeze %dma_wait3A_217 : memref<1x1x2x128xi32, #tpu.memory_space<vmem>> -> memref<2x128xi32, #tpu.memory_space<vmem>>
      %dma_wait3A_219 = arith.constant 0 : i32
      %dma_wait3A_220 = tpu.memref_slice %arg3[%run_scoped3A, %add3A_59, %dma_wait3A_219] : memref<2x2500x128xi32, #tpu.memory_space<hbm>> -> memref<1x2x128xi32, #tpu.memory_space<hbm>>
      %dma_wait3A_221 = tpu.memref_squeeze %dma_wait3A_220 : memref<1x2x128xi32, #tpu.memory_space<hbm>> -> memref<2x128xi32, #tpu.memory_space<hbm>>
      %dma_wait3A_222 = arith.constant 0 : i32
      %dma_wait3A_223 = arith.constant 0 : i32
      %dma_wait3A_224 = tpu.memref_slice %arg9[%run_scoped3A_60, %run_scoped3A_61, %dma_wait3A_222, %dma_wait3A_223] : memref<2x2x4x128xi32, #tpu.memory_space<vmem>> -> memref<1x1x2x128xi32, #tpu.memory_space<vmem>>
      %dma_wait3A_225 = tpu.memref_squeeze %dma_wait3A_224 : memref<1x1x2x128xi32, #tpu.memory_space<vmem>> -> memref<2x128xi32, #tpu.memory_space<vmem>>
      %dma_wait3A_226 = arith.constant 0 : i32
      %dma_wait3A_227 = tpu.memref_slice %arg3[%run_scoped3A, %add3A_59, %dma_wait3A_226] : memref<2x2500x128xi32, #tpu.memory_space<hbm>> -> memref<1x2x128xi32, #tpu.memory_space<hbm>>
      %dma_wait3A_228 = tpu.memref_squeeze %dma_wait3A_227 : memref<1x2x128xi32, #tpu.memory_space<hbm>> -> memref<2x128xi32, #tpu.memory_space<hbm>>
      tpu.wait_dma2 semaphore(%run_scoped3A_200 : memref<!tpu.dma_semaphore, #tpu.memory_space<semaphore_mem>>) src(%dma_wait3A_228 : memref<2x128xi32, #tpu.memory_space<hbm>>) dst(%dma_wait3A_225 : memref<2x128xi32, #tpu.memory_space<vmem>>)
      tpu.yield
    }) : () -> ()
    %run_scoped3A_62 = arith.constant 1 : i32
    %run_scoped3A_63 = arith.constant 0 : i32
    %run_scoped3A_64 = arith.constant 1 : i32
    "tpu.region"() ({
      %run_scoped3A_200 = tpu.sem_alloc : memref<!tpu.dma_semaphore, #tpu.memory_space<semaphore_mem>>
      %dma_start3A_201 = arith.constant 0 : i32
      %dma_start3A_202 = arith.constant 0 : i32
      %dma_start3A_203 = tpu.memref_slice %arg9[%run_scoped3A_63, %run_scoped3A_64, %dma_start3A_201, %dma_start3A_202] : memref<2x2x4x128xi32, #tpu.memory_space<vmem>> -> memref<1x1x2x128xi32, #tpu.memory_space<vmem>>
      %dma_start3A_204 = tpu.memref_squeeze %dma_start3A_203 : memref<1x1x2x128xi32, #tpu.memory_space<vmem>> -> memref<2x128xi32, #tpu.memory_space<vmem>>
      %dma_start3A_205 = arith.constant 0 : i32
      %dma_start3A_206 = tpu.memref_slice %arg3[%run_scoped3A_62, %add3A_59, %dma_start3A_205] : memref<2x2500x128xi32, #tpu.memory_space<hbm>> -> memref<1x2x128xi32, #tpu.memory_space<hbm>>
      %dma_start3A_207 = tpu.memref_squeeze %dma_start3A_206 : memref<1x2x128xi32, #tpu.memory_space<hbm>> -> memref<2x128xi32, #tpu.memory_space<hbm>>
      %dma_start3A_208 = arith.constant 0 : i32
      %dma_start3A_209 = arith.constant 0 : i32
      %dma_start3A_210 = tpu.memref_slice %arg9[%run_scoped3A_63, %run_scoped3A_64, %dma_start3A_208, %dma_start3A_209] : memref<2x2x4x128xi32, #tpu.memory_space<vmem>> -> memref<1x1x2x128xi32, #tpu.memory_space<vmem>>
      %dma_start3A_211 = tpu.memref_squeeze %dma_start3A_210 : memref<1x1x2x128xi32, #tpu.memory_space<vmem>> -> memref<2x128xi32, #tpu.memory_space<vmem>>
      %dma_start3A_212 = arith.constant 0 : i32
      %dma_start3A_213 = tpu.memref_slice %arg3[%run_scoped3A_62, %add3A_59, %dma_start3A_212] : memref<2x2500x128xi32, #tpu.memory_space<hbm>> -> memref<1x2x128xi32, #tpu.memory_space<hbm>>
      %dma_start3A_214 = tpu.memref_squeeze %dma_start3A_213 : memref<1x2x128xi32, #tpu.memory_space<hbm>> -> memref<2x128xi32, #tpu.memory_space<hbm>>
      tpu.enqueue_dma source(%dma_start3A_214 : memref<2x128xi32, #tpu.memory_space<hbm>>) target(%dma_start3A_211 : memref<2x128xi32, #tpu.memory_space<vmem>>) target_semaphore(%run_scoped3A_200 : memref<!tpu.dma_semaphore, #tpu.memory_space<semaphore_mem>>)
      %dma_wait3A_215 = arith.constant 0 : i32
      %dma_wait3A_216 = arith.constant 0 : i32
      %dma_wait3A_217 = tpu.memref_slice %arg9[%run_scoped3A_63, %run_scoped3A_64, %dma_wait3A_215, %dma_wait3A_216] : memref<2x2x4x128xi32, #tpu.memory_space<vmem>> -> memref<1x1x2x128xi32, #tpu.memory_space<vmem>>
      %dma_wait3A_218 = tpu.memref_squeeze %dma_wait3A_217 : memref<1x1x2x128xi32, #tpu.memory_space<vmem>> -> memref<2x128xi32, #tpu.memory_space<vmem>>
      %dma_wait3A_219 = arith.constant 0 : i32
      %dma_wait3A_220 = tpu.memref_slice %arg3[%run_scoped3A_62, %add3A_59, %dma_wait3A_219] : memref<2x2500x128xi32, #tpu.memory_space<hbm>> -> memref<1x2x128xi32, #tpu.memory_space<hbm>>
      %dma_wait3A_221 = tpu.memref_squeeze %dma_wait3A_220 : memref<1x2x128xi32, #tpu.memory_space<hbm>> -> memref<2x128xi32, #tpu.memory_space<hbm>>
      %dma_wait3A_222 = arith.constant 0 : i32
      %dma_wait3A_223 = arith.constant 0 : i32
      %dma_wait3A_224 = tpu.memref_slice %arg9[%run_scoped3A_63, %run_scoped3A_64, %dma_wait3A_222, %dma_wait3A_223] : memref<2x2x4x128xi32, #tpu.memory_space<vmem>> -> memref<1x1x2x128xi32, #tpu.memory_space<vmem>>
      %dma_wait3A_225 = tpu.memref_squeeze %dma_wait3A_224 : memref<1x1x2x128xi32, #tpu.memory_space<vmem>> -> memref<2x128xi32, #tpu.memory_space<vmem>>
      %dma_wait3A_226 = arith.constant 0 : i32
      %dma_wait3A_227 = tpu.memref_slice %arg3[%run_scoped3A_62, %add3A_59, %dma_wait3A_226] : memref<2x2500x128xi32, #tpu.memory_space<hbm>> -> memref<1x2x128xi32, #tpu.memory_space<hbm>>
      %dma_wait3A_228 = tpu.memref_squeeze %dma_wait3A_227 : memref<1x2x128xi32, #tpu.memory_space<hbm>> -> memref<2x128xi32, #tpu.memory_space<hbm>>
      tpu.wait_dma2 semaphore(%run_scoped3A_200 : memref<!tpu.dma_semaphore, #tpu.memory_space<semaphore_mem>>) src(%dma_wait3A_228 : memref<2x128xi32, #tpu.memory_space<hbm>>) dst(%dma_wait3A_225 : memref<2x128xi32, #tpu.memory_space<vmem>>)
      tpu.yield
    }) : () -> ()
    %dma_start3A_65 = arith.constant 0 : i32
    %dma_start3A_66 = arith.constant 0 : i32
    %dma_start3A_67 = arith.constant 0 : i32
    %dma_start3A_68 = arith.constant 0 : i32
    %dma_start3A_69 = arith.constant 0 : i32
    %dma_start3A_70 = arith.constant 0 : i32
    %dma_start3A_71 = arith.constant 0 : i32
    %dma_start3A_72 = tpu.memref_slice %arg11[%dma_start3A_68, %dma_start3A_69, %dma_start3A_70, %dma_start3A_71] : memref<2x2x128x64xf32, #tpu.memory_space<vmem>> -> memref<1x1x128x64xf32, #tpu.memory_space<vmem>>
    %dma_start3A_73 = tpu.memref_squeeze %dma_start3A_72 : memref<1x1x128x64xf32, #tpu.memory_space<vmem>> -> memref<128x64xf32, #tpu.memory_space<vmem>>
    %dma_start3A_74 = arith.constant 0 : i32
    %dma_start3A_75 = tpu.memref_slice %arg9[%dma_start3A_65, %dma_start3A_66, %dma_start3A_67, %dma_start3A_74] : memref<2x2x4x128xi32, #tpu.memory_space<vmem>> -> memref<1x1x1x128xi32, #tpu.memory_space<vmem>>
    %dma_start3A_76 = tpu.memref_squeeze %dma_start3A_75 : memref<1x1x1x128xi32, #tpu.memory_space<vmem>> -> memref<128xi32, #tpu.memory_space<vmem>>
    %dma_start3A_77 = arith.constant 0 : i32
    %dma_start3A_78 = arith.constant 0 : i32
    %dma_start3A_79 = tpu.memref_slice %arg7[%dma_start3A_77, %dma_start3A_78] : memref<10240x64xf32, #tpu.memory_space<vmem_shared>> -> memref<10240x64xf32, #tpu.memory_space<vmem_shared>>
    tpu.enqueue_indirect_dma source(%dma_start3A_79 : memref<10240x64xf32, #tpu.memory_space<vmem_shared>>) target(%dma_start3A_73 : memref<128x64xf32, #tpu.memory_space<vmem>>) offsets(%dma_start3A_76 : memref<128xi32, #tpu.memory_space<vmem>>) semaphore(%arg12 : memref<!tpu.dma_semaphore, #tpu.memory_space<semaphore_mem>>)
    %dma_start3A_80 = arith.constant 0 : i32
    %dma_start3A_81 = arith.constant 0 : i32
    %dma_start3A_82 = arith.constant 1 : i32
    %dma_start3A_83 = arith.constant 0 : i32
    %dma_start3A_84 = arith.constant 1 : i32
    %dma_start3A_85 = arith.constant 0 : i32
    %dma_start3A_86 = arith.constant 0 : i32
    %dma_start3A_87 = tpu.memref_slice %arg11[%dma_start3A_83, %dma_start3A_84, %dma_start3A_85, %dma_start3A_86] : memref<2x2x128x64xf32, #tpu.memory_space<vmem>> -> memref<1x1x128x64xf32, #tpu.memory_space<vmem>>
    %dma_start3A_88 = tpu.memref_squeeze %dma_start3A_87 : memref<1x1x128x64xf32, #tpu.memory_space<vmem>> -> memref<128x64xf32, #tpu.memory_space<vmem>>
    %dma_start3A_89 = arith.constant 0 : i32
    %dma_start3A_90 = tpu.memref_slice %arg9[%dma_start3A_80, %dma_start3A_81, %dma_start3A_82, %dma_start3A_89] : memref<2x2x4x128xi32, #tpu.memory_space<vmem>> -> memref<1x1x1x128xi32, #tpu.memory_space<vmem>>
    %dma_start3A_91 = tpu.memref_squeeze %dma_start3A_90 : memref<1x1x1x128xi32, #tpu.memory_space<vmem>> -> memref<128xi32, #tpu.memory_space<vmem>>
    %dma_start3A_92 = arith.constant 0 : i32
    %dma_start3A_93 = arith.constant 0 : i32
    %dma_start3A_94 = tpu.memref_slice %arg7[%dma_start3A_92, %dma_start3A_93] : memref<10240x64xf32, #tpu.memory_space<vmem_shared>> -> memref<10240x64xf32, #tpu.memory_space<vmem_shared>>
    tpu.enqueue_indirect_dma source(%dma_start3A_94 : memref<10240x64xf32, #tpu.memory_space<vmem_shared>>) target(%dma_start3A_88 : memref<128x64xf32, #tpu.memory_space<vmem>>) offsets(%dma_start3A_91 : memref<128xi32, #tpu.memory_space<vmem>>) semaphore(%arg12 : memref<!tpu.dma_semaphore, #tpu.memory_space<semaphore_mem>>)
    %dma_wait3A = arith.constant 0 : i32
    %dma_wait3A_95 = arith.constant 0 : i32
    %dma_wait3A_96 = arith.constant 0 : i32
    %dma_wait3A_97 = arith.constant 0 : i32
    %dma_wait3A_98 = arith.constant 0 : i32
    %dma_wait3A_99 = arith.constant 0 : i32
    %dma_wait3A_100 = arith.constant 0 : i32
    %dma_wait3A_101 = tpu.memref_slice %arg11[%dma_wait3A_97, %dma_wait3A_98, %dma_wait3A_99, %dma_wait3A_100] : memref<2x2x128x64xf32, #tpu.memory_space<vmem>> -> memref<1x1x128x64xf32, #tpu.memory_space<vmem>>
    %dma_wait3A_102 = tpu.memref_squeeze %dma_wait3A_101 : memref<1x1x128x64xf32, #tpu.memory_space<vmem>> -> memref<128x64xf32, #tpu.memory_space<vmem>>
    %dma_wait3A_103 = arith.constant 0 : i32
    %dma_wait3A_104 = tpu.memref_slice %arg9[%dma_wait3A, %dma_wait3A_95, %dma_wait3A_96, %dma_wait3A_103] : memref<2x2x4x128xi32, #tpu.memory_space<vmem>> -> memref<1x1x1x128xi32, #tpu.memory_space<vmem>>
    %dma_wait3A_105 = tpu.memref_squeeze %dma_wait3A_104 : memref<1x1x1x128xi32, #tpu.memory_space<vmem>> -> memref<128xi32, #tpu.memory_space<vmem>>
    %dma_wait3A_106 = arith.constant 0 : i32
    %dma_wait3A_107 = arith.constant 0 : i32
    %dma_wait3A_108 = tpu.memref_slice %arg7[%dma_wait3A_106, %dma_wait3A_107] : memref<10240x64xf32, #tpu.memory_space<vmem_shared>> -> memref<10240x64xf32, #tpu.memory_space<vmem_shared>>
    tpu.wait_indirect_dma semaphore(%arg12 : memref<!tpu.dma_semaphore, #tpu.memory_space<semaphore_mem>>) src(%dma_wait3A_108 : memref<10240x64xf32, #tpu.memory_space<vmem_shared>>) dst(%dma_wait3A_102 : memref<128x64xf32, #tpu.memory_space<vmem>>)
    %dma_wait3A_109 = arith.constant 0 : i32
    %dma_wait3A_110 = arith.constant 0 : i32
    %dma_wait3A_111 = arith.constant 1 : i32
    %dma_wait3A_112 = arith.constant 0 : i32
    %dma_wait3A_113 = arith.constant 1 : i32
    %dma_wait3A_114 = arith.constant 0 : i32
    %dma_wait3A_115 = arith.constant 0 : i32
    %dma_wait3A_116 = tpu.memref_slice %arg11[%dma_wait3A_112, %dma_wait3A_113, %dma_wait3A_114, %dma_wait3A_115] : memref<2x2x128x64xf32, #tpu.memory_space<vmem>> -> memref<1x1x128x64xf32, #tpu.memory_space<vmem>>
    %dma_wait3A_117 = tpu.memref_squeeze %dma_wait3A_116 : memref<1x1x128x64xf32, #tpu.memory_space<vmem>> -> memref<128x64xf32, #tpu.memory_space<vmem>>
    %dma_wait3A_118 = arith.constant 0 : i32
    %dma_wait3A_119 = tpu.memref_slice %arg9[%dma_wait3A_109, %dma_wait3A_110, %dma_wait3A_111, %dma_wait3A_118] : memref<2x2x4x128xi32, #tpu.memory_space<vmem>> -> memref<1x1x1x128xi32, #tpu.memory_space<vmem>>
    %dma_wait3A_120 = tpu.memref_squeeze %dma_wait3A_119 : memref<1x1x1x128xi32, #tpu.memory_space<vmem>> -> memref<128xi32, #tpu.memory_space<vmem>>
    %dma_wait3A_121 = arith.constant 0 : i32
    %dma_wait3A_122 = arith.constant 0 : i32
    %dma_wait3A_123 = tpu.memref_slice %arg7[%dma_wait3A_121, %dma_wait3A_122] : memref<10240x64xf32, #tpu.memory_space<vmem_shared>> -> memref<10240x64xf32, #tpu.memory_space<vmem_shared>>
    tpu.wait_indirect_dma semaphore(%arg12 : memref<!tpu.dma_semaphore, #tpu.memory_space<semaphore_mem>>) src(%dma_wait3A_123 : memref<10240x64xf32, #tpu.memory_space<vmem_shared>>) dst(%dma_wait3A_117 : memref<128x64xf32, #tpu.memory_space<vmem>>)
    %dma_start3A_124 = arith.constant 0 : i32
    %dma_start3A_125 = arith.constant 0 : i32
    %dma_start3A_126 = arith.constant 0 : i32
    %dma_start3A_127 = arith.constant 1 : i32
    %dma_start3A_128 = arith.constant 0 : i32
    %dma_start3A_129 = arith.constant 0 : i32
    %dma_start3A_130 = arith.constant 0 : i32
    %dma_start3A_131 = tpu.memref_slice %arg11[%dma_start3A_124, %dma_start3A_125, %dma_start3A_129, %dma_start3A_130] : memref<2x2x128x64xf32, #tpu.memory_space<vmem>> -> memref<1x1x128x64xf32, #tpu.memory_space<vmem>>
    %dma_start3A_132 = tpu.memref_squeeze %dma_start3A_131 : memref<1x1x128x64xf32, #tpu.memory_space<vmem>> -> memref<128x64xf32, #tpu.memory_space<vmem>>
    %dma_start3A_133 = arith.constant 0 : i32
    %dma_start3A_134 = tpu.memref_slice %arg9[%dma_start3A_126, %dma_start3A_127, %dma_start3A_128, %dma_start3A_133] : memref<2x2x4x128xi32, #tpu.memory_space<vmem>> -> memref<1x1x1x128xi32, #tpu.memory_space<vmem>>
    %dma_start3A_135 = tpu.memref_squeeze %dma_start3A_134 : memref<1x1x1x128xi32, #tpu.memory_space<vmem>> -> memref<128xi32, #tpu.memory_space<vmem>>
    %dma_start3A_136 = arith.constant 0 : i32
    %dma_start3A_137 = arith.constant 0 : i32
    %dma_start3A_138 = tpu.memref_slice %arg8[%dma_start3A_136, %dma_start3A_137] : memref<10240x64xf32, #tpu.memory_space<vmem_shared>> -> memref<10240x64xf32, #tpu.memory_space<vmem_shared>>
    tpu.enqueue_indirect_dma source(%dma_start3A_132 : memref<128x64xf32, #tpu.memory_space<vmem>>) target(%dma_start3A_138 : memref<10240x64xf32, #tpu.memory_space<vmem_shared>>) offsets(%dma_start3A_135 : memref<128xi32, #tpu.memory_space<vmem>>) semaphore(%arg14 : memref<!tpu.dma_semaphore, #tpu.memory_space<semaphore_mem>>) {add = true}
    %dma_start3A_139 = arith.constant 0 : i32
    %dma_start3A_140 = arith.constant 1 : i32
    %dma_start3A_141 = arith.constant 0 : i32
    %dma_start3A_142 = arith.constant 1 : i32
    %dma_start3A_143 = arith.constant 1 : i32
    %dma_start3A_144 = arith.constant 0 : i32
    %dma_start3A_145 = arith.constant 0 : i32
    %dma_start3A_146 = tpu.memref_slice %arg11[%dma_start3A_139, %dma_start3A_140, %dma_start3A_144, %dma_start3A_145] : memref<2x2x128x64xf32, #tpu.memory_space<vmem>> -> memref<1x1x128x64xf32, #tpu.memory_space<vmem>>
    %dma_start3A_147 = tpu.memref_squeeze %dma_start3A_146 : memref<1x1x128x64xf32, #tpu.memory_space<vmem>> -> memref<128x64xf32, #tpu.memory_space<vmem>>
    %dma_start3A_148 = arith.constant 0 : i32
    %dma_start3A_149 = tpu.memref_slice %arg9[%dma_start3A_141, %dma_start3A_142, %dma_start3A_143, %dma_start3A_148] : memref<2x2x4x128xi32, #tpu.memory_space<vmem>> -> memref<1x1x1x128xi32, #tpu.memory_space<vmem>>
    %dma_start3A_150 = tpu.memref_squeeze %dma_start3A_149 : memref<1x1x1x128xi32, #tpu.memory_space<vmem>> -> memref<128xi32, #tpu.memory_space<vmem>>
    %dma_start3A_151 = arith.constant 0 : i32
    %dma_start3A_152 = arith.constant 0 : i32
    %dma_start3A_153 = tpu.memref_slice %arg8[%dma_start3A_151, %dma_start3A_152] : memref<10240x64xf32, #tpu.memory_space<vmem_shared>> -> memref<10240x64xf32, #tpu.memory_space<vmem_shared>>
    tpu.enqueue_indirect_dma source(%dma_start3A_147 : memref<128x64xf32, #tpu.memory_space<vmem>>) target(%dma_start3A_153 : memref<10240x64xf32, #tpu.memory_space<vmem_shared>>) offsets(%dma_start3A_150 : memref<128xi32, #tpu.memory_space<vmem>>) semaphore(%arg14 : memref<!tpu.dma_semaphore, #tpu.memory_space<semaphore_mem>>) {add = true}
    %dma_wait3A_154 = arith.constant 0 : i32
    %dma_wait3A_155 = arith.constant 0 : i32
    %dma_wait3A_156 = arith.constant 0 : i32
    %dma_wait3A_157 = arith.constant 1 : i32
    %dma_wait3A_158 = arith.constant 0 : i32
    %dma_wait3A_159 = arith.constant 0 : i32
    %dma_wait3A_160 = arith.constant 0 : i32
    %dma_wait3A_161 = tpu.memref_slice %arg11[%dma_wait3A_154, %dma_wait3A_155, %dma_wait3A_159, %dma_wait3A_160] : memref<2x2x128x64xf32, #tpu.memory_space<vmem>> -> memref<1x1x128x64xf32, #tpu.memory_space<vmem>>
    %dma_wait3A_162 = tpu.memref_squeeze %dma_wait3A_161 : memref<1x1x128x64xf32, #tpu.memory_space<vmem>> -> memref<128x64xf32, #tpu.memory_space<vmem>>
    %dma_wait3A_163 = arith.constant 0 : i32
    %dma_wait3A_164 = tpu.memref_slice %arg9[%dma_wait3A_156, %dma_wait3A_157, %dma_wait3A_158, %dma_wait3A_163] : memref<2x2x4x128xi32, #tpu.memory_space<vmem>> -> memref<1x1x1x128xi32, #tpu.memory_space<vmem>>
    %dma_wait3A_165 = tpu.memref_squeeze %dma_wait3A_164 : memref<1x1x1x128xi32, #tpu.memory_space<vmem>> -> memref<128xi32, #tpu.memory_space<vmem>>
    %dma_wait3A_166 = arith.constant 0 : i32
    %dma_wait3A_167 = arith.constant 0 : i32
    %dma_wait3A_168 = tpu.memref_slice %arg8[%dma_wait3A_166, %dma_wait3A_167] : memref<10240x64xf32, #tpu.memory_space<vmem_shared>> -> memref<10240x64xf32, #tpu.memory_space<vmem_shared>>
    tpu.wait_indirect_dma semaphore(%arg14 : memref<!tpu.dma_semaphore, #tpu.memory_space<semaphore_mem>>) src(%dma_wait3A_162 : memref<128x64xf32, #tpu.memory_space<vmem>>) dst(%dma_wait3A_168 : memref<10240x64xf32, #tpu.memory_space<vmem_shared>>)
    %dma_wait3A_169 = arith.constant 0 : i32
    %dma_wait3A_170 = arith.constant 1 : i32
    %dma_wait3A_171 = arith.constant 0 : i32
    %dma_wait3A_172 = arith.constant 1 : i32
    %dma_wait3A_173 = arith.constant 1 : i32
    %dma_wait3A_174 = arith.constant 0 : i32
    %dma_wait3A_175 = arith.constant 0 : i32
    %dma_wait3A_176 = tpu.memref_slice %arg11[%dma_wait3A_169, %dma_wait3A_170, %dma_wait3A_174, %dma_wait3A_175] : memref<2x2x128x64xf32, #tpu.memory_space<vmem>> -> memref<1x1x128x64xf32, #tpu.memory_space<vmem>>
    %dma_wait3A_177 = tpu.memref_squeeze %dma_wait3A_176 : memref<1x1x128x64xf32, #tpu.memory_space<vmem>> -> memref<128x64xf32, #tpu.memory_space<vmem>>
    %dma_wait3A_178 = arith.constant 0 : i32
    %dma_wait3A_179 = tpu.memref_slice %arg9[%dma_wait3A_171, %dma_wait3A_172, %dma_wait3A_173, %dma_wait3A_178] : memref<2x2x4x128xi32, #tpu.memory_space<vmem>> -> memref<1x1x1x128xi32, #tpu.memory_space<vmem>>
    %dma_wait3A_180 = tpu.memref_squeeze %dma_wait3A_179 : memref<1x1x1x128xi32, #tpu.memory_space<vmem>> -> memref<128xi32, #tpu.memory_space<vmem>>
    %dma_wait3A_181 = arith.constant 0 : i32
    %dma_wait3A_182 = arith.constant 0 : i32
    %dma_wait3A_183 = tpu.memref_slice %arg8[%dma_wait3A_181, %dma_wait3A_182] : memref<10240x64xf32, #tpu.memory_space<vmem_shared>> -> memref<10240x64xf32, #tpu.memory_space<vmem_shared>>
    tpu.wait_indirect_dma semaphore(%arg14 : memref<!tpu.dma_semaphore, #tpu.memory_space<semaphore_mem>>) src(%dma_wait3A_177 : memref<128x64xf32, #tpu.memory_space<vmem>>) dst(%dma_wait3A_183 : memref<10240x64xf32, #tpu.memory_space<vmem_shared>>)
    %lt3A_184 = arith.constant 4 : i32
    %lt3A_185 = arith.cmpi slt, %add3A, %lt3A_184 : i32
    %convert_element_type3A_186 = arith.extui %lt3A_185 : i1 to i32
    %cond3A_187 = arith.constant 0 : i32
    %cond3A_188 = arith.cmpi ne, %convert_element_type3A_186, %cond3A_187 : i32
    scf.if %cond3A_188 {
      %dma_start3A_200 = arith.constant 0 : i32
      %dma_start3A_201 = arith.constant 0 : i32
      %dma_start3A_202 = arith.constant 1 : i32
      %dma_start3A_203 = arith.constant 0 : i32
      %dma_start3A_204 = arith.constant 0 : i32
      %dma_start3A_205 = arith.constant 0 : i32
      %dma_start3A_206 = tpu.memref_slice %arg11[%dma_start3A_202, %dma_start3A_203, %dma_start3A_204, %dma_start3A_205] : memref<2x2x128x64xf32, #tpu.memory_space<vmem>> -> memref<1x1x128x64xf32, #tpu.memory_space<vmem>>
      %dma_start3A_207 = tpu.memref_squeeze %dma_start3A_206 : memref<1x1x128x64xf32, #tpu.memory_space<vmem>> -> memref<128x64xf32, #tpu.memory_space<vmem>>
      %dma_start3A_208 = arith.constant 0 : i32
      %dma_start3A_209 = tpu.memref_slice %arg10[%dma_start3A_200, %dma_start3A_201, %dma_start3A_208] : memref<2x1x128xi32, #tpu.memory_space<vmem>> -> memref<1x1x128xi32, #tpu.memory_space<vmem>>
      %dma_start3A_210 = tpu.memref_squeeze %dma_start3A_209 : memref<1x1x128xi32, #tpu.memory_space<vmem>> -> memref<128xi32, #tpu.memory_space<vmem>>
      %dma_start3A_211 = arith.constant 0 : i32
      %dma_start3A_212 = arith.constant 0 : i32
      %dma_start3A_213 = tpu.memref_slice %arg7[%dma_start3A_211, %dma_start3A_212] : memref<10240x64xf32, #tpu.memory_space<vmem_shared>> -> memref<10240x64xf32, #tpu.memory_space<vmem_shared>>
      tpu.enqueue_indirect_dma source(%dma_start3A_213 : memref<10240x64xf32, #tpu.memory_space<vmem_shared>>) target(%dma_start3A_207 : memref<128x64xf32, #tpu.memory_space<vmem>>) offsets(%dma_start3A_210 : memref<128xi32, #tpu.memory_space<vmem>>) semaphore(%arg13 : memref<!tpu.dma_semaphore, #tpu.memory_space<semaphore_mem>>)
      %dma_wait3A_214 = arith.constant 0 : i32
      %dma_wait3A_215 = arith.constant 0 : i32
      %dma_wait3A_216 = arith.constant 1 : i32
      %dma_wait3A_217 = arith.constant 0 : i32
      %dma_wait3A_218 = arith.constant 0 : i32
      %dma_wait3A_219 = arith.constant 0 : i32
      %dma_wait3A_220 = tpu.memref_slice %arg11[%dma_wait3A_216, %dma_wait3A_217, %dma_wait3A_218, %dma_wait3A_219] : memref<2x2x128x64xf32, #tpu.memory_space<vmem>> -> memref<1x1x128x64xf32, #tpu.memory_space<vmem>>
      %dma_wait3A_221 = tpu.memref_squeeze %dma_wait3A_220 : memref<1x1x128x64xf32, #tpu.memory_space<vmem>> -> memref<128x64xf32, #tpu.memory_space<vmem>>
      %dma_wait3A_222 = arith.constant 0 : i32
      %dma_wait3A_223 = tpu.memref_slice %arg10[%dma_wait3A_214, %dma_wait3A_215, %dma_wait3A_222] : memref<2x1x128xi32, #tpu.memory_space<vmem>> -> memref<1x1x128xi32, #tpu.memory_space<vmem>>
      %dma_wait3A_224 = tpu.memref_squeeze %dma_wait3A_223 : memref<1x1x128xi32, #tpu.memory_space<vmem>> -> memref<128xi32, #tpu.memory_space<vmem>>
      %dma_wait3A_225 = arith.constant 0 : i32
      %dma_wait3A_226 = arith.constant 0 : i32
      %dma_wait3A_227 = tpu.memref_slice %arg7[%dma_wait3A_225, %dma_wait3A_226] : memref<10240x64xf32, #tpu.memory_space<vmem_shared>> -> memref<10240x64xf32, #tpu.memory_space<vmem_shared>>
      tpu.wait_indirect_dma semaphore(%arg13 : memref<!tpu.dma_semaphore, #tpu.memory_space<semaphore_mem>>) src(%dma_wait3A_227 : memref<10240x64xf32, #tpu.memory_space<vmem_shared>>) dst(%dma_wait3A_221 : memref<128x64xf32, #tpu.memory_space<vmem>>)
      %dma_start3A_228 = arith.constant 1 : i32
      %dma_start3A_229 = arith.constant 0 : i32
      %dma_start3A_230 = arith.constant 1 : i32
      %dma_start3A_231 = arith.constant 0 : i32
      %dma_start3A_232 = arith.constant 0 : i32
      %dma_start3A_233 = arith.constant 0 : i32
      %dma_start3A_234 = tpu.memref_slice %arg11[%dma_start3A_228, %dma_start3A_229, %dma_start3A_232, %dma_start3A_233] : memref<2x2x128x64xf32, #tpu.memory_space<vmem>> -> memref<1x1x128x64xf32, #tpu.memory_space<vmem>>
      %dma_start3A_235 = tpu.memref_squeeze %dma_start3A_234 : memref<1x1x128x64xf32, #tpu.memory_space<vmem>> -> memref<128x64xf32, #tpu.memory_space<vmem>>
      %dma_start3A_236 = arith.constant 0 : i32
      %dma_start3A_237 = tpu.memref_slice %arg10[%dma_start3A_230, %dma_start3A_231, %dma_start3A_236] : memref<2x1x128xi32, #tpu.memory_space<vmem>> -> memref<1x1x128xi32, #tpu.memory_space<vmem>>
      %dma_start3A_238 = tpu.memref_squeeze %dma_start3A_237 : memref<1x1x128xi32, #tpu.memory_space<vmem>> -> memref<128xi32, #tpu.memory_space<vmem>>
      %dma_start3A_239 = arith.constant 0 : i32
      %dma_start3A_240 = arith.constant 0 : i32
      %dma_start3A_241 = tpu.memref_slice %arg8[%dma_start3A_239, %dma_start3A_240] : memref<10240x64xf32, #tpu.memory_space<vmem_shared>> -> memref<10240x64xf32, #tpu.memory_space<vmem_shared>>
      tpu.enqueue_indirect_dma source(%dma_start3A_235 : memref<128x64xf32, #tpu.memory_space<vmem>>) target(%dma_start3A_241 : memref<10240x64xf32, #tpu.memory_space<vmem_shared>>) offsets(%dma_start3A_238 : memref<128xi32, #tpu.memory_space<vmem>>) semaphore(%arg15 : memref<!tpu.dma_semaphore, #tpu.memory_space<semaphore_mem>>) {add = true}
      %dma_wait3A_242 = arith.constant 1 : i32
      %dma_wait3A_243 = arith.constant 0 : i32
      %dma_wait3A_244 = arith.constant 1 : i32
      %dma_wait3A_245 = arith.constant 0 : i32
      %dma_wait3A_246 = arith.constant 0 : i32
      %dma_wait3A_247 = arith.constant 0 : i32
      %dma_wait3A_248 = tpu.memref_slice %arg11[%dma_wait3A_242, %dma_wait3A_243, %dma_wait3A_246, %dma_wait3A_247] : memref<2x2x128x64xf32, #tpu.memory_space<vmem>> -> memref<1x1x128x64xf32, #tpu.memory_space<vmem>>
      %dma_wait3A_249 = tpu.memref_squeeze %dma_wait3A_248 : memref<1x1x128x64xf32, #tpu.memory_space<vmem>> -> memref<128x64xf32, #tpu.memory_space<vmem>>
      %dma_wait3A_250 = arith.constant 0 : i32
      %dma_wait3A_251 = tpu.memref_slice %arg10[%dma_wait3A_244, %dma_wait3A_245, %dma_wait3A_250] : memref<2x1x128xi32, #tpu.memory_space<vmem>> -> memref<1x1x128xi32, #tpu.memory_space<vmem>>
      %dma_wait3A_252 = tpu.memref_squeeze %dma_wait3A_251 : memref<1x1x128xi32, #tpu.memory_space<vmem>> -> memref<128xi32, #tpu.memory_space<vmem>>
      %dma_wait3A_253 = arith.constant 0 : i32
      %dma_wait3A_254 = arith.constant 0 : i32
      %dma_wait3A_255 = tpu.memref_slice %arg8[%dma_wait3A_253, %dma_wait3A_254] : memref<10240x64xf32, #tpu.memory_space<vmem_shared>> -> memref<10240x64xf32, #tpu.memory_space<vmem_shared>>
      tpu.wait_indirect_dma semaphore(%arg15 : memref<!tpu.dma_semaphore, #tpu.memory_space<semaphore_mem>>) src(%dma_wait3A_249 : memref<128x64xf32, #tpu.memory_space<vmem>>) dst(%dma_wait3A_255 : memref<10240x64xf32, #tpu.memory_space<vmem_shared>>)
    } else {
    }
    %barrier3A_189 = arith.constant 0 : index
    tpu.barrier barrier_id(%barrier3A_189)
    %eq3A_190 = arith.constant 0 : i32
    %eq3A_191 = arith.cmpi eq, %arg0, %eq3A_190 : i32
    %convert_element_type3A_192 = arith.extui %eq3A_191 : i1 to i32
    %cond3A_193 = arith.constant 0 : i32
    %cond3A_194 = arith.cmpi ne, %convert_element_type3A_192, %cond3A_193 : i32
    scf.if %cond3A_194 {
      "tpu.region"() ({
        %run_scoped3A_200 = tpu.sem_alloc : memref<!tpu.dma_semaphore, #tpu.memory_space<semaphore_mem>>
        %dma_start3A_201 = arith.constant 0 : i32
        %dma_start3A_202 = tpu.memref_slice %arg5[%mul3A_2, %dma_start3A_201] : memref<10240x64xf32, #tpu.memory_space<hbm>> -> memref<640x64xf32, #tpu.memory_space<hbm>>
        %dma_start3A_203 = arith.constant 0 : i32
        %dma_start3A_204 = tpu.memref_slice %arg8[%mul3A_2, %dma_start3A_203] : memref<10240x64xf32, #tpu.memory_space<vmem_shared>> -> memref<640x64xf32, #tpu.memory_space<vmem_shared>>
        tpu.enqueue_dma source(%dma_start3A_204 : memref<640x64xf32, #tpu.memory_space<vmem_shared>>) target(%dma_start3A_202 : memref<640x64xf32, #tpu.memory_space<hbm>>) target_semaphore(%run_scoped3A_200 : memref<!tpu.dma_semaphore, #tpu.memory_space<semaphore_mem>>)
        %dma_wait3A_205 = arith.constant 0 : i32
        %dma_wait3A_206 = tpu.memref_slice %arg5[%mul3A_2, %dma_wait3A_205] : memref<10240x64xf32, #tpu.memory_space<hbm>> -> memref<640x64xf32, #tpu.memory_space<hbm>>
        %dma_wait3A_207 = arith.constant 0 : i32
        %dma_wait3A_208 = tpu.memref_slice %arg8[%mul3A_2, %dma_wait3A_207] : memref<10240x64xf32, #tpu.memory_space<vmem_shared>> -> memref<640x64xf32, #tpu.memory_space<vmem_shared>>
        tpu.wait_dma2 semaphore(%run_scoped3A_200 : memref<!tpu.dma_semaphore, #tpu.memory_space<semaphore_mem>>) src(%dma_wait3A_208 : memref<640x64xf32, #tpu.memory_space<vmem_shared>>) dst(%dma_wait3A_206 : memref<640x64xf32, #tpu.memory_space<hbm>>)
        tpu.yield
      }) : () -> ()
    } else {
    }
    %eq3A_195 = arith.constant 1 : i32
    %eq3A_196 = arith.cmpi eq, %arg0, %eq3A_195 : i32
    %convert_element_type3A_197 = arith.extui %eq3A_196 : i1 to i32
    %cond3A_198 = arith.constant 0 : i32
    %cond3A_199 = arith.cmpi ne, %convert_element_type3A_197, %cond3A_198 : i32
    scf.if %cond3A_199 {
      "tpu.region"() ({
        %run_scoped3A_200 = tpu.sem_alloc : memref<!tpu.dma_semaphore, #tpu.memory_space<semaphore_mem>>
        %dma_start3A_201 = arith.constant 0 : i32
        %dma_start3A_202 = tpu.memref_slice %arg6[%mul3A_2, %dma_start3A_201] : memref<10240x64xf32, #tpu.memory_space<hbm>> -> memref<640x64xf32, #tpu.memory_space<hbm>>
        %dma_start3A_203 = arith.constant 0 : i32
        %dma_start3A_204 = tpu.memref_slice %arg8[%mul3A_2, %dma_start3A_203] : memref<10240x64xf32, #tpu.memory_space<vmem_shared>> -> memref<640x64xf32, #tpu.memory_space<vmem_shared>>
        tpu.enqueue_dma source(%dma_start3A_204 : memref<640x64xf32, #tpu.memory_space<vmem_shared>>) target(%dma_start3A_202 : memref<640x64xf32, #tpu.memory_space<hbm>>) target_semaphore(%run_scoped3A_200 : memref<!tpu.dma_semaphore, #tpu.memory_space<semaphore_mem>>)
        %dma_wait3A_205 = arith.constant 0 : i32
        %dma_wait3A_206 = tpu.memref_slice %arg6[%mul3A_2, %dma_wait3A_205] : memref<10240x64xf32, #tpu.memory_space<hbm>> -> memref<640x64xf32, #tpu.memory_space<hbm>>
        %dma_wait3A_207 = arith.constant 0 : i32
        %dma_wait3A_208 = tpu.memref_slice %arg8[%mul3A_2, %dma_wait3A_207] : memref<10240x64xf32, #tpu.memory_space<vmem_shared>> -> memref<640x64xf32, #tpu.memory_space<vmem_shared>>
        tpu.wait_dma2 semaphore(%run_scoped3A_200 : memref<!tpu.dma_semaphore, #tpu.memory_space<semaphore_mem>>) src(%dma_wait3A_208 : memref<640x64xf32, #tpu.memory_space<vmem_shared>>) dst(%dma_wait3A_206 : memref<640x64xf32, #tpu.memory_space<hbm>>)
        tpu.yield
      }) : () -> ()
    } else {
    }
    return
  }
}

#map = affine_map<(d0, d1) -> (0, 0, 0)>
module attributes {stable_mosaic.version = 14 : i64} {
  func.func @_hist_body(%arg0: i32, %arg1: i32, %arg2: memref<2x2500x128xi32, #tpu.memory_space<hbm>>, %arg3: memref<2x2x10240xf32, #tpu.memory_space<hbm>>, %arg4: memref<10240xf32, #tpu.memory_space<vmem_shared>>, %arg5: memref<10240xf32, #tpu.memory_space<vmem_shared>>, %arg6: memref<128xf32, #tpu.memory_space<vmem>>, %arg7: memref<640xf32, #tpu.memory_space<vmem>>, %arg8: memref<2x78x128xi32, #tpu.memory_space<vmem>>, %arg9: memref<2x1x128xi32, #tpu.memory_space<vmem>>, %arg10: memref<!tpu.dma_semaphore, #tpu.memory_space<semaphore_mem>>) attributes {dimension_semantics = [#tpu.dimension_semantics<core_parallel>, #tpu.dimension_semantics<subcore_parallel>], iteration_bounds = array<i64: 2, 16>, scalar_prefetch = 0 : i64, scratch_operands = 7 : i64, tpu.core_type = #tpu.core_type<sc_vector_subcore>, window_params = [{transform_indices = #map}, {transform_indices = #map}]} {
    %mul3A = arith.constant 16 : i32
    %mul3A_0 = arith.muli %arg0, %mul3A : i32
    %add3A = arith.addi %mul3A_0, %arg1 : i32
    %broadcast_in_dim3A = arith.constant 1.000000e+00 : f32
    %broadcast_in_dim3A_1 = vector.broadcast %broadcast_in_dim3A : f32 to vector<16xf32>
    %swap3A = arith.constant 0 : index
    %swap3A_2 = tpu.vector_load %arg6[%swap3A] {strides = array<i32>} : memref<128xf32, #tpu.memory_space<vmem>>, vector<16xf32>,
    %swap3A_3 = vector.shape_cast %swap3A_2 : vector<16xf32> to vector<16xf32>
    %swap3A_4 = vector.shape_cast %broadcast_in_dim3A_1 : vector<16xf32> to vector<16xf32>
    tpu.vector_store %arg6[%swap3A], %swap3A_4 {strides = array<i32>} : memref<128xf32, #tpu.memory_space<vmem>>, vector<16xf32>,
    %broadcast_in_dim3A_5 = arith.constant 1.000000e+00 : f32
    %broadcast_in_dim3A_6 = vector.broadcast %broadcast_in_dim3A_5 : f32 to vector<16xf32>
    %swap3A_7 = arith.constant 16 : index
    %swap3A_8 = tpu.vector_load %arg6[%swap3A_7] {strides = array<i32>} : memref<128xf32, #tpu.memory_space<vmem>>, vector<16xf32>,
    %swap3A_9 = vector.shape_cast %swap3A_8 : vector<16xf32> to vector<16xf32>
    %swap3A_10 = vector.shape_cast %broadcast_in_dim3A_6 : vector<16xf32> to vector<16xf32>
    tpu.vector_store %arg6[%swap3A_7], %swap3A_10 {strides = array<i32>} : memref<128xf32, #tpu.memory_space<vmem>>, vector<16xf32>,
    %broadcast_in_dim3A_11 = arith.constant 1.000000e+00 : f32
    %broadcast_in_dim3A_12 = vector.broadcast %broadcast_in_dim3A_11 : f32 to vector<16xf32>
    %swap3A_13 = arith.constant 32 : index
    %swap3A_14 = tpu.vector_load %arg6[%swap3A_13] {strides = array<i32>} : memref<128xf32, #tpu.memory_space<vmem>>, vector<16xf32>,
    %swap3A_15 = vector.shape_cast %swap3A_14 : vector<16xf32> to vector<16xf32>
    %swap3A_16 = vector.shape_cast %broadcast_in_dim3A_12 : vector<16xf32> to vector<16xf32>
    tpu.vector_store %arg6[%swap3A_13], %swap3A_16 {strides = array<i32>} : memref<128xf32, #tpu.memory_space<vmem>>, vector<16xf32>,
    %broadcast_in_dim3A_17 = arith.constant 1.000000e+00 : f32
    %broadcast_in_dim3A_18 = vector.broadcast %broadcast_in_dim3A_17 : f32 to vector<16xf32>
    %swap3A_19 = arith.constant 48 : index
    %swap3A_20 = tpu.vector_load %arg6[%swap3A_19] {strides = array<i32>} : memref<128xf32, #tpu.memory_space<vmem>>, vector<16xf32>,
    %swap3A_21 = vector.shape_cast %swap3A_20 : vector<16xf32> to vector<16xf32>
    %swap3A_22 = vector.shape_cast %broadcast_in_dim3A_18 : vector<16xf32> to vector<16xf32>
    tpu.vector_store %arg6[%swap3A_19], %swap3A_22 {strides = array<i32>} : memref<128xf32, #tpu.memory_space<vmem>>, vector<16xf32>,
    %broadcast_in_dim3A_23 = arith.constant 1.000000e+00 : f32
    %broadcast_in_dim3A_24 = vector.broadcast %broadcast_in_dim3A_23 : f32 to vector<16xf32>
    %swap3A_25 = arith.constant 64 : index
    %swap3A_26 = tpu.vector_load %arg6[%swap3A_25] {strides = array<i32>} : memref<128xf32, #tpu.memory_space<vmem>>, vector<16xf32>,
    %swap3A_27 = vector.shape_cast %swap3A_26 : vector<16xf32> to vector<16xf32>
    %swap3A_28 = vector.shape_cast %broadcast_in_dim3A_24 : vector<16xf32> to vector<16xf32>
    tpu.vector_store %arg6[%swap3A_25], %swap3A_28 {strides = array<i32>} : memref<128xf32, #tpu.memory_space<vmem>>, vector<16xf32>,
    %broadcast_in_dim3A_29 = arith.constant 1.000000e+00 : f32
    %broadcast_in_dim3A_30 = vector.broadcast %broadcast_in_dim3A_29 : f32 to vector<16xf32>
    %swap3A_31 = arith.constant 80 : index
    %swap3A_32 = tpu.vector_load %arg6[%swap3A_31] {strides = array<i32>} : memref<128xf32, #tpu.memory_space<vmem>>, vector<16xf32>,
    %swap3A_33 = vector.shape_cast %swap3A_32 : vector<16xf32> to vector<16xf32>
    %swap3A_34 = vector.shape_cast %broadcast_in_dim3A_30 : vector<16xf32> to vector<16xf32>
    tpu.vector_store %arg6[%swap3A_31], %swap3A_34 {strides = array<i32>} : memref<128xf32, #tpu.memory_space<vmem>>, vector<16xf32>,
    %broadcast_in_dim3A_35 = arith.constant 1.000000e+00 : f32
    %broadcast_in_dim3A_36 = vector.broadcast %broadcast_in_dim3A_35 : f32 to vector<16xf32>
    %swap3A_37 = arith.constant 96 : index
    %swap3A_38 = tpu.vector_load %arg6[%swap3A_37] {strides = array<i32>} : memref<128xf32, #tpu.memory_space<vmem>>, vector<16xf32>,
    %swap3A_39 = vector.shape_cast %swap3A_38 : vector<16xf32> to vector<16xf32>
    %swap3A_40 = vector.shape_cast %broadcast_in_dim3A_36 : vector<16xf32> to vector<16xf32>
    tpu.vector_store %arg6[%swap3A_37], %swap3A_40 {strides = array<i32>} : memref<128xf32, #tpu.memory_space<vmem>>, vector<16xf32>,
    %broadcast_in_dim3A_41 = arith.constant 1.000000e+00 : f32
    %broadcast_in_dim3A_42 = vector.broadcast %broadcast_in_dim3A_41 : f32 to vector<16xf32>
    %swap3A_43 = arith.constant 112 : index
    %swap3A_44 = tpu.vector_load %arg6[%swap3A_43] {strides = array<i32>} : memref<128xf32, #tpu.memory_space<vmem>>, vector<16xf32>,
    %swap3A_45 = vector.shape_cast %swap3A_44 : vector<16xf32> to vector<16xf32>
    %swap3A_46 = vector.shape_cast %broadcast_in_dim3A_42 : vector<16xf32> to vector<16xf32>
    tpu.vector_store %arg6[%swap3A_43], %swap3A_46 {strides = array<i32>} : memref<128xf32, #tpu.memory_space<vmem>>, vector<16xf32>,
    %broadcast_in_dim3A_47 = arith.constant 0.000000e+00 : f32
    %broadcast_in_dim3A_48 = vector.broadcast %broadcast_in_dim3A_47 : f32 to vector<16xf32>
    %swap3A_49 = arith.constant 0 : index
    %swap3A_50 = tpu.vector_load %arg7[%swap3A_49] {strides = array<i32>} : memref<640xf32, #tpu.memory_space<vmem>>, vector<16xf32>,
    %swap3A_51 = vector.shape_cast %swap3A_50 : vector<16xf32> to vector<16xf32>
    %swap3A_52 = vector.shape_cast %broadcast_in_dim3A_48 : vector<16xf32> to vector<16xf32>
    tpu.vector_store %arg7[%swap3A_49], %swap3A_52 {strides = array<i32>} : memref<640xf32, #tpu.memory_space<vmem>>, vector<16xf32>,
    %broadcast_in_dim3A_53 = arith.constant 0.000000e+00 : f32
    %broadcast_in_dim3A_54 = vector.broadcast %broadcast_in_dim3A_53 : f32 to vector<16xf32>
    %swap3A_55 = arith.constant 16 : index
    %swap3A_56 = tpu.vector_load %arg7[%swap3A_55] {strides = array<i32>} : memref<640xf32, #tpu.memory_space<vmem>>, vector<16xf32>,
    %swap3A_57 = vector.shape_cast %swap3A_56 : vector<16xf32> to vector<16xf32>
    %swap3A_58 = vector.shape_cast %broadcast_in_dim3A_54 : vector<16xf32> to vector<16xf32>
    tpu.vector_store %arg7[%swap3A_55], %swap3A_58 {strides = array<i32>} : memref<640xf32, #tpu.memory_space<vmem>>, vector<16xf32>,
    %broadcast_in_dim3A_59 = arith.constant 0.000000e+00 : f32
    %broadcast_in_dim3A_60 = vector.broadcast %broadcast_in_dim3A_59 : f32 to vector<16xf32>
    %swap3A_61 = arith.constant 32 : index
    %swap3A_62 = tpu.vector_load %arg7[%swap3A_61] {strides = array<i32>} : memref<640xf32, #tpu.memory_space<vmem>>, vector<16xf32>,
    %swap3A_63 = vector.shape_cast %swap3A_62 : vector<16xf32> to vector<16xf32>
    %swap3A_64 = vector.shape_cast %broadcast_in_dim3A_60 : vector<16xf32> to vector<16xf32>
    tpu.vector_store %arg7[%swap3A_61], %swap3A_64 {strides = array<i32>} : memref<640xf32, #tpu.memory_space<vmem>>, vector<16xf32>,
    %broadcast_in_dim3A_65 = arith.constant 0.000000e+00 : f32
    %broadcast_in_dim3A_66 = vector.broadcast %broadcast_in_dim3A_65 : f32 to vector<16xf32>
    %swap3A_67 = arith.constant 48 : index
    %swap3A_68 = tpu.vector_load %arg7[%swap3A_67] {strides = array<i32>} : memref<640xf32, #tpu.memory_space<vmem>>, vector<16xf32>,
    %swap3A_69 = vector.shape_cast %swap3A_68 : vector<16xf32> to vector<16xf32>
    %swap3A_70 = vector.shape_cast %broadcast_in_dim3A_66 : vector<16xf32> to vector<16xf32>
    tpu.vector_store %arg7[%swap3A_67], %swap3A_70 {strides = array<i32>} : memref<640xf32, #tpu.memory_space<vmem>>, vector<16xf32>,
    %broadcast_in_dim3A_71 = arith.constant 0.000000e+00 : f32
    %broadcast_in_dim3A_72 = vector.broadcast %broadcast_in_dim3A_71 : f32 to vector<16xf32>
    %swap3A_73 = arith.constant 64 : index
    %swap3A_74 = tpu.vector_load %arg7[%swap3A_73] {strides = array<i32>} : memref<640xf32, #tpu.memory_space<vmem>>, vector<16xf32>,
    %swap3A_75 = vector.shape_cast %swap3A_74 : vector<16xf32> to vector<16xf32>
    %swap3A_76 = vector.shape_cast %broadcast_in_dim3A_72 : vector<16xf32> to vector<16xf32>
    tpu.vector_store %arg7[%swap3A_73], %swap3A_76 {strides = array<i32>} : memref<640xf32, #tpu.memory_space<vmem>>, vector<16xf32>,
    %broadcast_in_dim3A_77 = arith.constant 0.000000e+00 : f32
    %broadcast_in_dim3A_78 = vector.broadcast %broadcast_in_dim3A_77 : f32 to vector<16xf32>
    %swap3A_79 = arith.constant 80 : index
    %swap3A_80 = tpu.vector_load %arg7[%swap3A_79] {strides = array<i32>} : memref<640xf32, #tpu.memory_space<vmem>>, vector<16xf32>,
    %swap3A_81 = vector.shape_cast %swap3A_80 : vector<16xf32> to vector<16xf32>
    %swap3A_82 = vector.shape_cast %broadcast_in_dim3A_78 : vector<16xf32> to vector<16xf32>
    tpu.vector_store %arg7[%swap3A_79], %swap3A_82 {strides = array<i32>} : memref<640xf32, #tpu.memory_space<vmem>>, vector<16xf32>,
    %broadcast_in_dim3A_83 = arith.constant 0.000000e+00 : f32
    %broadcast_in_dim3A_84 = vector.broadcast %broadcast_in_dim3A_83 : f32 to vector<16xf32>
    %swap3A_85 = arith.constant 96 : index
    %swap3A_86 = tpu.vector_load %arg7[%swap3A_85] {strides = array<i32>} : memref<640xf32, #tpu.memory_space<vmem>>, vector<16xf32>,
    %swap3A_87 = vector.shape_cast %swap3A_86 : vector<16xf32> to vector<16xf32>
    %swap3A_88 = vector.shape_cast %broadcast_in_dim3A_84 : vector<16xf32> to vector<16xf32>
    tpu.vector_store %arg7[%swap3A_85], %swap3A_88 {strides = array<i32>} : memref<640xf32, #tpu.memory_space<vmem>>, vector<16xf32>,
    %broadcast_in_dim3A_89 = arith.constant 0.000000e+00 : f32
    %broadcast_in_dim3A_90 = vector.broadcast %broadcast_in_dim3A_89 : f32 to vector<16xf32>
    %swap3A_91 = arith.constant 112 : index
    %swap3A_92 = tpu.vector_load %arg7[%swap3A_91] {strides = array<i32>} : memref<640xf32, #tpu.memory_space<vmem>>, vector<16xf32>,
    %swap3A_93 = vector.shape_cast %swap3A_92 : vector<16xf32> to vector<16xf32>
    %swap3A_94 = vector.shape_cast %broadcast_in_dim3A_90 : vector<16xf32> to vector<16xf32>
    tpu.vector_store %arg7[%swap3A_91], %swap3A_94 {strides = array<i32>} : memref<640xf32, #tpu.memory_space<vmem>>, vector<16xf32>,
    %broadcast_in_dim3A_95 = arith.constant 0.000000e+00 : f32
    %broadcast_in_dim3A_96 = vector.broadcast %broadcast_in_dim3A_95 : f32 to vector<16xf32>
    %swap3A_97 = arith.constant 128 : index
    %swap3A_98 = tpu.vector_load %arg7[%swap3A_97] {strides = array<i32>} : memref<640xf32, #tpu.memory_space<vmem>>, vector<16xf32>,
    %swap3A_99 = vector.shape_cast %swap3A_98 : vector<16xf32> to vector<16xf32>
    %swap3A_100 = vector.shape_cast %broadcast_in_dim3A_96 : vector<16xf32> to vector<16xf32>
    tpu.vector_store %arg7[%swap3A_97], %swap3A_100 {strides = array<i32>} : memref<640xf32, #tpu.memory_space<vmem>>, vector<16xf32>,
    %broadcast_in_dim3A_101 = arith.constant 0.000000e+00 : f32
    %broadcast_in_dim3A_102 = vector.broadcast %broadcast_in_dim3A_101 : f32 to vector<16xf32>
    %swap3A_103 = arith.constant 144 : index
    %swap3A_104 = tpu.vector_load %arg7[%swap3A_103] {strides = array<i32>} : memref<640xf32, #tpu.memory_space<vmem>>, vector<16xf32>,
    %swap3A_105 = vector.shape_cast %swap3A_104 : vector<16xf32> to vector<16xf32>
    %swap3A_106 = vector.shape_cast %broadcast_in_dim3A_102 : vector<16xf32> to vector<16xf32>
    tpu.vector_store %arg7[%swap3A_103], %swap3A_106 {strides = array<i32>} : memref<640xf32, #tpu.memory_space<vmem>>, vector<16xf32>,
    %broadcast_in_dim3A_107 = arith.constant 0.000000e+00 : f32
    %broadcast_in_dim3A_108 = vector.broadcast %broadcast_in_dim3A_107 : f32 to vector<16xf32>
    %swap3A_109 = arith.constant 160 : index
    %swap3A_110 = tpu.vector_load %arg7[%swap3A_109] {strides = array<i32>} : memref<640xf32, #tpu.memory_space<vmem>>, vector<16xf32>,
    %swap3A_111 = vector.shape_cast %swap3A_110 : vector<16xf32> to vector<16xf32>
    %swap3A_112 = vector.shape_cast %broadcast_in_dim3A_108 : vector<16xf32> to vector<16xf32>
    tpu.vector_store %arg7[%swap3A_109], %swap3A_112 {strides = array<i32>} : memref<640xf32, #tpu.memory_space<vmem>>, vector<16xf32>,
    %broadcast_in_dim3A_113 = arith.constant 0.000000e+00 : f32
    %broadcast_in_dim3A_114 = vector.broadcast %broadcast_in_dim3A_113 : f32 to vector<16xf32>
    %swap3A_115 = arith.constant 176 : index
    %swap3A_116 = tpu.vector_load %arg7[%swap3A_115] {strides = array<i32>} : memref<640xf32, #tpu.memory_space<vmem>>, vector<16xf32>,
    %swap3A_117 = vector.shape_cast %swap3A_116 : vector<16xf32> to vector<16xf32>
    %swap3A_118 = vector.shape_cast %broadcast_in_dim3A_114 : vector<16xf32> to vector<16xf32>
    tpu.vector_store %arg7[%swap3A_115], %swap3A_118 {strides = array<i32>} : memref<640xf32, #tpu.memory_space<vmem>>, vector<16xf32>,
    %broadcast_in_dim3A_119 = arith.constant 0.000000e+00 : f32
    %broadcast_in_dim3A_120 = vector.broadcast %broadcast_in_dim3A_119 : f32 to vector<16xf32>
    %swap3A_121 = arith.constant 192 : index
    %swap3A_122 = tpu.vector_load %arg7[%swap3A_121] {strides = array<i32>} : memref<640xf32, #tpu.memory_space<vmem>>, vector<16xf32>,
    %swap3A_123 = vector.shape_cast %swap3A_122 : vector<16xf32> to vector<16xf32>
    %swap3A_124 = vector.shape_cast %broadcast_in_dim3A_120 : vector<16xf32> to vector<16xf32>
    tpu.vector_store %arg7[%swap3A_121], %swap3A_124 {strides = array<i32>} : memref<640xf32, #tpu.memory_space<vmem>>, vector<16xf32>,
    %broadcast_in_dim3A_125 = arith.constant 0.000000e+00 : f32
    %broadcast_in_dim3A_126 = vector.broadcast %broadcast_in_dim3A_125 : f32 to vector<16xf32>
    %swap3A_127 = arith.constant 208 : index
    %swap3A_128 = tpu.vector_load %arg7[%swap3A_127] {strides = array<i32>} : memref<640xf32, #tpu.memory_space<vmem>>, vector<16xf32>,
    %swap3A_129 = vector.shape_cast %swap3A_128 : vector<16xf32> to vector<16xf32>
    %swap3A_130 = vector.shape_cast %broadcast_in_dim3A_126 : vector<16xf32> to vector<16xf32>
    tpu.vector_store %arg7[%swap3A_127], %swap3A_130 {strides = array<i32>} : memref<640xf32, #tpu.memory_space<vmem>>, vector<16xf32>,
    %broadcast_in_dim3A_131 = arith.constant 0.000000e+00 : f32
    %broadcast_in_dim3A_132 = vector.broadcast %broadcast_in_dim3A_131 : f32 to vector<16xf32>
    %swap3A_133 = arith.constant 224 : index
    %swap3A_134 = tpu.vector_load %arg7[%swap3A_133] {strides = array<i32>} : memref<640xf32, #tpu.memory_space<vmem>>, vector<16xf32>,
    %swap3A_135 = vector.shape_cast %swap3A_134 : vector<16xf32> to vector<16xf32>
    %swap3A_136 = vector.shape_cast %broadcast_in_dim3A_132 : vector<16xf32> to vector<16xf32>
    tpu.vector_store %arg7[%swap3A_133], %swap3A_136 {strides = array<i32>} : memref<640xf32, #tpu.memory_space<vmem>>, vector<16xf32>,
    %broadcast_in_dim3A_137 = arith.constant 0.000000e+00 : f32
    %broadcast_in_dim3A_138 = vector.broadcast %broadcast_in_dim3A_137 : f32 to vector<16xf32>
    %swap3A_139 = arith.constant 240 : index
    %swap3A_140 = tpu.vector_load %arg7[%swap3A_139] {strides = array<i32>} : memref<640xf32, #tpu.memory_space<vmem>>, vector<16xf32>,
    %swap3A_141 = vector.shape_cast %swap3A_140 : vector<16xf32> to vector<16xf32>
    %swap3A_142 = vector.shape_cast %broadcast_in_dim3A_138 : vector<16xf32> to vector<16xf32>
    tpu.vector_store %arg7[%swap3A_139], %swap3A_142 {strides = array<i32>} : memref<640xf32, #tpu.memory_space<vmem>>, vector<16xf32>,
    %broadcast_in_dim3A_143 = arith.constant 0.000000e+00 : f32
    %broadcast_in_dim3A_144 = vector.broadcast %broadcast_in_dim3A_143 : f32 to vector<16xf32>
    %swap3A_145 = arith.constant 256 : index
    %swap3A_146 = tpu.vector_load %arg7[%swap3A_145] {strides = array<i32>} : memref<640xf32, #tpu.memory_space<vmem>>, vector<16xf32>,
    %swap3A_147 = vector.shape_cast %swap3A_146 : vector<16xf32> to vector<16xf32>
    %swap3A_148 = vector.shape_cast %broadcast_in_dim3A_144 : vector<16xf32> to vector<16xf32>
    tpu.vector_store %arg7[%swap3A_145], %swap3A_148 {strides = array<i32>} : memref<640xf32, #tpu.memory_space<vmem>>, vector<16xf32>,
    %broadcast_in_dim3A_149 = arith.constant 0.000000e+00 : f32
    %broadcast_in_dim3A_150 = vector.broadcast %broadcast_in_dim3A_149 : f32 to vector<16xf32>
    %swap3A_151 = arith.constant 272 : index
    %swap3A_152 = tpu.vector_load %arg7[%swap3A_151] {strides = array<i32>} : memref<640xf32, #tpu.memory_space<vmem>>, vector<16xf32>,
    %swap3A_153 = vector.shape_cast %swap3A_152 : vector<16xf32> to vector<16xf32>
    %swap3A_154 = vector.shape_cast %broadcast_in_dim3A_150 : vector<16xf32> to vector<16xf32>
    tpu.vector_store %arg7[%swap3A_151], %swap3A_154 {strides = array<i32>} : memref<640xf32, #tpu.memory_space<vmem>>, vector<16xf32>,
    %broadcast_in_dim3A_155 = arith.constant 0.000000e+00 : f32
    %broadcast_in_dim3A_156 = vector.broadcast %broadcast_in_dim3A_155 : f32 to vector<16xf32>
    %swap3A_157 = arith.constant 288 : index
    %swap3A_158 = tpu.vector_load %arg7[%swap3A_157] {strides = array<i32>} : memref<640xf32, #tpu.memory_space<vmem>>, vector<16xf32>,
    %swap3A_159 = vector.shape_cast %swap3A_158 : vector<16xf32> to vector<16xf32>
    %swap3A_160 = vector.shape_cast %broadcast_in_dim3A_156 : vector<16xf32> to vector<16xf32>
    tpu.vector_store %arg7[%swap3A_157], %swap3A_160 {strides = array<i32>} : memref<640xf32, #tpu.memory_space<vmem>>, vector<16xf32>,
    %broadcast_in_dim3A_161 = arith.constant 0.000000e+00 : f32
    %broadcast_in_dim3A_162 = vector.broadcast %broadcast_in_dim3A_161 : f32 to vector<16xf32>
    %swap3A_163 = arith.constant 304 : index
    %swap3A_164 = tpu.vector_load %arg7[%swap3A_163] {strides = array<i32>} : memref<640xf32, #tpu.memory_space<vmem>>, vector<16xf32>,
    %swap3A_165 = vector.shape_cast %swap3A_164 : vector<16xf32> to vector<16xf32>
    %swap3A_166 = vector.shape_cast %broadcast_in_dim3A_162 : vector<16xf32> to vector<16xf32>
    tpu.vector_store %arg7[%swap3A_163], %swap3A_166 {strides = array<i32>} : memref<640xf32, #tpu.memory_space<vmem>>, vector<16xf32>,
    %broadcast_in_dim3A_167 = arith.constant 0.000000e+00 : f32
    %broadcast_in_dim3A_168 = vector.broadcast %broadcast_in_dim3A_167 : f32 to vector<16xf32>
    %swap3A_169 = arith.constant 320 : index
    %swap3A_170 = tpu.vector_load %arg7[%swap3A_169] {strides = array<i32>} : memref<640xf32, #tpu.memory_space<vmem>>, vector<16xf32>,
    %swap3A_171 = vector.shape_cast %swap3A_170 : vector<16xf32> to vector<16xf32>
    %swap3A_172 = vector.shape_cast %broadcast_in_dim3A_168 : vector<16xf32> to vector<16xf32>
    tpu.vector_store %arg7[%swap3A_169], %swap3A_172 {strides = array<i32>} : memref<640xf32, #tpu.memory_space<vmem>>, vector<16xf32>,
    %broadcast_in_dim3A_173 = arith.constant 0.000000e+00 : f32
    %broadcast_in_dim3A_174 = vector.broadcast %broadcast_in_dim3A_173 : f32 to vector<16xf32>
    %swap3A_175 = arith.constant 336 : index
    %swap3A_176 = tpu.vector_load %arg7[%swap3A_175] {strides = array<i32>} : memref<640xf32, #tpu.memory_space<vmem>>, vector<16xf32>,
    %swap3A_177 = vector.shape_cast %swap3A_176 : vector<16xf32> to vector<16xf32>
    %swap3A_178 = vector.shape_cast %broadcast_in_dim3A_174 : vector<16xf32> to vector<16xf32>
    tpu.vector_store %arg7[%swap3A_175], %swap3A_178 {strides = array<i32>} : memref<640xf32, #tpu.memory_space<vmem>>, vector<16xf32>,
    %broadcast_in_dim3A_179 = arith.constant 0.000000e+00 : f32
    %broadcast_in_dim3A_180 = vector.broadcast %broadcast_in_dim3A_179 : f32 to vector<16xf32>
    %swap3A_181 = arith.constant 352 : index
    %swap3A_182 = tpu.vector_load %arg7[%swap3A_181] {strides = array<i32>} : memref<640xf32, #tpu.memory_space<vmem>>, vector<16xf32>,
    %swap3A_183 = vector.shape_cast %swap3A_182 : vector<16xf32> to vector<16xf32>
    %swap3A_184 = vector.shape_cast %broadcast_in_dim3A_180 : vector<16xf32> to vector<16xf32>
    tpu.vector_store %arg7[%swap3A_181], %swap3A_184 {strides = array<i32>} : memref<640xf32, #tpu.memory_space<vmem>>, vector<16xf32>,
    %broadcast_in_dim3A_185 = arith.constant 0.000000e+00 : f32
    %broadcast_in_dim3A_186 = vector.broadcast %broadcast_in_dim3A_185 : f32 to vector<16xf32>
    %swap3A_187 = arith.constant 368 : index
    %swap3A_188 = tpu.vector_load %arg7[%swap3A_187] {strides = array<i32>} : memref<640xf32, #tpu.memory_space<vmem>>, vector<16xf32>,
    %swap3A_189 = vector.shape_cast %swap3A_188 : vector<16xf32> to vector<16xf32>
    %swap3A_190 = vector.shape_cast %broadcast_in_dim3A_186 : vector<16xf32> to vector<16xf32>
    tpu.vector_store %arg7[%swap3A_187], %swap3A_190 {strides = array<i32>} : memref<640xf32, #tpu.memory_space<vmem>>, vector<16xf32>,
    %broadcast_in_dim3A_191 = arith.constant 0.000000e+00 : f32
    %broadcast_in_dim3A_192 = vector.broadcast %broadcast_in_dim3A_191 : f32 to vector<16xf32>
    %swap3A_193 = arith.constant 384 : index
    %swap3A_194 = tpu.vector_load %arg7[%swap3A_193] {strides = array<i32>} : memref<640xf32, #tpu.memory_space<vmem>>, vector<16xf32>,
    %swap3A_195 = vector.shape_cast %swap3A_194 : vector<16xf32> to vector<16xf32>
    %swap3A_196 = vector.shape_cast %broadcast_in_dim3A_192 : vector<16xf32> to vector<16xf32>
    tpu.vector_store %arg7[%swap3A_193], %swap3A_196 {strides = array<i32>} : memref<640xf32, #tpu.memory_space<vmem>>, vector<16xf32>,
    %broadcast_in_dim3A_197 = arith.constant 0.000000e+00 : f32
    %broadcast_in_dim3A_198 = vector.broadcast %broadcast_in_dim3A_197 : f32 to vector<16xf32>
    %swap3A_199 = arith.constant 400 : index
    %swap3A_200 = tpu.vector_load %arg7[%swap3A_199] {strides = array<i32>} : memref<640xf32, #tpu.memory_space<vmem>>, vector<16xf32>,
    %swap3A_201 = vector.shape_cast %swap3A_200 : vector<16xf32> to vector<16xf32>
    %swap3A_202 = vector.shape_cast %broadcast_in_dim3A_198 : vector<16xf32> to vector<16xf32>
    tpu.vector_store %arg7[%swap3A_199], %swap3A_202 {strides = array<i32>} : memref<640xf32, #tpu.memory_space<vmem>>, vector<16xf32>,
    %broadcast_in_dim3A_203 = arith.constant 0.000000e+00 : f32
    %broadcast_in_dim3A_204 = vector.broadcast %broadcast_in_dim3A_203 : f32 to vector<16xf32>
    %swap3A_205 = arith.constant 416 : index
    %swap3A_206 = tpu.vector_load %arg7[%swap3A_205] {strides = array<i32>} : memref<640xf32, #tpu.memory_space<vmem>>, vector<16xf32>,
    %swap3A_207 = vector.shape_cast %swap3A_206 : vector<16xf32> to vector<16xf32>
    %swap3A_208 = vector.shape_cast %broadcast_in_dim3A_204 : vector<16xf32> to vector<16xf32>
    tpu.vector_store %arg7[%swap3A_205], %swap3A_208 {strides = array<i32>} : memref<640xf32, #tpu.memory_space<vmem>>, vector<16xf32>,
    %broadcast_in_dim3A_209 = arith.constant 0.000000e+00 : f32
    %broadcast_in_dim3A_210 = vector.broadcast %broadcast_in_dim3A_209 : f32 to vector<16xf32>
    %swap3A_211 = arith.constant 432 : index
    %swap3A_212 = tpu.vector_load %arg7[%swap3A_211] {strides = array<i32>} : memref<640xf32, #tpu.memory_space<vmem>>, vector<16xf32>,
    %swap3A_213 = vector.shape_cast %swap3A_212 : vector<16xf32> to vector<16xf32>
    %swap3A_214 = vector.shape_cast %broadcast_in_dim3A_210 : vector<16xf32> to vector<16xf32>
    tpu.vector_store %arg7[%swap3A_211], %swap3A_214 {strides = array<i32>} : memref<640xf32, #tpu.memory_space<vmem>>, vector<16xf32>,
    %broadcast_in_dim3A_215 = arith.constant 0.000000e+00 : f32
    %broadcast_in_dim3A_216 = vector.broadcast %broadcast_in_dim3A_215 : f32 to vector<16xf32>
    %swap3A_217 = arith.constant 448 : index
    %swap3A_218 = tpu.vector_load %arg7[%swap3A_217] {strides = array<i32>} : memref<640xf32, #tpu.memory_space<vmem>>, vector<16xf32>,
    %swap3A_219 = vector.shape_cast %swap3A_218 : vector<16xf32> to vector<16xf32>
    %swap3A_220 = vector.shape_cast %broadcast_in_dim3A_216 : vector<16xf32> to vector<16xf32>
    tpu.vector_store %arg7[%swap3A_217], %swap3A_220 {strides = array<i32>} : memref<640xf32, #tpu.memory_space<vmem>>, vector<16xf32>,
    %broadcast_in_dim3A_221 = arith.constant 0.000000e+00 : f32
    %broadcast_in_dim3A_222 = vector.broadcast %broadcast_in_dim3A_221 : f32 to vector<16xf32>
    %swap3A_223 = arith.constant 464 : index
    %swap3A_224 = tpu.vector_load %arg7[%swap3A_223] {strides = array<i32>} : memref<640xf32, #tpu.memory_space<vmem>>, vector<16xf32>,
    %swap3A_225 = vector.shape_cast %swap3A_224 : vector<16xf32> to vector<16xf32>
    %swap3A_226 = vector.shape_cast %broadcast_in_dim3A_222 : vector<16xf32> to vector<16xf32>
    tpu.vector_store %arg7[%swap3A_223], %swap3A_226 {strides = array<i32>} : memref<640xf32, #tpu.memory_space<vmem>>, vector<16xf32>,
    %broadcast_in_dim3A_227 = arith.constant 0.000000e+00 : f32
    %broadcast_in_dim3A_228 = vector.broadcast %broadcast_in_dim3A_227 : f32 to vector<16xf32>
    %swap3A_229 = arith.constant 480 : index
    %swap3A_230 = tpu.vector_load %arg7[%swap3A_229] {strides = array<i32>} : memref<640xf32, #tpu.memory_space<vmem>>, vector<16xf32>,
    %swap3A_231 = vector.shape_cast %swap3A_230 : vector<16xf32> to vector<16xf32>
    %swap3A_232 = vector.shape_cast %broadcast_in_dim3A_228 : vector<16xf32> to vector<16xf32>
    tpu.vector_store %arg7[%swap3A_229], %swap3A_232 {strides = array<i32>} : memref<640xf32, #tpu.memory_space<vmem>>, vector<16xf32>,
    %broadcast_in_dim3A_233 = arith.constant 0.000000e+00 : f32
    %broadcast_in_dim3A_234 = vector.broadcast %broadcast_in_dim3A_233 : f32 to vector<16xf32>
    %swap3A_235 = arith.constant 496 : index
    %swap3A_236 = tpu.vector_load %arg7[%swap3A_235] {strides = array<i32>} : memref<640xf32, #tpu.memory_space<vmem>>, vector<16xf32>,
    %swap3A_237 = vector.shape_cast %swap3A_236 : vector<16xf32> to vector<16xf32>
    %swap3A_238 = vector.shape_cast %broadcast_in_dim3A_234 : vector<16xf32> to vector<16xf32>
    tpu.vector_store %arg7[%swap3A_235], %swap3A_238 {strides = array<i32>} : memref<640xf32, #tpu.memory_space<vmem>>, vector<16xf32>,
    %broadcast_in_dim3A_239 = arith.constant 0.000000e+00 : f32
    %broadcast_in_dim3A_240 = vector.broadcast %broadcast_in_dim3A_239 : f32 to vector<16xf32>
    %swap3A_241 = arith.constant 512 : index
    %swap3A_242 = tpu.vector_load %arg7[%swap3A_241] {strides = array<i32>} : memref<640xf32, #tpu.memory_space<vmem>>, vector<16xf32>,
    %swap3A_243 = vector.shape_cast %swap3A_242 : vector<16xf32> to vector<16xf32>
    %swap3A_244 = vector.shape_cast %broadcast_in_dim3A_240 : vector<16xf32> to vector<16xf32>
    tpu.vector_store %arg7[%swap3A_241], %swap3A_244 {strides = array<i32>} : memref<640xf32, #tpu.memory_space<vmem>>, vector<16xf32>,
    %broadcast_in_dim3A_245 = arith.constant 0.000000e+00 : f32
    %broadcast_in_dim3A_246 = vector.broadcast %broadcast_in_dim3A_245 : f32 to vector<16xf32>
    %swap3A_247 = arith.constant 528 : index
    %swap3A_248 = tpu.vector_load %arg7[%swap3A_247] {strides = array<i32>} : memref<640xf32, #tpu.memory_space<vmem>>, vector<16xf32>,
    %swap3A_249 = vector.shape_cast %swap3A_248 : vector<16xf32> to vector<16xf32>
    %swap3A_250 = vector.shape_cast %broadcast_in_dim3A_246 : vector<16xf32> to vector<16xf32>
    tpu.vector_store %arg7[%swap3A_247], %swap3A_250 {strides = array<i32>} : memref<640xf32, #tpu.memory_space<vmem>>, vector<16xf32>,
    %broadcast_in_dim3A_251 = arith.constant 0.000000e+00 : f32
    %broadcast_in_dim3A_252 = vector.broadcast %broadcast_in_dim3A_251 : f32 to vector<16xf32>
    %swap3A_253 = arith.constant 544 : index
    %swap3A_254 = tpu.vector_load %arg7[%swap3A_253] {strides = array<i32>} : memref<640xf32, #tpu.memory_space<vmem>>, vector<16xf32>,
    %swap3A_255 = vector.shape_cast %swap3A_254 : vector<16xf32> to vector<16xf32>
    %swap3A_256 = vector.shape_cast %broadcast_in_dim3A_252 : vector<16xf32> to vector<16xf32>
    tpu.vector_store %arg7[%swap3A_253], %swap3A_256 {strides = array<i32>} : memref<640xf32, #tpu.memory_space<vmem>>, vector<16xf32>,
    %broadcast_in_dim3A_257 = arith.constant 0.000000e+00 : f32
    %broadcast_in_dim3A_258 = vector.broadcast %broadcast_in_dim3A_257 : f32 to vector<16xf32>
    %swap3A_259 = arith.constant 560 : index
    %swap3A_260 = tpu.vector_load %arg7[%swap3A_259] {strides = array<i32>} : memref<640xf32, #tpu.memory_space<vmem>>, vector<16xf32>,
    %swap3A_261 = vector.shape_cast %swap3A_260 : vector<16xf32> to vector<16xf32>
    %swap3A_262 = vector.shape_cast %broadcast_in_dim3A_258 : vector<16xf32> to vector<16xf32>
    tpu.vector_store %arg7[%swap3A_259], %swap3A_262 {strides = array<i32>} : memref<640xf32, #tpu.memory_space<vmem>>, vector<16xf32>,
    %broadcast_in_dim3A_263 = arith.constant 0.000000e+00 : f32
    %broadcast_in_dim3A_264 = vector.broadcast %broadcast_in_dim3A_263 : f32 to vector<16xf32>
    %swap3A_265 = arith.constant 576 : index
    %swap3A_266 = tpu.vector_load %arg7[%swap3A_265] {strides = array<i32>} : memref<640xf32, #tpu.memory_space<vmem>>, vector<16xf32>,
    %swap3A_267 = vector.shape_cast %swap3A_266 : vector<16xf32> to vector<16xf32>
    %swap3A_268 = vector.shape_cast %broadcast_in_dim3A_264 : vector<16xf32> to vector<16xf32>
    tpu.vector_store %arg7[%swap3A_265], %swap3A_268 {strides = array<i32>} : memref<640xf32, #tpu.memory_space<vmem>>, vector<16xf32>,
    %broadcast_in_dim3A_269 = arith.constant 0.000000e+00 : f32
    %broadcast_in_dim3A_270 = vector.broadcast %broadcast_in_dim3A_269 : f32 to vector<16xf32>
    %swap3A_271 = arith.constant 592 : index
    %swap3A_272 = tpu.vector_load %arg7[%swap3A_271] {strides = array<i32>} : memref<640xf32, #tpu.memory_space<vmem>>, vector<16xf32>,
    %swap3A_273 = vector.shape_cast %swap3A_272 : vector<16xf32> to vector<16xf32>
    %swap3A_274 = vector.shape_cast %broadcast_in_dim3A_270 : vector<16xf32> to vector<16xf32>
    tpu.vector_store %arg7[%swap3A_271], %swap3A_274 {strides = array<i32>} : memref<640xf32, #tpu.memory_space<vmem>>, vector<16xf32>,
    %broadcast_in_dim3A_275 = arith.constant 0.000000e+00 : f32
    %broadcast_in_dim3A_276 = vector.broadcast %broadcast_in_dim3A_275 : f32 to vector<16xf32>
    %swap3A_277 = arith.constant 608 : index
    %swap3A_278 = tpu.vector_load %arg7[%swap3A_277] {strides = array<i32>} : memref<640xf32, #tpu.memory_space<vmem>>, vector<16xf32>,
    %swap3A_279 = vector.shape_cast %swap3A_278 : vector<16xf32> to vector<16xf32>
    %swap3A_280 = vector.shape_cast %broadcast_in_dim3A_276 : vector<16xf32> to vector<16xf32>
    tpu.vector_store %arg7[%swap3A_277], %swap3A_280 {strides = array<i32>} : memref<640xf32, #tpu.memory_space<vmem>>, vector<16xf32>,
    %broadcast_in_dim3A_281 = arith.constant 0.000000e+00 : f32
    %broadcast_in_dim3A_282 = vector.broadcast %broadcast_in_dim3A_281 : f32 to vector<16xf32>
    %swap3A_283 = arith.constant 624 : index
    %swap3A_284 = tpu.vector_load %arg7[%swap3A_283] {strides = array<i32>} : memref<640xf32, #tpu.memory_space<vmem>>, vector<16xf32>,
    %swap3A_285 = vector.shape_cast %swap3A_284 : vector<16xf32> to vector<16xf32>
    %swap3A_286 = vector.shape_cast %broadcast_in_dim3A_282 : vector<16xf32> to vector<16xf32>
    tpu.vector_store %arg7[%swap3A_283], %swap3A_286 {strides = array<i32>} : memref<640xf32, #tpu.memory_space<vmem>>, vector<16xf32>,
    %mul3A_287 = arith.constant 640 : i32
    %mul3A_288 = arith.muli %mul3A_287, %arg1 : i32
    "tpu.region"() ({
      %run_scoped3A_321 = tpu.sem_alloc : memref<!tpu.dma_semaphore, #tpu.memory_space<semaphore_mem>>
      %dma_start3A = tpu.memref_slice %arg4[%mul3A_288] : memref<10240xf32, #tpu.memory_space<vmem_shared>> -> memref<640xf32, #tpu.memory_space<vmem_shared>>
      %dma_start3A_322 = tpu.memref_slice %arg4[%mul3A_288] : memref<10240xf32, #tpu.memory_space<vmem_shared>> -> memref<640xf32, #tpu.memory_space<vmem_shared>>
      tpu.enqueue_dma source(%arg7 : memref<640xf32, #tpu.memory_space<vmem>>) target(%dma_start3A_322 : memref<640xf32, #tpu.memory_space<vmem_shared>>) target_semaphore(%run_scoped3A_321 : memref<!tpu.dma_semaphore, #tpu.memory_space<semaphore_mem>>)
      %dma_wait3A = tpu.memref_slice %arg4[%mul3A_288] : memref<10240xf32, #tpu.memory_space<vmem_shared>> -> memref<640xf32, #tpu.memory_space<vmem_shared>>
      %dma_wait3A_323 = tpu.memref_slice %arg4[%mul3A_288] : memref<10240xf32, #tpu.memory_space<vmem_shared>> -> memref<640xf32, #tpu.memory_space<vmem_shared>>
      tpu.wait_dma2 semaphore(%run_scoped3A_321 : memref<!tpu.dma_semaphore, #tpu.memory_space<semaphore_mem>>) src(%arg7 : memref<640xf32, #tpu.memory_space<vmem>>) dst(%dma_wait3A_323 : memref<640xf32, #tpu.memory_space<vmem_shared>>)
      tpu.yield
    }) : () -> ()
    %mul3A_289 = arith.constant 640 : i32
    %mul3A_290 = arith.muli %mul3A_289, %arg1 : i32
    "tpu.region"() ({
      %run_scoped3A_321 = tpu.sem_alloc : memref<!tpu.dma_semaphore, #tpu.memory_space<semaphore_mem>>
      %dma_start3A = tpu.memref_slice %arg5[%mul3A_290] : memref<10240xf32, #tpu.memory_space<vmem_shared>> -> memref<640xf32, #tpu.memory_space<vmem_shared>>
      %dma_start3A_322 = tpu.memref_slice %arg5[%mul3A_290] : memref<10240xf32, #tpu.memory_space<vmem_shared>> -> memref<640xf32, #tpu.memory_space<vmem_shared>>
      tpu.enqueue_dma source(%arg7 : memref<640xf32, #tpu.memory_space<vmem>>) target(%dma_start3A_322 : memref<640xf32, #tpu.memory_space<vmem_shared>>) target_semaphore(%run_scoped3A_321 : memref<!tpu.dma_semaphore, #tpu.memory_space<semaphore_mem>>)
      %dma_wait3A = tpu.memref_slice %arg5[%mul3A_290] : memref<10240xf32, #tpu.memory_space<vmem_shared>> -> memref<640xf32, #tpu.memory_space<vmem_shared>>
      %dma_wait3A_323 = tpu.memref_slice %arg5[%mul3A_290] : memref<10240xf32, #tpu.memory_space<vmem_shared>> -> memref<640xf32, #tpu.memory_space<vmem_shared>>
      tpu.wait_dma2 semaphore(%run_scoped3A_321 : memref<!tpu.dma_semaphore, #tpu.memory_space<semaphore_mem>>) src(%arg7 : memref<640xf32, #tpu.memory_space<vmem>>) dst(%dma_wait3A_323 : memref<640xf32, #tpu.memory_space<vmem_shared>>)
      tpu.yield
    }) : () -> ()
    %mul3A_291 = arith.constant 78 : i32
    %mul3A_292 = arith.muli %add3A, %mul3A_291 : i32
    %run_scoped3A = arith.constant 0 : i32
    %run_scoped3A_293 = arith.constant 0 : i32
    "tpu.region"() ({
      %run_scoped3A_321 = tpu.sem_alloc : memref<!tpu.dma_semaphore, #tpu.memory_space<semaphore_mem>>
      %dma_start3A = arith.constant 0 : i32
      %dma_start3A_322 = arith.constant 0 : i32
      %dma_start3A_323 = tpu.memref_slice %arg8[%run_scoped3A_293, %dma_start3A, %dma_start3A_322] : memref<2x78x128xi32, #tpu.memory_space<vmem>> -> memref<1x78x128xi32, #tpu.memory_space<vmem>>
      %dma_start3A_324 = tpu.memref_squeeze %dma_start3A_323 : memref<1x78x128xi32, #tpu.memory_space<vmem>> -> memref<78x128xi32, #tpu.memory_space<vmem>>
      %dma_start3A_325 = arith.constant 0 : i32
      %dma_start3A_326 = tpu.memref_slice %arg2[%run_scoped3A, %mul3A_292, %dma_start3A_325] : memref<2x2500x128xi32, #tpu.memory_space<hbm>> -> memref<1x78x128xi32, #tpu.memory_space<hbm>>
      %dma_start3A_327 = tpu.memref_squeeze %dma_start3A_326 : memref<1x78x128xi32, #tpu.memory_space<hbm>> -> memref<78x128xi32, #tpu.memory_space<hbm>>
      %dma_start3A_328 = arith.constant 0 : i32
      %dma_start3A_329 = arith.constant 0 : i32
      %dma_start3A_330 = tpu.memref_slice %arg8[%run_scoped3A_293, %dma_start3A_328, %dma_start3A_329] : memref<2x78x128xi32, #tpu.memory_space<vmem>> -> memref<1x78x128xi32, #tpu.memory_space<vmem>>
      %dma_start3A_331 = tpu.memref_squeeze %dma_start3A_330 : memref<1x78x128xi32, #tpu.memory_space<vmem>> -> memref<78x128xi32, #tpu.memory_space<vmem>>
      %dma_start3A_332 = arith.constant 0 : i32
      %dma_start3A_333 = tpu.memref_slice %arg2[%run_scoped3A, %mul3A_292, %dma_start3A_332] : memref<2x2500x128xi32, #tpu.memory_space<hbm>> -> memref<1x78x128xi32, #tpu.memory_space<hbm>>
      %dma_start3A_334 = tpu.memref_squeeze %dma_start3A_333 : memref<1x78x128xi32, #tpu.memory_space<hbm>> -> memref<78x128xi32, #tpu.memory_space<hbm>>
      tpu.enqueue_dma source(%dma_start3A_334 : memref<78x128xi32, #tpu.memory_space<hbm>>) target(%dma_start3A_331 : memref<78x128xi32, #tpu.memory_space<vmem>>) target_semaphore(%run_scoped3A_321 : memref<!tpu.dma_semaphore, #tpu.memory_space<semaphore_mem>>)
      %dma_wait3A = arith.constant 0 : i32
      %dma_wait3A_335 = arith.constant 0 : i32
      %dma_wait3A_336 = tpu.memref_slice %arg8[%run_scoped3A_293, %dma_wait3A, %dma_wait3A_335] : memref<2x78x128xi32, #tpu.memory_space<vmem>> -> memref<1x78x128xi32, #tpu.memory_space<vmem>>
      %dma_wait3A_337 = tpu.memref_squeeze %dma_wait3A_336 : memref<1x78x128xi32, #tpu.memory_space<vmem>> -> memref<78x128xi32, #tpu.memory_space<vmem>>
      %dma_wait3A_338 = arith.constant 0 : i32
      %dma_wait3A_339 = tpu.memref_slice %arg2[%run_scoped3A, %mul3A_292, %dma_wait3A_338] : memref<2x2500x128xi32, #tpu.memory_space<hbm>> -> memref<1x78x128xi32, #tpu.memory_space<hbm>>
      %dma_wait3A_340 = tpu.memref_squeeze %dma_wait3A_339 : memref<1x78x128xi32, #tpu.memory_space<hbm>> -> memref<78x128xi32, #tpu.memory_space<hbm>>
      %dma_wait3A_341 = arith.constant 0 : i32
      %dma_wait3A_342 = arith.constant 0 : i32
      %dma_wait3A_343 = tpu.memref_slice %arg8[%run_scoped3A_293, %dma_wait3A_341, %dma_wait3A_342] : memref<2x78x128xi32, #tpu.memory_space<vmem>> -> memref<1x78x128xi32, #tpu.memory_space<vmem>>
      %dma_wait3A_344 = tpu.memref_squeeze %dma_wait3A_343 : memref<1x78x128xi32, #tpu.memory_space<vmem>> -> memref<78x128xi32, #tpu.memory_space<vmem>>
      %dma_wait3A_345 = arith.constant 0 : i32
      %dma_wait3A_346 = tpu.memref_slice %arg2[%run_scoped3A, %mul3A_292, %dma_wait3A_345] : memref<2x2500x128xi32, #tpu.memory_space<hbm>> -> memref<1x78x128xi32, #tpu.memory_space<hbm>>
      %dma_wait3A_347 = tpu.memref_squeeze %dma_wait3A_346 : memref<1x78x128xi32, #tpu.memory_space<hbm>> -> memref<78x128xi32, #tpu.memory_space<hbm>>
      tpu.wait_dma2 semaphore(%run_scoped3A_321 : memref<!tpu.dma_semaphore, #tpu.memory_space<semaphore_mem>>) src(%dma_wait3A_347 : memref<78x128xi32, #tpu.memory_space<hbm>>) dst(%dma_wait3A_344 : memref<78x128xi32, #tpu.memory_space<vmem>>)
      tpu.yield
    }) : () -> ()
    %mul3A_294 = arith.constant 78 : i32
    %mul3A_295 = arith.muli %add3A, %mul3A_294 : i32
    %run_scoped3A_296 = arith.constant 1 : i32
    %run_scoped3A_297 = arith.constant 1 : i32
    "tpu.region"() ({
      %run_scoped3A_321 = tpu.sem_alloc : memref<!tpu.dma_semaphore, #tpu.memory_space<semaphore_mem>>
      %dma_start3A = arith.constant 0 : i32
      %dma_start3A_322 = arith.constant 0 : i32
      %dma_start3A_323 = tpu.memref_slice %arg8[%run_scoped3A_297, %dma_start3A, %dma_start3A_322] : memref<2x78x128xi32, #tpu.memory_space<vmem>> -> memref<1x78x128xi32, #tpu.memory_space<vmem>>
      %dma_start3A_324 = tpu.memref_squeeze %dma_start3A_323 : memref<1x78x128xi32, #tpu.memory_space<vmem>> -> memref<78x128xi32, #tpu.memory_space<vmem>>
      %dma_start3A_325 = arith.constant 0 : i32
      %dma_start3A_326 = tpu.memref_slice %arg2[%run_scoped3A_296, %mul3A_295, %dma_start3A_325] : memref<2x2500x128xi32, #tpu.memory_space<hbm>> -> memref<1x78x128xi32, #tpu.memory_space<hbm>>
      %dma_start3A_327 = tpu.memref_squeeze %dma_start3A_326 : memref<1x78x128xi32, #tpu.memory_space<hbm>> -> memref<78x128xi32, #tpu.memory_space<hbm>>
      %dma_start3A_328 = arith.constant 0 : i32
      %dma_start3A_329 = arith.constant 0 : i32
      %dma_start3A_330 = tpu.memref_slice %arg8[%run_scoped3A_297, %dma_start3A_328, %dma_start3A_329] : memref<2x78x128xi32, #tpu.memory_space<vmem>> -> memref<1x78x128xi32, #tpu.memory_space<vmem>>
      %dma_start3A_331 = tpu.memref_squeeze %dma_start3A_330 : memref<1x78x128xi32, #tpu.memory_space<vmem>> -> memref<78x128xi32, #tpu.memory_space<vmem>>
      %dma_start3A_332 = arith.constant 0 : i32
      %dma_start3A_333 = tpu.memref_slice %arg2[%run_scoped3A_296, %mul3A_295, %dma_start3A_332] : memref<2x2500x128xi32, #tpu.memory_space<hbm>> -> memref<1x78x128xi32, #tpu.memory_space<hbm>>
      %dma_start3A_334 = tpu.memref_squeeze %dma_start3A_333 : memref<1x78x128xi32, #tpu.memory_space<hbm>> -> memref<78x128xi32, #tpu.memory_space<hbm>>
      tpu.enqueue_dma source(%dma_start3A_334 : memref<78x128xi32, #tpu.memory_space<hbm>>) target(%dma_start3A_331 : memref<78x128xi32, #tpu.memory_space<vmem>>) target_semaphore(%run_scoped3A_321 : memref<!tpu.dma_semaphore, #tpu.memory_space<semaphore_mem>>)
      %dma_wait3A = arith.constant 0 : i32
      %dma_wait3A_335 = arith.constant 0 : i32
      %dma_wait3A_336 = tpu.memref_slice %arg8[%run_scoped3A_297, %dma_wait3A, %dma_wait3A_335] : memref<2x78x128xi32, #tpu.memory_space<vmem>> -> memref<1x78x128xi32, #tpu.memory_space<vmem>>
      %dma_wait3A_337 = tpu.memref_squeeze %dma_wait3A_336 : memref<1x78x128xi32, #tpu.memory_space<vmem>> -> memref<78x128xi32, #tpu.memory_space<vmem>>
      %dma_wait3A_338 = arith.constant 0 : i32
      %dma_wait3A_339 = tpu.memref_slice %arg2[%run_scoped3A_296, %mul3A_295, %dma_wait3A_338] : memref<2x2500x128xi32, #tpu.memory_space<hbm>> -> memref<1x78x128xi32, #tpu.memory_space<hbm>>
      %dma_wait3A_340 = tpu.memref_squeeze %dma_wait3A_339 : memref<1x78x128xi32, #tpu.memory_space<hbm>> -> memref<78x128xi32, #tpu.memory_space<hbm>>
      %dma_wait3A_341 = arith.constant 0 : i32
      %dma_wait3A_342 = arith.constant 0 : i32
      %dma_wait3A_343 = tpu.memref_slice %arg8[%run_scoped3A_297, %dma_wait3A_341, %dma_wait3A_342] : memref<2x78x128xi32, #tpu.memory_space<vmem>> -> memref<1x78x128xi32, #tpu.memory_space<vmem>>
      %dma_wait3A_344 = tpu.memref_squeeze %dma_wait3A_343 : memref<1x78x128xi32, #tpu.memory_space<vmem>> -> memref<78x128xi32, #tpu.memory_space<vmem>>
      %dma_wait3A_345 = arith.constant 0 : i32
      %dma_wait3A_346 = tpu.memref_slice %arg2[%run_scoped3A_296, %mul3A_295, %dma_wait3A_345] : memref<2x2500x128xi32, #tpu.memory_space<hbm>> -> memref<1x78x128xi32, #tpu.memory_space<hbm>>
      %dma_wait3A_347 = tpu.memref_squeeze %dma_wait3A_346 : memref<1x78x128xi32, #tpu.memory_space<hbm>> -> memref<78x128xi32, #tpu.memory_space<hbm>>
      tpu.wait_dma2 semaphore(%run_scoped3A_321 : memref<!tpu.dma_semaphore, #tpu.memory_space<semaphore_mem>>) src(%dma_wait3A_347 : memref<78x128xi32, #tpu.memory_space<hbm>>) dst(%dma_wait3A_344 : memref<78x128xi32, #tpu.memory_space<vmem>>)
      tpu.yield
    }) : () -> ()
    %lt3A = arith.constant 4 : i32
    %lt3A_298 = arith.cmpi slt, %add3A, %lt3A : i32
    %convert_element_type3A = arith.extui %lt3A_298 : i1 to i32
    %cond3A = arith.constant 0 : i32
    %cond3A_299 = arith.cmpi ne, %convert_element_type3A, %cond3A : i32
    scf.if %cond3A_299 {
      %add3A_321 = arith.constant 2496 : i32
      %add3A_322 = arith.addi %add3A_321, %add3A : i32
      %run_scoped3A_323 = arith.constant 0 : i32
      %run_scoped3A_324 = arith.constant 0 : i32
      "tpu.region"() ({
        %run_scoped3A_329 = tpu.sem_alloc : memref<!tpu.dma_semaphore, #tpu.memory_space<semaphore_mem>>
        %dma_start3A = arith.constant 0 : i32
        %dma_start3A_330 = arith.constant 0 : i32
        %dma_start3A_331 = tpu.memref_slice %arg9[%run_scoped3A_324, %dma_start3A, %dma_start3A_330] : memref<2x1x128xi32, #tpu.memory_space<vmem>> -> memref<1x1x128xi32, #tpu.memory_space<vmem>>
        %dma_start3A_332 = tpu.memref_squeeze %dma_start3A_331 : memref<1x1x128xi32, #tpu.memory_space<vmem>> -> memref<1x128xi32, #tpu.memory_space<vmem>>
        %dma_start3A_333 = arith.constant 0 : i32
        %dma_start3A_334 = tpu.memref_slice %arg2[%run_scoped3A_323, %add3A_322, %dma_start3A_333] : memref<2x2500x128xi32, #tpu.memory_space<hbm>> -> memref<1x1x128xi32, #tpu.memory_space<hbm>>
        %dma_start3A_335 = tpu.memref_squeeze %dma_start3A_334 : memref<1x1x128xi32, #tpu.memory_space<hbm>> -> memref<1x128xi32, #tpu.memory_space<hbm>>
        %dma_start3A_336 = arith.constant 0 : i32
        %dma_start3A_337 = arith.constant 0 : i32
        %dma_start3A_338 = tpu.memref_slice %arg9[%run_scoped3A_324, %dma_start3A_336, %dma_start3A_337] : memref<2x1x128xi32, #tpu.memory_space<vmem>> -> memref<1x1x128xi32, #tpu.memory_space<vmem>>
        %dma_start3A_339 = tpu.memref_squeeze %dma_start3A_338 : memref<1x1x128xi32, #tpu.memory_space<vmem>> -> memref<1x128xi32, #tpu.memory_space<vmem>>
        %dma_start3A_340 = arith.constant 0 : i32
        %dma_start3A_341 = tpu.memref_slice %arg2[%run_scoped3A_323, %add3A_322, %dma_start3A_340] : memref<2x2500x128xi32, #tpu.memory_space<hbm>> -> memref<1x1x128xi32, #tpu.memory_space<hbm>>
        %dma_start3A_342 = tpu.memref_squeeze %dma_start3A_341 : memref<1x1x128xi32, #tpu.memory_space<hbm>> -> memref<1x128xi32, #tpu.memory_space<hbm>>
        tpu.enqueue_dma source(%dma_start3A_342 : memref<1x128xi32, #tpu.memory_space<hbm>>) target(%dma_start3A_339 : memref<1x128xi32, #tpu.memory_space<vmem>>) target_semaphore(%run_scoped3A_329 : memref<!tpu.dma_semaphore, #tpu.memory_space<semaphore_mem>>)
        %dma_wait3A = arith.constant 0 : i32
        %dma_wait3A_343 = arith.constant 0 : i32
        %dma_wait3A_344 = tpu.memref_slice %arg9[%run_scoped3A_324, %dma_wait3A, %dma_wait3A_343] : memref<2x1x128xi32, #tpu.memory_space<vmem>> -> memref<1x1x128xi32, #tpu.memory_space<vmem>>
        %dma_wait3A_345 = tpu.memref_squeeze %dma_wait3A_344 : memref<1x1x128xi32, #tpu.memory_space<vmem>> -> memref<1x128xi32, #tpu.memory_space<vmem>>
        %dma_wait3A_346 = arith.constant 0 : i32
        %dma_wait3A_347 = tpu.memref_slice %arg2[%run_scoped3A_323, %add3A_322, %dma_wait3A_346] : memref<2x2500x128xi32, #tpu.memory_space<hbm>> -> memref<1x1x128xi32, #tpu.memory_space<hbm>>
        %dma_wait3A_348 = tpu.memref_squeeze %dma_wait3A_347 : memref<1x1x128xi32, #tpu.memory_space<hbm>> -> memref<1x128xi32, #tpu.memory_space<hbm>>
        %dma_wait3A_349 = arith.constant 0 : i32
        %dma_wait3A_350 = arith.constant 0 : i32
        %dma_wait3A_351 = tpu.memref_slice %arg9[%run_scoped3A_324, %dma_wait3A_349, %dma_wait3A_350] : memref<2x1x128xi32, #tpu.memory_space<vmem>> -> memref<1x1x128xi32, #tpu.memory_space<vmem>>
        %dma_wait3A_352 = tpu.memref_squeeze %dma_wait3A_351 : memref<1x1x128xi32, #tpu.memory_space<vmem>> -> memref<1x128xi32, #tpu.memory_space<vmem>>
        %dma_wait3A_353 = arith.constant 0 : i32
        %dma_wait3A_354 = tpu.memref_slice %arg2[%run_scoped3A_323, %add3A_322, %dma_wait3A_353] : memref<2x2500x128xi32, #tpu.memory_space<hbm>> -> memref<1x1x128xi32, #tpu.memory_space<hbm>>
        %dma_wait3A_355 = tpu.memref_squeeze %dma_wait3A_354 : memref<1x1x128xi32, #tpu.memory_space<hbm>> -> memref<1x128xi32, #tpu.memory_space<hbm>>
        tpu.wait_dma2 semaphore(%run_scoped3A_329 : memref<!tpu.dma_semaphore, #tpu.memory_space<semaphore_mem>>) src(%dma_wait3A_355 : memref<1x128xi32, #tpu.memory_space<hbm>>) dst(%dma_wait3A_352 : memref<1x128xi32, #tpu.memory_space<vmem>>)
        tpu.yield
      }) : () -> ()
      %add3A_325 = arith.constant 2496 : i32
      %add3A_326 = arith.addi %add3A_325, %add3A : i32
      %run_scoped3A_327 = arith.constant 1 : i32
      %run_scoped3A_328 = arith.constant 1 : i32
      "tpu.region"() ({
        %run_scoped3A_329 = tpu.sem_alloc : memref<!tpu.dma_semaphore, #tpu.memory_space<semaphore_mem>>
        %dma_start3A = arith.constant 0 : i32
        %dma_start3A_330 = arith.constant 0 : i32
        %dma_start3A_331 = tpu.memref_slice %arg9[%run_scoped3A_328, %dma_start3A, %dma_start3A_330] : memref<2x1x128xi32, #tpu.memory_space<vmem>> -> memref<1x1x128xi32, #tpu.memory_space<vmem>>
        %dma_start3A_332 = tpu.memref_squeeze %dma_start3A_331 : memref<1x1x128xi32, #tpu.memory_space<vmem>> -> memref<1x128xi32, #tpu.memory_space<vmem>>
        %dma_start3A_333 = arith.constant 0 : i32
        %dma_start3A_334 = tpu.memref_slice %arg2[%run_scoped3A_327, %add3A_326, %dma_start3A_333] : memref<2x2500x128xi32, #tpu.memory_space<hbm>> -> memref<1x1x128xi32, #tpu.memory_space<hbm>>
        %dma_start3A_335 = tpu.memref_squeeze %dma_start3A_334 : memref<1x1x128xi32, #tpu.memory_space<hbm>> -> memref<1x128xi32, #tpu.memory_space<hbm>>
        %dma_start3A_336 = arith.constant 0 : i32
        %dma_start3A_337 = arith.constant 0 : i32
        %dma_start3A_338 = tpu.memref_slice %arg9[%run_scoped3A_328, %dma_start3A_336, %dma_start3A_337] : memref<2x1x128xi32, #tpu.memory_space<vmem>> -> memref<1x1x128xi32, #tpu.memory_space<vmem>>
        %dma_start3A_339 = tpu.memref_squeeze %dma_start3A_338 : memref<1x1x128xi32, #tpu.memory_space<vmem>> -> memref<1x128xi32, #tpu.memory_space<vmem>>
        %dma_start3A_340 = arith.constant 0 : i32
        %dma_start3A_341 = tpu.memref_slice %arg2[%run_scoped3A_327, %add3A_326, %dma_start3A_340] : memref<2x2500x128xi32, #tpu.memory_space<hbm>> -> memref<1x1x128xi32, #tpu.memory_space<hbm>>
        %dma_start3A_342 = tpu.memref_squeeze %dma_start3A_341 : memref<1x1x128xi32, #tpu.memory_space<hbm>> -> memref<1x128xi32, #tpu.memory_space<hbm>>
        tpu.enqueue_dma source(%dma_start3A_342 : memref<1x128xi32, #tpu.memory_space<hbm>>) target(%dma_start3A_339 : memref<1x128xi32, #tpu.memory_space<vmem>>) target_semaphore(%run_scoped3A_329 : memref<!tpu.dma_semaphore, #tpu.memory_space<semaphore_mem>>)
        %dma_wait3A = arith.constant 0 : i32
        %dma_wait3A_343 = arith.constant 0 : i32
        %dma_wait3A_344 = tpu.memref_slice %arg9[%run_scoped3A_328, %dma_wait3A, %dma_wait3A_343] : memref<2x1x128xi32, #tpu.memory_space<vmem>> -> memref<1x1x128xi32, #tpu.memory_space<vmem>>
        %dma_wait3A_345 = tpu.memref_squeeze %dma_wait3A_344 : memref<1x1x128xi32, #tpu.memory_space<vmem>> -> memref<1x128xi32, #tpu.memory_space<vmem>>
        %dma_wait3A_346 = arith.constant 0 : i32
        %dma_wait3A_347 = tpu.memref_slice %arg2[%run_scoped3A_327, %add3A_326, %dma_wait3A_346] : memref<2x2500x128xi32, #tpu.memory_space<hbm>> -> memref<1x1x128xi32, #tpu.memory_space<hbm>>
        %dma_wait3A_348 = tpu.memref_squeeze %dma_wait3A_347 : memref<1x1x128xi32, #tpu.memory_space<hbm>> -> memref<1x128xi32, #tpu.memory_space<hbm>>
        %dma_wait3A_349 = arith.constant 0 : i32
        %dma_wait3A_350 = arith.constant 0 : i32
        %dma_wait3A_351 = tpu.memref_slice %arg9[%run_scoped3A_328, %dma_wait3A_349, %dma_wait3A_350] : memref<2x1x128xi32, #tpu.memory_space<vmem>> -> memref<1x1x128xi32, #tpu.memory_space<vmem>>
        %dma_wait3A_352 = tpu.memref_squeeze %dma_wait3A_351 : memref<1x1x128xi32, #tpu.memory_space<vmem>> -> memref<1x128xi32, #tpu.memory_space<vmem>>
        %dma_wait3A_353 = arith.constant 0 : i32
        %dma_wait3A_354 = tpu.memref_slice %arg2[%run_scoped3A_327, %add3A_326, %dma_wait3A_353] : memref<2x2500x128xi32, #tpu.memory_space<hbm>> -> memref<1x1x128xi32, #tpu.memory_space<hbm>>
        %dma_wait3A_355 = tpu.memref_squeeze %dma_wait3A_354 : memref<1x1x128xi32, #tpu.memory_space<hbm>> -> memref<1x128xi32, #tpu.memory_space<hbm>>
        tpu.wait_dma2 semaphore(%run_scoped3A_329 : memref<!tpu.dma_semaphore, #tpu.memory_space<semaphore_mem>>) src(%dma_wait3A_355 : memref<1x128xi32, #tpu.memory_space<hbm>>) dst(%dma_wait3A_352 : memref<1x128xi32, #tpu.memory_space<vmem>>)
        tpu.yield
      }) : () -> ()
    } else {
    }
    %barrier3A = arith.constant 0 : index
    tpu.barrier barrier_id(%barrier3A)
    %scan3A = arith.constant 0 : i32
    %scan3A_300 = arith.constant 0 : i32
    %scan3A_301 = arith.constant 13 : i32
    %scan3A_302 = arith.addi %scan3A_300, %scan3A_301 : i32
    %scan3A_303 = arith.constant 1 : i32
    scf.for %scan3A_321 = %scan3A_300 to %scan3A_302 step %scan3A_303  : i32 {
      %mul3A_322 = arith.constant 6 : i32
      %mul3A_323 = arith.muli %scan3A_321, %mul3A_322 : i32
      %add3A_324 = arith.constant 0 : i32
      %add3A_325 = arith.addi %mul3A_323, %add3A_324 : i32
      %mul3A_326 = arith.constant 6 : i32
      %mul3A_327 = arith.muli %scan3A_321, %mul3A_326 : i32
      %add3A_328 = arith.constant 1 : i32
      %add3A_329 = arith.addi %mul3A_327, %add3A_328 : i32
      %mul3A_330 = arith.constant 6 : i32
      %mul3A_331 = arith.muli %scan3A_321, %mul3A_330 : i32
      %add3A_332 = arith.constant 2 : i32
      %add3A_333 = arith.addi %mul3A_331, %add3A_332 : i32
      %mul3A_334 = arith.constant 6 : i32
      %mul3A_335 = arith.muli %scan3A_321, %mul3A_334 : i32
      %add3A_336 = arith.constant 3 : i32
      %add3A_337 = arith.addi %mul3A_335, %add3A_336 : i32
      %mul3A_338 = arith.constant 6 : i32
      %mul3A_339 = arith.muli %scan3A_321, %mul3A_338 : i32
      %add3A_340 = arith.constant 4 : i32
      %add3A_341 = arith.addi %mul3A_339, %add3A_340 : i32
      %mul3A_342 = arith.constant 6 : i32
      %mul3A_343 = arith.muli %scan3A_321, %mul3A_342 : i32
      %add3A_344 = arith.constant 5 : i32
      %add3A_345 = arith.addi %mul3A_343, %add3A_344 : i32
      %dma_start3A = arith.constant 0 : i32
      %dma_start3A_346 = arith.constant 0 : i32
      %dma_start3A_347 = tpu.memref_slice %arg8[%dma_start3A, %add3A_325, %dma_start3A_346] : memref<2x78x128xi32, #tpu.memory_space<vmem>> -> memref<1x1x128xi32, #tpu.memory_space<vmem>>
      %dma_start3A_348 = tpu.memref_squeeze %dma_start3A_347 : memref<1x1x128xi32, #tpu.memory_space<vmem>> -> memref<128xi32, #tpu.memory_space<vmem>>
      %dma_start3A_349 = arith.constant 0 : i32
      %dma_start3A_350 = tpu.memref_slice %arg4[%dma_start3A_349] : memref<10240xf32, #tpu.memory_space<vmem_shared>> -> memref<10240xf32, #tpu.memory_space<vmem_shared>>
      tpu.enqueue_indirect_dma source(%arg6 : memref<128xf32, #tpu.memory_space<vmem>>) target(%dma_start3A_350 : memref<10240xf32, #tpu.memory_space<vmem_shared>>) offsets(%dma_start3A_348 : memref<128xi32, #tpu.memory_space<vmem>>) semaphore(%arg10 : memref<!tpu.dma_semaphore, #tpu.memory_space<semaphore_mem>>) {add = true}
      %dma_start3A_351 = arith.constant 1 : i32
      %dma_start3A_352 = arith.constant 0 : i32
      %dma_start3A_353 = tpu.memref_slice %arg8[%dma_start3A_351, %add3A_325, %dma_start3A_352] : memref<2x78x128xi32, #tpu.memory_space<vmem>> -> memref<1x1x128xi32, #tpu.memory_space<vmem>>
      %dma_start3A_354 = tpu.memref_squeeze %dma_start3A_353 : memref<1x1x128xi32, #tpu.memory_space<vmem>> -> memref<128xi32, #tpu.memory_space<vmem>>
      %dma_start3A_355 = arith.constant 0 : i32
      %dma_start3A_356 = tpu.memref_slice %arg5[%dma_start3A_355] : memref<10240xf32, #tpu.memory_space<vmem_shared>> -> memref<10240xf32, #tpu.memory_space<vmem_shared>>
      tpu.enqueue_indirect_dma source(%arg6 : memref<128xf32, #tpu.memory_space<vmem>>) target(%dma_start3A_356 : memref<10240xf32, #tpu.memory_space<vmem_shared>>) offsets(%dma_start3A_354 : memref<128xi32, #tpu.memory_space<vmem>>) semaphore(%arg10 : memref<!tpu.dma_semaphore, #tpu.memory_space<semaphore_mem>>) {add = true}
      %dma_start3A_357 = arith.constant 0 : i32
      %dma_start3A_358 = arith.constant 0 : i32
      %dma_start3A_359 = tpu.memref_slice %arg8[%dma_start3A_357, %add3A_329, %dma_start3A_358] : memref<2x78x128xi32, #tpu.memory_space<vmem>> -> memref<1x1x128xi32, #tpu.memory_space<vmem>>
      %dma_start3A_360 = tpu.memref_squeeze %dma_start3A_359 : memref<1x1x128xi32, #tpu.memory_space<vmem>> -> memref<128xi32, #tpu.memory_space<vmem>>
      %dma_start3A_361 = arith.constant 0 : i32
      %dma_start3A_362 = tpu.memref_slice %arg4[%dma_start3A_361] : memref<10240xf32, #tpu.memory_space<vmem_shared>> -> memref<10240xf32, #tpu.memory_space<vmem_shared>>
      tpu.enqueue_indirect_dma source(%arg6 : memref<128xf32, #tpu.memory_space<vmem>>) target(%dma_start3A_362 : memref<10240xf32, #tpu.memory_space<vmem_shared>>) offsets(%dma_start3A_360 : memref<128xi32, #tpu.memory_space<vmem>>) semaphore(%arg10 : memref<!tpu.dma_semaphore, #tpu.memory_space<semaphore_mem>>) {add = true}
      %dma_start3A_363 = arith.constant 1 : i32
      %dma_start3A_364 = arith.constant 0 : i32
      %dma_start3A_365 = tpu.memref_slice %arg8[%dma_start3A_363, %add3A_329, %dma_start3A_364] : memref<2x78x128xi32, #tpu.memory_space<vmem>> -> memref<1x1x128xi32, #tpu.memory_space<vmem>>
      %dma_start3A_366 = tpu.memref_squeeze %dma_start3A_365 : memref<1x1x128xi32, #tpu.memory_space<vmem>> -> memref<128xi32, #tpu.memory_space<vmem>>
      %dma_start3A_367 = arith.constant 0 : i32
      %dma_start3A_368 = tpu.memref_slice %arg5[%dma_start3A_367] : memref<10240xf32, #tpu.memory_space<vmem_shared>> -> memref<10240xf32, #tpu.memory_space<vmem_shared>>
      tpu.enqueue_indirect_dma source(%arg6 : memref<128xf32, #tpu.memory_space<vmem>>) target(%dma_start3A_368 : memref<10240xf32, #tpu.memory_space<vmem_shared>>) offsets(%dma_start3A_366 : memref<128xi32, #tpu.memory_space<vmem>>) semaphore(%arg10 : memref<!tpu.dma_semaphore, #tpu.memory_space<semaphore_mem>>) {add = true}
      %dma_start3A_369 = arith.constant 0 : i32
      %dma_start3A_370 = arith.constant 0 : i32
      %dma_start3A_371 = tpu.memref_slice %arg8[%dma_start3A_369, %add3A_333, %dma_start3A_370] : memref<2x78x128xi32, #tpu.memory_space<vmem>> -> memref<1x1x128xi32, #tpu.memory_space<vmem>>
      %dma_start3A_372 = tpu.memref_squeeze %dma_start3A_371 : memref<1x1x128xi32, #tpu.memory_space<vmem>> -> memref<128xi32, #tpu.memory_space<vmem>>
      %dma_start3A_373 = arith.constant 0 : i32
      %dma_start3A_374 = tpu.memref_slice %arg4[%dma_start3A_373] : memref<10240xf32, #tpu.memory_space<vmem_shared>> -> memref<10240xf32, #tpu.memory_space<vmem_shared>>
      tpu.enqueue_indirect_dma source(%arg6 : memref<128xf32, #tpu.memory_space<vmem>>) target(%dma_start3A_374 : memref<10240xf32, #tpu.memory_space<vmem_shared>>) offsets(%dma_start3A_372 : memref<128xi32, #tpu.memory_space<vmem>>) semaphore(%arg10 : memref<!tpu.dma_semaphore, #tpu.memory_space<semaphore_mem>>) {add = true}
      %dma_start3A_375 = arith.constant 1 : i32
      %dma_start3A_376 = arith.constant 0 : i32
      %dma_start3A_377 = tpu.memref_slice %arg8[%dma_start3A_375, %add3A_333, %dma_start3A_376] : memref<2x78x128xi32, #tpu.memory_space<vmem>> -> memref<1x1x128xi32, #tpu.memory_space<vmem>>
      %dma_start3A_378 = tpu.memref_squeeze %dma_start3A_377 : memref<1x1x128xi32, #tpu.memory_space<vmem>> -> memref<128xi32, #tpu.memory_space<vmem>>
      %dma_start3A_379 = arith.constant 0 : i32
      %dma_start3A_380 = tpu.memref_slice %arg5[%dma_start3A_379] : memref<10240xf32, #tpu.memory_space<vmem_shared>> -> memref<10240xf32, #tpu.memory_space<vmem_shared>>
      tpu.enqueue_indirect_dma source(%arg6 : memref<128xf32, #tpu.memory_space<vmem>>) target(%dma_start3A_380 : memref<10240xf32, #tpu.memory_space<vmem_shared>>) offsets(%dma_start3A_378 : memref<128xi32, #tpu.memory_space<vmem>>) semaphore(%arg10 : memref<!tpu.dma_semaphore, #tpu.memory_space<semaphore_mem>>) {add = true}
      %dma_start3A_381 = arith.constant 0 : i32
      %dma_start3A_382 = arith.constant 0 : i32
      %dma_start3A_383 = tpu.memref_slice %arg8[%dma_start3A_381, %add3A_337, %dma_start3A_382] : memref<2x78x128xi32, #tpu.memory_space<vmem>> -> memref<1x1x128xi32, #tpu.memory_space<vmem>>
      %dma_start3A_384 = tpu.memref_squeeze %dma_start3A_383 : memref<1x1x128xi32, #tpu.memory_space<vmem>> -> memref<128xi32, #tpu.memory_space<vmem>>
      %dma_start3A_385 = arith.constant 0 : i32
      %dma_start3A_386 = tpu.memref_slice %arg4[%dma_start3A_385] : memref<10240xf32, #tpu.memory_space<vmem_shared>> -> memref<10240xf32, #tpu.memory_space<vmem_shared>>
      tpu.enqueue_indirect_dma source(%arg6 : memref<128xf32, #tpu.memory_space<vmem>>) target(%dma_start3A_386 : memref<10240xf32, #tpu.memory_space<vmem_shared>>) offsets(%dma_start3A_384 : memref<128xi32, #tpu.memory_space<vmem>>) semaphore(%arg10 : memref<!tpu.dma_semaphore, #tpu.memory_space<semaphore_mem>>) {add = true}
      %dma_start3A_387 = arith.constant 1 : i32
      %dma_start3A_388 = arith.constant 0 : i32
      %dma_start3A_389 = tpu.memref_slice %arg8[%dma_start3A_387, %add3A_337, %dma_start3A_388] : memref<2x78x128xi32, #tpu.memory_space<vmem>> -> memref<1x1x128xi32, #tpu.memory_space<vmem>>
      %dma_start3A_390 = tpu.memref_squeeze %dma_start3A_389 : memref<1x1x128xi32, #tpu.memory_space<vmem>> -> memref<128xi32, #tpu.memory_space<vmem>>
      %dma_start3A_391 = arith.constant 0 : i32
      %dma_start3A_392 = tpu.memref_slice %arg5[%dma_start3A_391] : memref<10240xf32, #tpu.memory_space<vmem_shared>> -> memref<10240xf32, #tpu.memory_space<vmem_shared>>
      tpu.enqueue_indirect_dma source(%arg6 : memref<128xf32, #tpu.memory_space<vmem>>) target(%dma_start3A_392 : memref<10240xf32, #tpu.memory_space<vmem_shared>>) offsets(%dma_start3A_390 : memref<128xi32, #tpu.memory_space<vmem>>) semaphore(%arg10 : memref<!tpu.dma_semaphore, #tpu.memory_space<semaphore_mem>>) {add = true}
      %dma_start3A_393 = arith.constant 0 : i32
      %dma_start3A_394 = arith.constant 0 : i32
      %dma_start3A_395 = tpu.memref_slice %arg8[%dma_start3A_393, %add3A_341, %dma_start3A_394] : memref<2x78x128xi32, #tpu.memory_space<vmem>> -> memref<1x1x128xi32, #tpu.memory_space<vmem>>
      %dma_start3A_396 = tpu.memref_squeeze %dma_start3A_395 : memref<1x1x128xi32, #tpu.memory_space<vmem>> -> memref<128xi32, #tpu.memory_space<vmem>>
      %dma_start3A_397 = arith.constant 0 : i32
      %dma_start3A_398 = tpu.memref_slice %arg4[%dma_start3A_397] : memref<10240xf32, #tpu.memory_space<vmem_shared>> -> memref<10240xf32, #tpu.memory_space<vmem_shared>>
      tpu.enqueue_indirect_dma source(%arg6 : memref<128xf32, #tpu.memory_space<vmem>>) target(%dma_start3A_398 : memref<10240xf32, #tpu.memory_space<vmem_shared>>) offsets(%dma_start3A_396 : memref<128xi32, #tpu.memory_space<vmem>>) semaphore(%arg10 : memref<!tpu.dma_semaphore, #tpu.memory_space<semaphore_mem>>) {add = true}
      %dma_start3A_399 = arith.constant 1 : i32
      %dma_start3A_400 = arith.constant 0 : i32
      %dma_start3A_401 = tpu.memref_slice %arg8[%dma_start3A_399, %add3A_341, %dma_start3A_400] : memref<2x78x128xi32, #tpu.memory_space<vmem>> -> memref<1x1x128xi32, #tpu.memory_space<vmem>>
      %dma_start3A_402 = tpu.memref_squeeze %dma_start3A_401 : memref<1x1x128xi32, #tpu.memory_space<vmem>> -> memref<128xi32, #tpu.memory_space<vmem>>
      %dma_start3A_403 = arith.constant 0 : i32
      %dma_start3A_404 = tpu.memref_slice %arg5[%dma_start3A_403] : memref<10240xf32, #tpu.memory_space<vmem_shared>> -> memref<10240xf32, #tpu.memory_space<vmem_shared>>
      tpu.enqueue_indirect_dma source(%arg6 : memref<128xf32, #tpu.memory_space<vmem>>) target(%dma_start3A_404 : memref<10240xf32, #tpu.memory_space<vmem_shared>>) offsets(%dma_start3A_402 : memref<128xi32, #tpu.memory_space<vmem>>) semaphore(%arg10 : memref<!tpu.dma_semaphore, #tpu.memory_space<semaphore_mem>>) {add = true}
      %dma_start3A_405 = arith.constant 0 : i32
      %dma_start3A_406 = arith.constant 0 : i32
      %dma_start3A_407 = tpu.memref_slice %arg8[%dma_start3A_405, %add3A_345, %dma_start3A_406] : memref<2x78x128xi32, #tpu.memory_space<vmem>> -> memref<1x1x128xi32, #tpu.memory_space<vmem>>
      %dma_start3A_408 = tpu.memref_squeeze %dma_start3A_407 : memref<1x1x128xi32, #tpu.memory_space<vmem>> -> memref<128xi32, #tpu.memory_space<vmem>>
      %dma_start3A_409 = arith.constant 0 : i32
      %dma_start3A_410 = tpu.memref_slice %arg4[%dma_start3A_409] : memref<10240xf32, #tpu.memory_space<vmem_shared>> -> memref<10240xf32, #tpu.memory_space<vmem_shared>>
      tpu.enqueue_indirect_dma source(%arg6 : memref<128xf32, #tpu.memory_space<vmem>>) target(%dma_start3A_410 : memref<10240xf32, #tpu.memory_space<vmem_shared>>) offsets(%dma_start3A_408 : memref<128xi32, #tpu.memory_space<vmem>>) semaphore(%arg10 : memref<!tpu.dma_semaphore, #tpu.memory_space<semaphore_mem>>) {add = true}
      %dma_start3A_411 = arith.constant 1 : i32
      %dma_start3A_412 = arith.constant 0 : i32
      %dma_start3A_413 = tpu.memref_slice %arg8[%dma_start3A_411, %add3A_345, %dma_start3A_412] : memref<2x78x128xi32, #tpu.memory_space<vmem>> -> memref<1x1x128xi32, #tpu.memory_space<vmem>>
      %dma_start3A_414 = tpu.memref_squeeze %dma_start3A_413 : memref<1x1x128xi32, #tpu.memory_space<vmem>> -> memref<128xi32, #tpu.memory_space<vmem>>
      %dma_start3A_415 = arith.constant 0 : i32
      %dma_start3A_416 = tpu.memref_slice %arg5[%dma_start3A_415] : memref<10240xf32, #tpu.memory_space<vmem_shared>> -> memref<10240xf32, #tpu.memory_space<vmem_shared>>
      tpu.enqueue_indirect_dma source(%arg6 : memref<128xf32, #tpu.memory_space<vmem>>) target(%dma_start3A_416 : memref<10240xf32, #tpu.memory_space<vmem_shared>>) offsets(%dma_start3A_414 : memref<128xi32, #tpu.memory_space<vmem>>) semaphore(%arg10 : memref<!tpu.dma_semaphore, #tpu.memory_space<semaphore_mem>>) {add = true}
      %dma_wait3A = arith.constant 0 : i32
      %dma_wait3A_417 = arith.constant 0 : i32
      %dma_wait3A_418 = tpu.memref_slice %arg8[%dma_wait3A, %add3A_325, %dma_wait3A_417] : memref<2x78x128xi32, #tpu.memory_space<vmem>> -> memref<1x1x128xi32, #tpu.memory_space<vmem>>
      %dma_wait3A_419 = tpu.memref_squeeze %dma_wait3A_418 : memref<1x1x128xi32, #tpu.memory_space<vmem>> -> memref<128xi32, #tpu.memory_space<vmem>>
      %dma_wait3A_420 = arith.constant 0 : i32
      %dma_wait3A_421 = tpu.memref_slice %arg4[%dma_wait3A_420] : memref<10240xf32, #tpu.memory_space<vmem_shared>> -> memref<10240xf32, #tpu.memory_space<vmem_shared>>
      tpu.wait_indirect_dma semaphore(%arg10 : memref<!tpu.dma_semaphore, #tpu.memory_space<semaphore_mem>>) src(%arg6 : memref<128xf32, #tpu.memory_space<vmem>>) dst(%dma_wait3A_421 : memref<10240xf32, #tpu.memory_space<vmem_shared>>)
      %dma_wait3A_422 = arith.constant 1 : i32
      %dma_wait3A_423 = arith.constant 0 : i32
      %dma_wait3A_424 = tpu.memref_slice %arg8[%dma_wait3A_422, %add3A_325, %dma_wait3A_423] : memref<2x78x128xi32, #tpu.memory_space<vmem>> -> memref<1x1x128xi32, #tpu.memory_space<vmem>>
      %dma_wait3A_425 = tpu.memref_squeeze %dma_wait3A_424 : memref<1x1x128xi32, #tpu.memory_space<vmem>> -> memref<128xi32, #tpu.memory_space<vmem>>
      %dma_wait3A_426 = arith.constant 0 : i32
      %dma_wait3A_427 = tpu.memref_slice %arg5[%dma_wait3A_426] : memref<10240xf32, #tpu.memory_space<vmem_shared>> -> memref<10240xf32, #tpu.memory_space<vmem_shared>>
      tpu.wait_indirect_dma semaphore(%arg10 : memref<!tpu.dma_semaphore, #tpu.memory_space<semaphore_mem>>) src(%arg6 : memref<128xf32, #tpu.memory_space<vmem>>) dst(%dma_wait3A_427 : memref<10240xf32, #tpu.memory_space<vmem_shared>>)
      %dma_wait3A_428 = arith.constant 0 : i32
      %dma_wait3A_429 = arith.constant 0 : i32
      %dma_wait3A_430 = tpu.memref_slice %arg8[%dma_wait3A_428, %add3A_329, %dma_wait3A_429] : memref<2x78x128xi32, #tpu.memory_space<vmem>> -> memref<1x1x128xi32, #tpu.memory_space<vmem>>
      %dma_wait3A_431 = tpu.memref_squeeze %dma_wait3A_430 : memref<1x1x128xi32, #tpu.memory_space<vmem>> -> memref<128xi32, #tpu.memory_space<vmem>>
      %dma_wait3A_432 = arith.constant 0 : i32
      %dma_wait3A_433 = tpu.memref_slice %arg4[%dma_wait3A_432] : memref<10240xf32, #tpu.memory_space<vmem_shared>> -> memref<10240xf32, #tpu.memory_space<vmem_shared>>
      tpu.wait_indirect_dma semaphore(%arg10 : memref<!tpu.dma_semaphore, #tpu.memory_space<semaphore_mem>>) src(%arg6 : memref<128xf32, #tpu.memory_space<vmem>>) dst(%dma_wait3A_433 : memref<10240xf32, #tpu.memory_space<vmem_shared>>)
      %dma_wait3A_434 = arith.constant 1 : i32
      %dma_wait3A_435 = arith.constant 0 : i32
      %dma_wait3A_436 = tpu.memref_slice %arg8[%dma_wait3A_434, %add3A_329, %dma_wait3A_435] : memref<2x78x128xi32, #tpu.memory_space<vmem>> -> memref<1x1x128xi32, #tpu.memory_space<vmem>>
      %dma_wait3A_437 = tpu.memref_squeeze %dma_wait3A_436 : memref<1x1x128xi32, #tpu.memory_space<vmem>> -> memref<128xi32, #tpu.memory_space<vmem>>
      %dma_wait3A_438 = arith.constant 0 : i32
      %dma_wait3A_439 = tpu.memref_slice %arg5[%dma_wait3A_438] : memref<10240xf32, #tpu.memory_space<vmem_shared>> -> memref<10240xf32, #tpu.memory_space<vmem_shared>>
      tpu.wait_indirect_dma semaphore(%arg10 : memref<!tpu.dma_semaphore, #tpu.memory_space<semaphore_mem>>) src(%arg6 : memref<128xf32, #tpu.memory_space<vmem>>) dst(%dma_wait3A_439 : memref<10240xf32, #tpu.memory_space<vmem_shared>>)
      %dma_wait3A_440 = arith.constant 0 : i32
      %dma_wait3A_441 = arith.constant 0 : i32
      %dma_wait3A_442 = tpu.memref_slice %arg8[%dma_wait3A_440, %add3A_333, %dma_wait3A_441] : memref<2x78x128xi32, #tpu.memory_space<vmem>> -> memref<1x1x128xi32, #tpu.memory_space<vmem>>
      %dma_wait3A_443 = tpu.memref_squeeze %dma_wait3A_442 : memref<1x1x128xi32, #tpu.memory_space<vmem>> -> memref<128xi32, #tpu.memory_space<vmem>>
      %dma_wait3A_444 = arith.constant 0 : i32
      %dma_wait3A_445 = tpu.memref_slice %arg4[%dma_wait3A_444] : memref<10240xf32, #tpu.memory_space<vmem_shared>> -> memref<10240xf32, #tpu.memory_space<vmem_shared>>
      tpu.wait_indirect_dma semaphore(%arg10 : memref<!tpu.dma_semaphore, #tpu.memory_space<semaphore_mem>>) src(%arg6 : memref<128xf32, #tpu.memory_space<vmem>>) dst(%dma_wait3A_445 : memref<10240xf32, #tpu.memory_space<vmem_shared>>)
      %dma_wait3A_446 = arith.constant 1 : i32
      %dma_wait3A_447 = arith.constant 0 : i32
      %dma_wait3A_448 = tpu.memref_slice %arg8[%dma_wait3A_446, %add3A_333, %dma_wait3A_447] : memref<2x78x128xi32, #tpu.memory_space<vmem>> -> memref<1x1x128xi32, #tpu.memory_space<vmem>>
      %dma_wait3A_449 = tpu.memref_squeeze %dma_wait3A_448 : memref<1x1x128xi32, #tpu.memory_space<vmem>> -> memref<128xi32, #tpu.memory_space<vmem>>
      %dma_wait3A_450 = arith.constant 0 : i32
      %dma_wait3A_451 = tpu.memref_slice %arg5[%dma_wait3A_450] : memref<10240xf32, #tpu.memory_space<vmem_shared>> -> memref<10240xf32, #tpu.memory_space<vmem_shared>>
      tpu.wait_indirect_dma semaphore(%arg10 : memref<!tpu.dma_semaphore, #tpu.memory_space<semaphore_mem>>) src(%arg6 : memref<128xf32, #tpu.memory_space<vmem>>) dst(%dma_wait3A_451 : memref<10240xf32, #tpu.memory_space<vmem_shared>>)
      %dma_wait3A_452 = arith.constant 0 : i32
      %dma_wait3A_453 = arith.constant 0 : i32
      %dma_wait3A_454 = tpu.memref_slice %arg8[%dma_wait3A_452, %add3A_337, %dma_wait3A_453] : memref<2x78x128xi32, #tpu.memory_space<vmem>> -> memref<1x1x128xi32, #tpu.memory_space<vmem>>
      %dma_wait3A_455 = tpu.memref_squeeze %dma_wait3A_454 : memref<1x1x128xi32, #tpu.memory_space<vmem>> -> memref<128xi32, #tpu.memory_space<vmem>>
      %dma_wait3A_456 = arith.constant 0 : i32
      %dma_wait3A_457 = tpu.memref_slice %arg4[%dma_wait3A_456] : memref<10240xf32, #tpu.memory_space<vmem_shared>> -> memref<10240xf32, #tpu.memory_space<vmem_shared>>
      tpu.wait_indirect_dma semaphore(%arg10 : memref<!tpu.dma_semaphore, #tpu.memory_space<semaphore_mem>>) src(%arg6 : memref<128xf32, #tpu.memory_space<vmem>>) dst(%dma_wait3A_457 : memref<10240xf32, #tpu.memory_space<vmem_shared>>)
      %dma_wait3A_458 = arith.constant 1 : i32
      %dma_wait3A_459 = arith.constant 0 : i32
      %dma_wait3A_460 = tpu.memref_slice %arg8[%dma_wait3A_458, %add3A_337, %dma_wait3A_459] : memref<2x78x128xi32, #tpu.memory_space<vmem>> -> memref<1x1x128xi32, #tpu.memory_space<vmem>>
      %dma_wait3A_461 = tpu.memref_squeeze %dma_wait3A_460 : memref<1x1x128xi32, #tpu.memory_space<vmem>> -> memref<128xi32, #tpu.memory_space<vmem>>
      %dma_wait3A_462 = arith.constant 0 : i32
      %dma_wait3A_463 = tpu.memref_slice %arg5[%dma_wait3A_462] : memref<10240xf32, #tpu.memory_space<vmem_shared>> -> memref<10240xf32, #tpu.memory_space<vmem_shared>>
      tpu.wait_indirect_dma semaphore(%arg10 : memref<!tpu.dma_semaphore, #tpu.memory_space<semaphore_mem>>) src(%arg6 : memref<128xf32, #tpu.memory_space<vmem>>) dst(%dma_wait3A_463 : memref<10240xf32, #tpu.memory_space<vmem_shared>>)
      %dma_wait3A_464 = arith.constant 0 : i32
      %dma_wait3A_465 = arith.constant 0 : i32
      %dma_wait3A_466 = tpu.memref_slice %arg8[%dma_wait3A_464, %add3A_341, %dma_wait3A_465] : memref<2x78x128xi32, #tpu.memory_space<vmem>> -> memref<1x1x128xi32, #tpu.memory_space<vmem>>
      %dma_wait3A_467 = tpu.memref_squeeze %dma_wait3A_466 : memref<1x1x128xi32, #tpu.memory_space<vmem>> -> memref<128xi32, #tpu.memory_space<vmem>>
      %dma_wait3A_468 = arith.constant 0 : i32
      %dma_wait3A_469 = tpu.memref_slice %arg4[%dma_wait3A_468] : memref<10240xf32, #tpu.memory_space<vmem_shared>> -> memref<10240xf32, #tpu.memory_space<vmem_shared>>
      tpu.wait_indirect_dma semaphore(%arg10 : memref<!tpu.dma_semaphore, #tpu.memory_space<semaphore_mem>>) src(%arg6 : memref<128xf32, #tpu.memory_space<vmem>>) dst(%dma_wait3A_469 : memref<10240xf32, #tpu.memory_space<vmem_shared>>)
      %dma_wait3A_470 = arith.constant 1 : i32
      %dma_wait3A_471 = arith.constant 0 : i32
      %dma_wait3A_472 = tpu.memref_slice %arg8[%dma_wait3A_470, %add3A_341, %dma_wait3A_471] : memref<2x78x128xi32, #tpu.memory_space<vmem>> -> memref<1x1x128xi32, #tpu.memory_space<vmem>>
      %dma_wait3A_473 = tpu.memref_squeeze %dma_wait3A_472 : memref<1x1x128xi32, #tpu.memory_space<vmem>> -> memref<128xi32, #tpu.memory_space<vmem>>
      %dma_wait3A_474 = arith.constant 0 : i32
      %dma_wait3A_475 = tpu.memref_slice %arg5[%dma_wait3A_474] : memref<10240xf32, #tpu.memory_space<vmem_shared>> -> memref<10240xf32, #tpu.memory_space<vmem_shared>>
      tpu.wait_indirect_dma semaphore(%arg10 : memref<!tpu.dma_semaphore, #tpu.memory_space<semaphore_mem>>) src(%arg6 : memref<128xf32, #tpu.memory_space<vmem>>) dst(%dma_wait3A_475 : memref<10240xf32, #tpu.memory_space<vmem_shared>>)
      %dma_wait3A_476 = arith.constant 0 : i32
      %dma_wait3A_477 = arith.constant 0 : i32
      %dma_wait3A_478 = tpu.memref_slice %arg8[%dma_wait3A_476, %add3A_345, %dma_wait3A_477] : memref<2x78x128xi32, #tpu.memory_space<vmem>> -> memref<1x1x128xi32, #tpu.memory_space<vmem>>
      %dma_wait3A_479 = tpu.memref_squeeze %dma_wait3A_478 : memref<1x1x128xi32, #tpu.memory_space<vmem>> -> memref<128xi32, #tpu.memory_space<vmem>>
      %dma_wait3A_480 = arith.constant 0 : i32
      %dma_wait3A_481 = tpu.memref_slice %arg4[%dma_wait3A_480] : memref<10240xf32, #tpu.memory_space<vmem_shared>> -> memref<10240xf32, #tpu.memory_space<vmem_shared>>
      tpu.wait_indirect_dma semaphore(%arg10 : memref<!tpu.dma_semaphore, #tpu.memory_space<semaphore_mem>>) src(%arg6 : memref<128xf32, #tpu.memory_space<vmem>>) dst(%dma_wait3A_481 : memref<10240xf32, #tpu.memory_space<vmem_shared>>)
      %dma_wait3A_482 = arith.constant 1 : i32
      %dma_wait3A_483 = arith.constant 0 : i32
      %dma_wait3A_484 = tpu.memref_slice %arg8[%dma_wait3A_482, %add3A_345, %dma_wait3A_483] : memref<2x78x128xi32, #tpu.memory_space<vmem>> -> memref<1x1x128xi32, #tpu.memory_space<vmem>>
      %dma_wait3A_485 = tpu.memref_squeeze %dma_wait3A_484 : memref<1x1x128xi32, #tpu.memory_space<vmem>> -> memref<128xi32, #tpu.memory_space<vmem>>
      %dma_wait3A_486 = arith.constant 0 : i32
      %dma_wait3A_487 = tpu.memref_slice %arg5[%dma_wait3A_486] : memref<10240xf32, #tpu.memory_space<vmem_shared>> -> memref<10240xf32, #tpu.memory_space<vmem_shared>>
      tpu.wait_indirect_dma semaphore(%arg10 : memref<!tpu.dma_semaphore, #tpu.memory_space<semaphore_mem>>) src(%arg6 : memref<128xf32, #tpu.memory_space<vmem>>) dst(%dma_wait3A_487 : memref<10240xf32, #tpu.memory_space<vmem_shared>>)
    }
    %scan3A_304 = arith.constant 13 : i32
    %lt3A_305 = arith.constant 4 : i32
    %lt3A_306 = arith.cmpi slt, %add3A, %lt3A_305 : i32
    %convert_element_type3A_307 = arith.extui %lt3A_306 : i1 to i32
    %cond3A_308 = arith.constant 0 : i32
    %cond3A_309 = arith.cmpi ne, %convert_element_type3A_307, %cond3A_308 : i32
    scf.if %cond3A_309 {
      %dma_start3A = arith.constant 0 : i32
      %dma_start3A_321 = arith.constant 0 : i32
      %dma_start3A_322 = arith.constant 0 : i32
      %dma_start3A_323 = tpu.memref_slice %arg9[%dma_start3A, %dma_start3A_321, %dma_start3A_322] : memref<2x1x128xi32, #tpu.memory_space<vmem>> -> memref<1x1x128xi32, #tpu.memory_space<vmem>>
      %dma_start3A_324 = tpu.memref_squeeze %dma_start3A_323 : memref<1x1x128xi32, #tpu.memory_space<vmem>> -> memref<128xi32, #tpu.memory_space<vmem>>
      %dma_start3A_325 = arith.constant 0 : i32
      %dma_start3A_326 = tpu.memref_slice %arg4[%dma_start3A_325] : memref<10240xf32, #tpu.memory_space<vmem_shared>> -> memref<10240xf32, #tpu.memory_space<vmem_shared>>
      tpu.enqueue_indirect_dma source(%arg6 : memref<128xf32, #tpu.memory_space<vmem>>) target(%dma_start3A_326 : memref<10240xf32, #tpu.memory_space<vmem_shared>>) offsets(%dma_start3A_324 : memref<128xi32, #tpu.memory_space<vmem>>) semaphore(%arg10 : memref<!tpu.dma_semaphore, #tpu.memory_space<semaphore_mem>>) {add = true}
      %dma_start3A_327 = arith.constant 1 : i32
      %dma_start3A_328 = arith.constant 0 : i32
      %dma_start3A_329 = arith.constant 0 : i32
      %dma_start3A_330 = tpu.memref_slice %arg9[%dma_start3A_327, %dma_start3A_328, %dma_start3A_329] : memref<2x1x128xi32, #tpu.memory_space<vmem>> -> memref<1x1x128xi32, #tpu.memory_space<vmem>>
      %dma_start3A_331 = tpu.memref_squeeze %dma_start3A_330 : memref<1x1x128xi32, #tpu.memory_space<vmem>> -> memref<128xi32, #tpu.memory_space<vmem>>
      %dma_start3A_332 = arith.constant 0 : i32
      %dma_start3A_333 = tpu.memref_slice %arg5[%dma_start3A_332] : memref<10240xf32, #tpu.memory_space<vmem_shared>> -> memref<10240xf32, #tpu.memory_space<vmem_shared>>
      tpu.enqueue_indirect_dma source(%arg6 : memref<128xf32, #tpu.memory_space<vmem>>) target(%dma_start3A_333 : memref<10240xf32, #tpu.memory_space<vmem_shared>>) offsets(%dma_start3A_331 : memref<128xi32, #tpu.memory_space<vmem>>) semaphore(%arg10 : memref<!tpu.dma_semaphore, #tpu.memory_space<semaphore_mem>>) {add = true}
      %dma_wait3A = arith.constant 0 : i32
      %dma_wait3A_334 = arith.constant 0 : i32
      %dma_wait3A_335 = arith.constant 0 : i32
      %dma_wait3A_336 = tpu.memref_slice %arg9[%dma_wait3A, %dma_wait3A_334, %dma_wait3A_335] : memref<2x1x128xi32, #tpu.memory_space<vmem>> -> memref<1x1x128xi32, #tpu.memory_space<vmem>>
      %dma_wait3A_337 = tpu.memref_squeeze %dma_wait3A_336 : memref<1x1x128xi32, #tpu.memory_space<vmem>> -> memref<128xi32, #tpu.memory_space<vmem>>
      %dma_wait3A_338 = arith.constant 0 : i32
      %dma_wait3A_339 = tpu.memref_slice %arg4[%dma_wait3A_338] : memref<10240xf32, #tpu.memory_space<vmem_shared>> -> memref<10240xf32, #tpu.memory_space<vmem_shared>>
      tpu.wait_indirect_dma semaphore(%arg10 : memref<!tpu.dma_semaphore, #tpu.memory_space<semaphore_mem>>) src(%arg6 : memref<128xf32, #tpu.memory_space<vmem>>) dst(%dma_wait3A_339 : memref<10240xf32, #tpu.memory_space<vmem_shared>>)
      %dma_wait3A_340 = arith.constant 1 : i32
      %dma_wait3A_341 = arith.constant 0 : i32
      %dma_wait3A_342 = arith.constant 0 : i32
      %dma_wait3A_343 = tpu.memref_slice %arg9[%dma_wait3A_340, %dma_wait3A_341, %dma_wait3A_342] : memref<2x1x128xi32, #tpu.memory_space<vmem>> -> memref<1x1x128xi32, #tpu.memory_space<vmem>>
      %dma_wait3A_344 = tpu.memref_squeeze %dma_wait3A_343 : memref<1x1x128xi32, #tpu.memory_space<vmem>> -> memref<128xi32, #tpu.memory_space<vmem>>
      %dma_wait3A_345 = arith.constant 0 : i32
      %dma_wait3A_346 = tpu.memref_slice %arg5[%dma_wait3A_345] : memref<10240xf32, #tpu.memory_space<vmem_shared>> -> memref<10240xf32, #tpu.memory_space<vmem_shared>>
      tpu.wait_indirect_dma semaphore(%arg10 : memref<!tpu.dma_semaphore, #tpu.memory_space<semaphore_mem>>) src(%arg6 : memref<128xf32, #tpu.memory_space<vmem>>) dst(%dma_wait3A_346 : memref<10240xf32, #tpu.memory_space<vmem_shared>>)
    } else {
    }
    %barrier3A_310 = arith.constant 0 : index
    tpu.barrier barrier_id(%barrier3A_310)
    %mul3A_311 = arith.constant 640 : i32
    %mul3A_312 = arith.muli %mul3A_311, %arg1 : i32
    %mul3A_313 = arith.constant 640 : i32
    %mul3A_314 = arith.muli %mul3A_313, %arg1 : i32
    %run_scoped3A_315 = arith.constant 0 : i32
    "tpu.region"() ({
      %run_scoped3A_321 = tpu.sem_alloc : memref<!tpu.dma_semaphore, #tpu.memory_space<semaphore_mem>>
      %dma_start3A = tpu.memref_slice %arg3[%arg0, %run_scoped3A_315, %mul3A_314] : memref<2x2x10240xf32, #tpu.memory_space<hbm>> -> memref<1x1x640xf32, #tpu.memory_space<hbm>>
      %dma_start3A_322 = tpu.memref_squeeze %dma_start3A : memref<1x1x640xf32, #tpu.memory_space<hbm>> -> memref<640xf32, #tpu.memory_space<hbm>>
      %dma_start3A_323 = tpu.memref_slice %arg4[%mul3A_312] : memref<10240xf32, #tpu.memory_space<vmem_shared>> -> memref<640xf32, #tpu.memory_space<vmem_shared>>
      tpu.enqueue_dma source(%dma_start3A_323 : memref<640xf32, #tpu.memory_space<vmem_shared>>) target(%dma_start3A_322 : memref<640xf32, #tpu.memory_space<hbm>>) target_semaphore(%run_scoped3A_321 : memref<!tpu.dma_semaphore, #tpu.memory_space<semaphore_mem>>)
      %dma_wait3A = tpu.memref_slice %arg3[%arg0, %run_scoped3A_315, %mul3A_314] : memref<2x2x10240xf32, #tpu.memory_space<hbm>> -> memref<1x1x640xf32, #tpu.memory_space<hbm>>
      %dma_wait3A_324 = tpu.memref_squeeze %dma_wait3A : memref<1x1x640xf32, #tpu.memory_space<hbm>> -> memref<640xf32, #tpu.memory_space<hbm>>
      %dma_wait3A_325 = tpu.memref_slice %arg4[%mul3A_312] : memref<10240xf32, #tpu.memory_space<vmem_shared>> -> memref<640xf32, #tpu.memory_space<vmem_shared>>
      tpu.wait_dma2 semaphore(%run_scoped3A_321 : memref<!tpu.dma_semaphore, #tpu.memory_space<semaphore_mem>>) src(%dma_wait3A_325 : memref<640xf32, #tpu.memory_space<vmem_shared>>) dst(%dma_wait3A_324 : memref<640xf32, #tpu.memory_space<hbm>>)
      tpu.yield
    }) : () -> ()
    %mul3A_316 = arith.constant 640 : i32
    %mul3A_317 = arith.muli %mul3A_316, %arg1 : i32
    %mul3A_318 = arith.constant 640 : i32
    %mul3A_319 = arith.muli %mul3A_318, %arg1 : i32
    %run_scoped3A_320 = arith.constant 1 : i32
    "tpu.region"() ({
      %run_scoped3A_321 = tpu.sem_alloc : memref<!tpu.dma_semaphore, #tpu.memory_space<semaphore_mem>>
      %dma_start3A = tpu.memref_slice %arg3[%arg0, %run_scoped3A_320, %mul3A_319] : memref<2x2x10240xf32, #tpu.memory_space<hbm>> -> memref<1x1x640xf32, #tpu.memory_space<hbm>>
      %dma_start3A_322 = tpu.memref_squeeze %dma_start3A : memref<1x1x640xf32, #tpu.memory_space<hbm>> -> memref<640xf32, #tpu.memory_space<hbm>>
      %dma_start3A_323 = tpu.memref_slice %arg5[%mul3A_317] : memref<10240xf32, #tpu.memory_space<vmem_shared>> -> memref<640xf32, #tpu.memory_space<vmem_shared>>
      tpu.enqueue_dma source(%dma_start3A_323 : memref<640xf32, #tpu.memory_space<vmem_shared>>) target(%dma_start3A_322 : memref<640xf32, #tpu.memory_space<hbm>>) target_semaphore(%run_scoped3A_321 : memref<!tpu.dma_semaphore, #tpu.memory_space<semaphore_mem>>)
      %dma_wait3A = tpu.memref_slice %arg3[%arg0, %run_scoped3A_320, %mul3A_319] : memref<2x2x10240xf32, #tpu.memory_space<hbm>> -> memref<1x1x640xf32, #tpu.memory_space<hbm>>
      %dma_wait3A_324 = tpu.memref_squeeze %dma_wait3A : memref<1x1x640xf32, #tpu.memory_space<hbm>> -> memref<640xf32, #tpu.memory_space<hbm>>
      %dma_wait3A_325 = tpu.memref_slice %arg5[%mul3A_317] : memref<10240xf32, #tpu.memory_space<vmem_shared>> -> memref<640xf32, #tpu.memory_space<vmem_shared>>
      tpu.wait_dma2 semaphore(%run_scoped3A_321 : memref<!tpu.dma_semaphore, #tpu.memory_space<semaphore_mem>>) src(%dma_wait3A_325 : memref<640xf32, #tpu.memory_space<vmem_shared>>) dst(%dma_wait3A_324 : memref<640xf32, #tpu.memory_space<hbm>>)
      tpu.yield
    }) : () -> ()
    return
  }
}

module attributes {stable_mosaic.version = 14 : i64} {
  func.func @_mm_body(%arg0: memref<10000x128xf32, #tpu.memory_space<vmem>>, %arg1: memref<128x64xf32, #tpu.memory_space<vmem>>, %arg2: memref<2x2x10240xf32, #tpu.memory_space<vmem>>, %arg3: memref<10000x64xf32, #tpu.memory_space<vmem>>) attributes {dimension_semantics = [], scalar_prefetch = 0 : i64, scratch_operands = 0 : i64, tpu.core_type = #tpu.core_type<tc>} {
    %get3A = arith.constant 0 : index
    %get3A_0 = arith.constant 0 : index
    %get3A_1 = arith.constant 0 : index
    %get3A_2 = vector.load %arg2[%get3A, %get3A_0, %get3A_1] : memref<2x2x10240xf32, #tpu.memory_space<vmem>>, vector<1x1x10240xf32>
    %get3A_3 = vector.shape_cast %get3A_2 : vector<1x1x10240xf32> to vector<10240xf32>
    %get3A_4 = arith.constant 1 : index
    %get3A_5 = arith.constant 0 : index
    %get3A_6 = arith.constant 0 : index
    %get3A_7 = vector.load %arg2[%get3A_4, %get3A_5, %get3A_6] : memref<2x2x10240xf32, #tpu.memory_space<vmem>>, vector<1x1x10240xf32>
    %get3A_8 = vector.shape_cast %get3A_7 : vector<1x1x10240xf32> to vector<10240xf32>
    %add3A = arith.addf %get3A_3, %get3A_8 : vector<10240xf32>
    %add3A_9 = arith.constant 1.000000e+00 : f32
    %add3A_10 = vector.broadcast %add3A_9 : f32 to vector<10240xf32>
    %add3A_11 = arith.addf %add3A, %add3A_10 : vector<10240xf32>
    %rsqrt3A = math.rsqrt %add3A_11 : vector<10240xf32>
    %slice3A = vector.extract_strided_slice %rsqrt3A {offsets = [0], sizes = [10000], strides = [1]} : vector<10240xf32> to vector<10000xf32>
    %reshape3A = vector.shape_cast %slice3A : vector<10000xf32> to vector<10000x1xf32>
    %get3A_12 = arith.constant 0 : index
    %get3A_13 = arith.constant 0 : index
    %get3A_14 = vector.load %arg0[%get3A_12, %get3A_13] : memref<10000x128xf32, #tpu.memory_space<vmem>>, vector<10000x128xf32>
    %get3A_15 = arith.constant 0 : index
    %get3A_16 = arith.constant 0 : index
    %get3A_17 = vector.load %arg1[%get3A_15, %get3A_16] : memref<128x64xf32, #tpu.memory_space<vmem>>, vector<128x64xf32>
    %dot_general3A = arith.constant dense<0.000000e+00> : vector<10000x64xf32>
    %dot_general3A_18 = tpu.matmul %get3A_14, %get3A_17, %dot_general3A {dimension_numbers = #tpu.dot_dimension_numbers<[1], [0], [0], [1], [0, 0, 1, 1], [], []>, transpose_lhs_hint = false} : vector<10000x128xf32>, vector<128x64xf32>, vector<10000x64xf32> -> vector<10000x64xf32>
    %mul3A = vector.broadcast %reshape3A : vector<10000x1xf32> to vector<10000x64xf32>
    %mul3A_19 = arith.mulf %dot_general3A_18, %mul3A : vector<10000x64xf32>
    %swap3A = arith.constant 0 : index
    %swap3A_20 = arith.constant 0 : index
    %swap3A_21 = vector.load %arg3[%swap3A, %swap3A_20] : memref<10000x64xf32, #tpu.memory_space<vmem>>, vector<10000x64xf32>
    tpu.vector_store %arg3[%swap3A, %swap3A_20], %mul3A_19 {strides = array<i32>} : memref<10000x64xf32, #tpu.memory_space<vmem>>, vector<10000x64xf32>,
    return
  }
}

module attributes {stable_mosaic.version = 14 : i64} {
  func.func @_ep_body(%arg0: memref<10240x64xf32, #tpu.memory_space<vmem>>, %arg1: memref<10240x64xf32, #tpu.memory_space<vmem>>, %arg2: memref<10000x64xf32, #tpu.memory_space<vmem>>, %arg3: memref<2x2x10240xf32, #tpu.memory_space<vmem>>, %arg4: memref<1x64xf32, #tpu.memory_space<vmem>>, %arg5: memref<16x64xf32, #tpu.memory_space<vmem>>, %arg6: memref<1x16xf32, #tpu.memory_space<vmem>>, %arg7: memref<1x16xf32, #tpu.memory_space<vmem>>) attributes {dimension_semantics = [], scalar_prefetch = 0 : i64, scratch_operands = 0 : i64, tpu.core_type = #tpu.core_type<tc>} {
    %get3A = arith.constant 0 : index
    %get3A_0 = arith.constant 0 : index
    %get3A_1 = vector.load %arg0[%get3A, %get3A_0] : memref<10240x64xf32, #tpu.memory_space<vmem>>, vector<10000x64xf32>
    %get3A_2 = arith.constant 0 : index
    %get3A_3 = arith.constant 0 : index
    %get3A_4 = vector.load %arg1[%get3A_2, %get3A_3] : memref<10240x64xf32, #tpu.memory_space<vmem>>, vector<10000x64xf32>
    %add3A = arith.addf %get3A_1, %get3A_4 : vector<10000x64xf32>
    %get3A_5 = arith.constant 0 : index
    %get3A_6 = arith.constant 0 : index
    %get3A_7 = vector.load %arg2[%get3A_5, %get3A_6] : memref<10000x64xf32, #tpu.memory_space<vmem>>, vector<10000x64xf32>
    %add3A_8 = arith.addf %add3A, %get3A_7 : vector<10000x64xf32>
    %get3A_9 = arith.constant 0 : index
    %get3A_10 = arith.constant 1 : index
    %get3A_11 = arith.constant 0 : index
    %get3A_12 = vector.load %arg3[%get3A_9, %get3A_10, %get3A_11] : memref<2x2x10240xf32, #tpu.memory_space<vmem>>, vector<1x1x10240xf32>
    %get3A_13 = vector.shape_cast %get3A_12 : vector<1x1x10240xf32> to vector<10240xf32>
    %get3A_14 = arith.constant 1 : index
    %get3A_15 = arith.constant 1 : index
    %get3A_16 = arith.constant 0 : index
    %get3A_17 = vector.load %arg3[%get3A_14, %get3A_15, %get3A_16] : memref<2x2x10240xf32, #tpu.memory_space<vmem>>, vector<1x1x10240xf32>
    %get3A_18 = vector.shape_cast %get3A_17 : vector<1x1x10240xf32> to vector<10240xf32>
    %add3A_19 = arith.addf %get3A_13, %get3A_18 : vector<10240xf32>
    %add3A_20 = arith.constant 1.000000e+00 : f32
    %add3A_21 = vector.broadcast %add3A_20 : f32 to vector<10240xf32>
    %add3A_22 = arith.addf %add3A_19, %add3A_21 : vector<10240xf32>
    %rsqrt3A = math.rsqrt %add3A_22 : vector<10240xf32>
    %slice3A = vector.extract_strided_slice %rsqrt3A {offsets = [0], sizes = [10000], strides = [1]} : vector<10240xf32> to vector<10000xf32>
    %reshape3A = vector.shape_cast %slice3A : vector<10000xf32> to vector<10000x1xf32>
    %mul3A = vector.broadcast %reshape3A : vector<10000x1xf32> to vector<10000x64xf32>
    %mul3A_23 = arith.mulf %add3A_8, %mul3A : vector<10000x64xf32>
    %get3A_24 = arith.constant 0 : index
    %get3A_25 = arith.constant 0 : index
    %get3A_26 = vector.load %arg4[%get3A_24, %get3A_25] : memref<1x64xf32, #tpu.memory_space<vmem>>, vector<1x64xf32>
    %add3A_27 = vector.broadcast %get3A_26 : vector<1x64xf32> to vector<10000x64xf32>
    %add3A_28 = arith.addf %mul3A_23, %add3A_27 : vector<10000x64xf32>
    %max3A = arith.constant 0.000000e+00 : f32
    %max3A_29 = vector.broadcast %max3A : f32 to vector<10000x64xf32>
    %max3A_30 = arith.maximumf %add3A_28, %max3A_29 : vector<10000x64xf32>
    %reduce_max3A = arith.constant dense<0xFF800000> : vector<64xf32>
    %reduce_max3A_31 = vector.multi_reduction <maximumf>, %max3A_30, %reduce_max3A [0] : vector<10000x64xf32> to vector<64xf32>
    %broadcast_in_dim3A = vector.shape_cast %reduce_max3A_31 : vector<64xf32> to vector<1x64xf32>
    %get3A_32 = arith.constant 0 : index
    %get3A_33 = arith.constant 0 : index
    %get3A_34 = vector.load %arg5[%get3A_32, %get3A_33] : memref<16x64xf32, #tpu.memory_space<vmem>>, vector<16x64xf32>
    %dot_general3A = arith.constant dense<0.000000e+00> : vector<1x16xf32>
    %dot_general3A_35 = tpu.matmul %broadcast_in_dim3A, %get3A_34, %dot_general3A {dimension_numbers = #tpu.dot_dimension_numbers<[1], [1], [0], [0], [0, 0, 1, 0], [], []>, transpose_lhs_hint = false} : vector<1x64xf32>, vector<16x64xf32>, vector<1x16xf32> -> vector<1x16xf32>
    %get3A_36 = arith.constant 0 : index
    %get3A_37 = arith.constant 0 : index
    %get3A_38 = vector.load %arg6[%get3A_36, %get3A_37] : memref<1x16xf32, #tpu.memory_space<vmem>>, vector<1x16xf32>
    %add3A_39 = arith.addf %dot_general3A_35, %get3A_38 : vector<1x16xf32>
    %reduce_max3A_40 = arith.constant dense<0xFF800000> : vector<1xf32>
    %reduce_max3A_41 = vector.multi_reduction <maximumf>, %add3A_39, %reduce_max3A_40 [1] : vector<1x16xf32> to vector<1xf32>
    %broadcast_in_dim3A_42 = vector.shape_cast %reduce_max3A_41 : vector<1xf32> to vector<1x1xf32>
    %sub3A = vector.broadcast %broadcast_in_dim3A_42 : vector<1x1xf32> to vector<1x16xf32>
    %sub3A_43 = arith.subf %add3A_39, %sub3A : vector<1x16xf32>
    %exp3A = math.exp %sub3A_43 : vector<1x16xf32>
    %reduce_sum3A = arith.constant dense<0.000000e+00> : vector<1xf32>
    %reduce_sum3A_44 = vector.multi_reduction <add>, %exp3A, %reduce_sum3A [1] : vector<1x16xf32> to vector<1xf32>
    %broadcast_in_dim3A_45 = vector.shape_cast %reduce_sum3A_44 : vector<1xf32> to vector<1x1xf32>
    %log3A = math.log %broadcast_in_dim3A_45 : vector<1x1xf32>
    %add3A_46 = arith.addf %log3A, %broadcast_in_dim3A_42 : vector<1x1xf32>
    %sub3A_47 = vector.broadcast %add3A_46 : vector<1x1xf32> to vector<1x16xf32>
    %sub3A_48 = arith.subf %add3A_39, %sub3A_47 : vector<1x16xf32>
    %swap3A = arith.constant 0 : index
    %swap3A_49 = arith.constant 0 : index
    %swap3A_50 = vector.load %arg7[%swap3A, %swap3A_49] : memref<1x16xf32, #tpu.memory_space<vmem>>, vector<1x16xf32>
    tpu.vector_store %arg7[%swap3A, %swap3A_49], %sub3A_48 {strides = array<i32>} : memref<1x16xf32, #tpu.memory_space<vmem>>, vector<1x16xf32>,
    return
  }
}

</mosaic_0001>

<sc_bundles>
// kernel: kernel.6.cloned.1.call-start
scs
__scs_entry_jumppad:
0x0: {  	(pc) =	sbr.rel $0x88, $3  }
0x1: {  	(tag) =	ssettag $0x0;
	lr =	simm.s32 $0x1  }
0x2: {  	[smem:$0x3F9B] =	sst lr;
	_ =	strace $0xD0000000  }
0x3: {  	_ = 	snop  }
0x4: {  	_ = 	snop  }
0x5: {  	_ = 	snop  }
0x6: {  	_ = 	snop  }
0x7: {  	_ = 	snop  }
__scs_overlays_trampoline_lowered:
0x8: {  	[smem:$0x3FAA] =	sst s0  }
0x9: {  	[smem:$0x3FAB] =	sst s1  }
0xa: {  	[smem:$0x3FAC] =	sst s2  }
0xb: {  	[smem:$0x3FAD] =	sst s3  }
0xc: {  	[smem:$0x3FAE] =	sst s4  }
0xd: {  	[smem:$0x3FAF] =	sst s5  }
0xe: {  	[smem:$0x3FB0] =	sst s6  }
0xf: {  	[smem:$0x3FB1] =	sst s7  }
0x10: {  	[smem:$0x3FB2] =	sst s8  }
0x11: {  	[smem:$0x3FB3] =	sst s9;
	s0 =	simm.s32 @!p0 $0x0  }
0x12: {  	s1 =	sld [smem:$0x3F99];
	s0 =	simm.s32 @p0 $0x1  }
0x13: {  	[smem:$0x3FB4] =	sst s0;
	s0 =	simm.s32 @!p1 $0x0  }
0x14: {  	s2 =	sld [smem:$0x3F98];
	s0 =	simm.s32 @p1 $0x1  }
0x15: {  	[smem:$0x3FB5] =	sst s0;
	s0 =	simm.s32 @!p2 $0x0  }
0x16: {  	s3 =	sld [smem:$0x3FDB];
	s0 =	simm.s32 @p2 $0x1  }
0x17: {  	s4 =	simm.s32 $0x1BF5;
	[smem:$0x3FB7] =	sst s0  }
0x18: {  	s0 =	sld [smem:$0x3F9A];
	_ =	swait.ge [sflag:s4], $0x0  }
0x19: {  	s7 =	sld [smem:$0x3F9B]  }
0x1a: {  	s8 =	sadd.s32 $0xFFFFE003, lr  }
0x1b: {  	s9 =	sadd.s32 $0xFFFFFEF7, lr;
	s5 =	simm.s32 $0xFFFFFFFF;
	p2 =	slt.u32 s8, $0xFFFFF086  }
0x1c: {  	p1 =	slt.u32 s9, $0xF7A;
	s5 =	simm.s32 @!p2 $0x0  }
0x1d: {  	s5 =	simm.s32 @p1 $0x1;
	p0 =	seq.s32 s7, s2  }
0x1e: {  	s7 =	smul.u32 @!p0 $0xF7A, s2;
	p2 =	seq.s32 @!p0 s5, $0x0  }
0x1f: {  	s9 =	smul.u32 $0xF7A, s1;
	s8 =	simm.s32 @!p0 $0x1BF5;
	p2 =	por !p2, p0  }
0x20: {  	[sflag:s8] =	ssyncset.s32 @!p0 $0xFFFFF086;
	s6 =	sadd.s32 @!p0 s3, s7;
	s7 =	simm.s32 @!p0 $0x108  }
0x21: {  	s3 =	sadd.s32 s3, s9;
	s6 =	sadd.s32 @!p0 $0x88, s6;
	s7 =	simm.s32 @p2 $0x1082  }
0x22: {  	[simem:s7], [sflag:s8] =	dma.local @!p0 [hbm:s6], $0xF7A  }
0x23: {  	s9 =	sor.u32 $0xD0000000, s2;
	s6 =	simm.s32 $0x108;
	_ =	swait.ge @!p0 [sflag:s8], $0x0  }
0x24: {  	s3 =	sadd.s32 $0x88, s3;
	s6 =	simm.s32 @!p1 $0x1082;
	[sflag:s4] =	ssyncset.s32 $0xFFFFF086  }
0x25: {  	[simem:s6], [sflag:s4] =	dma.local [hbm:s3], $0xF7A  }
0x26: {  	[smem:$0x3F9B] =	sst s1;
	(tag) =	ssettag s2;
	_ =	strace s9  }
0x27: {  	s1 =	sld [smem:$0x3FAB]  }
0x28: {  	s2 =	sld [smem:$0x3FAC]  }
0x29: {  	s4 =	sld [smem:$0x3FAE]  }
0x2a: {  	p0 =	seq.s32 s5, $0x0;
	s5 =	sld [smem:$0x3FAF]  }
0x2b: {  	s6 =	sld [smem:$0x3FB0]  }
0x2c: {  	s7 =	sld [smem:$0x3FB1]  }
0x2d: {  	s3 =	simm.s32 $0x108;
	s8 =	sld [smem:$0x3FB2]  }
0x2e: {  	s3 =	simm.s32 @!p0 $0x1082;
	s9 =	sld [smem:$0x3FB3]  }
0x2f: {  	lr =	sadd.s32 s0, s3;
	s0 =	sld [smem:$0x3FAA]  }
0x30: {  	s3 =	sld [smem:$0x3FAD]  }
0x31: {  	[smem:$0x3FB6] =	sst s10  }
0x32: {  	s10 =	sld [smem:$0x3FB4];
	_ =	sdelay $0x3  }
0x33: {  	p0 =	seq.s32 s10, $0x1;
	s10 =	sld [smem:$0x3FB6];
	_ =	sdelay $0x3  }
0x34: {  	[smem:$0x3FB6] =	sst s10  }
0x35: {  	s10 =	sld [smem:$0x3FB5];
	_ =	sdelay $0x3  }
0x36: {  	p1 =	seq.s32 s10, $0x1;
	s10 =	sld [smem:$0x3FB6];
	_ =	sdelay $0x3  }
0x37: {  	[smem:$0x3FB6] =	sst s10  }
0x38: {  	s10 =	sld [smem:$0x3FB7]  }
0x39: {  	_ = 	snop;
	(pc) =	sbr.ind lr, $3  }
0x3a: {  	_ = 	snop  }
0x3b: {  	_ = 	snop  }
0x3c: {  	p2 =	seq.s32 s10, $0x1;
	s10 =	sld [smem:$0x3FB6]  }
0x3d: {  	_ =	shalt  }
0x3e: {  	_ =	shalt  }
0x3f: {  	_ =	shalt  }
0x40: {  	_ =	shalt  }
0x41: {  	_ =	shalt  }
0x42: {  	_ =	shalt  }
0x43: {  	_ =	shalt  }
0x44: {  	_ =	shalt  }
0x45: {  	_ =	shalt  }
0x46: {  	_ =	shalt  }
0x47: {  	_ =	shalt  }
0x48: {  	_ =	shalt  }
0x49: {  	_ =	shalt  }
0x4a: {  	_ =	shalt  }
0x4b: {  	_ =	shalt  }
0x4c: {  	_ =	shalt  }
0x4d: {  	_ =	shalt  }
0x4e: {  	_ =	shalt  }
0x4f: {  	_ =	shalt  }
0x50: {  	_ =	shalt  }
0x51: {  	_ =	shalt  }
0x52: {  	_ =	shalt  }
0x53: {  	_ =	shalt  }
0x54: {  	_ =	shalt  }
0x55: {  	_ =	shalt  }
0x56: {  	_ =	shalt  }
0x57: {  	_ =	shalt  }
0x58: {  	_ =	shalt  }
0x59: {  	_ =	shalt  }
0x5a: {  	_ =	shalt  }
0x5b: {  	_ =	shalt  }
0x5c: {  	_ =	shalt  }
0x5d: {  	_ =	shalt  }
0x5e: {  	_ =	shalt  }
0x5f: {  	_ =	shalt  }
0x60: {  	_ =	shalt  }
0x61: {  	_ =	shalt  }
0x62: {  	_ =	shalt  }
0x63: {  	_ =	shalt  }
0x64: {  	_ =	shalt  }
0x65: {  	_ =	shalt  }
0x66: {  	_ =	shalt  }
0x67: {  	_ =	shalt  }
0x68: {  	_ =	shalt  }
0x69: {  	_ =	shalt  }
0x6a: {  	_ =	shalt  }
0x6b: {  	_ =	shalt  }
0x6c: {  	_ =	shalt  }
0x6d: {  	_ =	shalt  }
0x6e: {  	_ =	shalt  }
0x6f: {  	_ =	shalt  }
0x70: {  	_ =	shalt  }
0x71: {  	_ =	shalt  }
0x72: {  	_ =	shalt  }
0x73: {  	_ =	shalt  }
0x74: {  	_ =	shalt  }
0x75: {  	_ =	shalt  }
0x76: {  	_ =	shalt  }
0x77: {  	_ =	shalt  }
0x78: {  	_ =	shalt  }
0x79: {  	_ =	shalt  }
0x7a: {  	_ =	shalt  }
0x7b: {  	_ =	shalt  }
0x7c: {  	_ =	shalt  }
0x7d: {  	_ =	shalt  }
0x7e: {  	_ =	shalt  }
0x7f: {  	_ =	shalt  }
0x80: {  	_ =	shalt  }
0x81: {  	_ =	shalt  }
0x82: {  	_ =	shalt  }
0x83: {  	_ =	shalt  }
0x84: {  	_ =	shalt  }
0x85: {  	_ =	shalt  }
0x86: {  	_ =	shalt  }
0x87: {  	_ =	shalt  }
.Lfunc_end0:
.L_simem_size_0:
called_computation_lowered:
.L_overlay_start_0:
0x88: {  	s2 =	sld [smem:$0x3FD9]  }
0x89: {  	s3 =	sld [smem:$0x3FFE];
	_ =	sdelay $0x1  }
0x8a: {  	s1 =	srdreg.scid  }
0x8b: {  	s0 =	sand.u32 $0x1, s1  }
0x8c: {  	s16 =	sshll.u32 s0, $0xA;
	s2 =	sadd.s32 s3, s2  }
0x8d: {  	s2 =	sadd.s32 s2, s16  }
0x8e: {  	[smem:$0x3FC2] =	sst s2  }
0x8f: {  	_ = 	snop  }
0x90: {  	(tm) =	ssettm $0x1  }
0x91: {  	s17 =	sld [smem:$0x3FFB];
	_ =	sdelay $0x3  }
0x92: {  	_ =	strace s17  }
0x93: {  	s2 =	sld [smem:$0x3FFC];
	_ =	sdelay $0x3  }
0x94: {  	_ =	strace s2  }
0x95: {  	s2 =	sld [smem:$0x3FFD];
	_ =	sdelay $0x3  }
0x96: {  	_ =	strace s2  }
0x97: {  	_ =	strace $0x8FFFFFFF  }
0x98: {  	s18 =	sld [smem:$0x3FDB];
	_ =	sdelay $0x1  }
0x99: {  	s19 =	simm.s32 $_scs_section_size  }
0x9a: {  	s4 =	simm.s32 $_size__tile_overlayer_lowered;
	s5 =	simm.s32 $_tile_overlayer_lowered  }
0x9b: {  	s22 =	simm.s32 $0x1BFF;
	s21 =	sshll.u32 s5, $0x1;
	s2 =	sadd.s32 s19, s18  }
0x9c: {  	s6 =	simm.s32 $0x0;
	s20 =	sshll.u32 s4, $0x1;
	s4 =	sadd.s32 s21, s2  }
0x9d: {  	[timem:s6], [sflag:s22] =	dma.local [hbm:s4], s20  }
0x9e: {  	_ =	swait.ge [sflag:s22], s20  }
0x9f: {  	s3 =	ssub.s32 $0x0, s20;
	[sflag:s22] =	ssyncset.done $0x0  }
0xa0: {  	[sflag:s22] =	ssyncadd.s32 s3;
	_ =	sdelay $0x1  }
0xa1: {  	s23 =	simm.s32 $0x1B8B  }
0xa2: {  	_ =	swait.ge [sflag:s23], $0x1  }
0xa3: {  	[sflag:s23] =	ssyncset.done $0x0  }
0xa4: {  	s25 =	simm.s32 $0x1B8E;
	s24 =	sld [smem:$0x3FFE];
	[sflag:s23] =	ssyncadd.s32 $0xFFFFFFFF  }
0xa5: {  	s26 =	simm.s32 $execute0_lowered;
	[smem:$0x3FD2] =	sst s25  }
0xa6: {  	s4 =	sshll.u32 s26, $0x1;
	_ =	strace $0x80000046;
	[dreg:$0x1] =	wrdreg $0xFFFFFFFF  }
0xa7: {  	s28 =	simm.s32 $_size_execute0_lowered;
	s2 =	sadd.s32 s2, s4;
	[dreg:$0x0] =	wrdreg $0x0  }
0xa8: {  	s4 =	sshll.u32 s28, $0x1;
	[dreg:$0x2] =	wrdreg s2  }
0xa9: {  	[dreg:$0x3] =	wrdreg s4  }
0xaa: {  	[dreg:$0x4] =	wrdreg $0xC0  }
0xab: {  	_ =	task [dreg:s6], $0x5FFFF  }
0xac: {  	[dreg:$0x1] =	wrdreg $0xFFFFFFFF  }
0xad: {  	[dreg:$0x0] =	wrdreg $0x60  }
0xae: {  	[dreg:$0x2] =	wrdreg s24  }
0xaf: {  	[dreg:$0x3] =	wrdreg $0x0  }
0xb0: {  	[dreg:$0x4] =	wrdreg $0x2800  }
0xb1: {  	[dreg:$0x5] =	wrdreg $0x9  }
0xb2: {  	_ =	task.clear_ibuf [dreg:s6], $0x6FFFF;
	_ =	strace $0x90000046  }
0xb3: {  	s29 =	simm.s32 $0x9;
	_ =	strace $0x80000048  }
0xb4: {  	_ =	swait.ge [sflag:s29], $0x1  }
0xb5: {  	[sflag:s29] =	ssyncadd.s32 $0xFFFFFFFF  }
0xb6: {  	_ =	strace $0x90000048  }
0xb7: {  	_ =	sfence  }
0xb8: {  	s30 =	sld [smem:$0x0];
	_ =	sdelay $0x2  }
0xb9: {  	s31 =	sshll.u32 s1, $0xD;
	s1 =	sshrl.u32 s1, $0x2  }
0xba: {  	s3 =	sand.u32 $0x4000, s31;
	s1 =	sadd.s32 s1, s30  }
0xbb: {  	s0 =	sor.u32 s3, s0;
	s1 =	sshll.u32 s1, $0x11  }
0xbc: {  	s0 =	sor.u32 s1, s0  }
0xbd: {  	s0 =	sadd.s32 $0x8F2B, s0  }
0xbe: {  	[sflag:s0] =	ssyncadd.remote.s32 $0x1  }
0xbf: {  	_ =	sfence.sel $0xFFFF  }
0xc0: {  	[dreg:$0x0] =	wrdreg $0xFFFFFFFF;
	(pc) =	sbr.abs _section_cstart, $3  }
0xc1: {  	[dreg:$0x1] =	wrdreg $0xFFFFFFFF  }
0xc2: {  	_ =	task.clear_ibuf [dreg:s6], $0x2FFFF;
	_ =	strace $0x9FFFFFFF  }
0xc3: {  	(tm) =	ssettm $0x7FFFFFFF  }
tec
execute0_lowered:
.L_overlay_start_1:
0x0: {  	(tag) =	ssettag $0x1  }
0x1: {  	s5 =	rddreg [dreg:$0x0]  }
0x2: {  	s2 =	rddreg [dreg:$0x1]  }
0x3: {  	s3 =	rddreg [dreg:$0x2]  }
0x4: {  	s0 =	rddreg [dreg:$0x3]  }
0x5: {  	s6 =	srdreg.scid;
	s1 =	stileid.u32;
	s4 =	simm.s32 $0x0  }
0x6: {  	s15 =	simm.s32 $0x2;
	s16 =	simm.s32 $0x800;
	s17 =	simm.s32 $0x2F00  }
0x7: {  	s18 =	simm.s32 $0x80;
	s19 =	simm.s32 $0x500;
	s20 =	simm.s32 $0x1  }
0x8: {  	s21 =	simm.s32 $0x0;
	s6 =	sand.u32 $0x1, s6;
	s7 =	smul.u32 $0x280, s1  }
0x9: {  	[smem:$0x7FF] =	sst s4;
	s11 =	sadd.s32 $0x1E00, s5;
	s30 =	sshll.u32 s1, $0x4  }
0xa: {  	s8 =	smul.u32 $0x5000, s6;
	_ =	strace $0x80000047;
	s9 =	sshll.u32 s6, $0x4  }
0xb: {  	s6 =	ssub.s32 $0x2, s6;
	s31 =	sadd.s32 s30, s11;
	s14 =	sor.u32 s1, s9  }
0xc: {  	s28 =	sshrl.u32 s6, $0x1;
	s9 =	sadd.s32 $0x9C00, s31;
	s8 =	sadd.s32 s7, s8  }
0xd: {  	s10 =	smul.u32 $0x2700, s14;
	s13 =	ssub.s32 s6, s28;
	s6 =	sadd.s32 s7, s3  }
0xe: {  	p0 =	sgt.u32 s14, $0x3;
	s14 =	simm.s32 $0x580;
	s8 =	sshrl.u32 s8, $0x3  }
0xf: {  	s13 =	smax.u32 s13, $0x1;
	s12 =	sadd.s32 s8, s5;
	s29 =	sshrl.u32 s10, $0x3  }
0x10: {  	s5 =	sadd.s32 s7, s2;
	s10 =	sadd.s32 $0x13840, s31;
	s7 =	sadd.s32 s11, s29  }
0x11: {  	v0 =	vimm.f32 $1.000000000e+00;
	v1 =	vimm.f32 $0.0e+00;
	s11 =	sadd.s32 $0x15800, s12;
	s12 =	sadd.s32 $0x15D00, s12;
	s8 =	sadd.s32 $0x9C40, s7  }
.LBB2_1:
0x12: {  	[tilespmem:$0x500] =	vst v0  }
0x13: {  	[tilespmem:$0x510] =	vst v0  }
0x14: {  	[tilespmem:$0x520] =	vst v0  }
0x15: {  	[tilespmem:$0x530] =	vst v0  }
0x16: {  	[tilespmem:$0x540] =	vst v0  }
0x17: {  	[tilespmem:$0x550] =	vst v0  }
0x18: {  	[tilespmem:$0x560] =	vst v0  }
0x19: {  	[tilespmem:$0x570] =	vst v0  }
0x1a: {  	[tilespmem:$0x580] =	vst v1  }
0x1b: {  	[tilespmem:$0x590] =	vst v1  }
0x1c: {  	[tilespmem:$0x5A0] =	vst v1  }
0x1d: {  	[tilespmem:$0x5B0] =	vst v1  }
0x1e: {  	[tilespmem:$0x5C0] =	vst v1  }
0x1f: {  	[tilespmem:$0x5D0] =	vst v1  }
0x20: {  	[tilespmem:$0x5E0] =	vst v1  }
0x21: {  	[tilespmem:$0x5F0] =	vst v1  }
0x22: {  	[tilespmem:$0x600] =	vst v1  }
0x23: {  	[tilespmem:$0x610] =	vst v1  }
0x24: {  	[tilespmem:$0x620] =	vst v1  }
0x25: {  	[tilespmem:$0x630] =	vst v1  }
0x26: {  	[tilespmem:$0x640] =	vst v1  }
0x27: {  	[tilespmem:$0x650] =	vst v1  }
0x28: {  	[tilespmem:$0x660] =	vst v1  }
0x29: {  	[tilespmem:$0x670] =	vst v1  }
0x2a: {  	[tilespmem:$0x680] =	vst v1  }
0x2b: {  	[tilespmem:$0x690] =	vst v1  }
0x2c: {  	[tilespmem:$0x6A0] =	vst v1  }
0x2d: {  	[tilespmem:$0x6B0] =	vst v1  }
0x2e: {  	[tilespmem:$0x6C0] =	vst v1  }
0x2f: {  	[tilespmem:$0x6D0] =	vst v1  }
0x30: {  	[tilespmem:$0x6E0] =	vst v1  }
0x31: {  	[tilespmem:$0x6F0] =	vst v1  }
0x32: {  	[tilespmem:$0x700] =	vst v1  }
0x33: {  	[tilespmem:$0x710] =	vst v1  }
0x34: {  	[tilespmem:$0x720] =	vst v1  }
0x35: {  	[tilespmem:$0x730] =	vst v1  }
0x36: {  	[tilespmem:$0x740] =	vst v1  }
0x37: {  	[tilespmem:$0x750] =	vst v1  }
0x38: {  	[tilespmem:$0x760] =	vst v1  }
0x39: {  	[tilespmem:$0x770] =	vst v1  }
0x3a: {  	[tilespmem:$0x780] =	vst v1  }
0x3b: {  	[tilespmem:$0x790] =	vst v1  }
0x3c: {  	[tilespmem:$0x7A0] =	vst v1  }
0x3d: {  	[tilespmem:$0x7B0] =	vst v1  }
0x3e: {  	[tilespmem:$0x7C0] =	vst v1  }
0x3f: {  	[tilespmem:$0x7D0] =	vst v1  }
0x40: {  	[tilespmem:$0x7E0] =	vst v1  }
0x41: {  	[tilespmem:$0x7F0] =	vst v1  }
0x42: {  	[spmem:s5] =	stream.linear.scatter [tilespmem:s14], [sflag:$0x2], $0x280, $0x38;
	[tilespmem:$0x5700] =	vst v63  }
0x43: {  	_ =	swait.ge [sflag:s15], $0x280  }
0x44: {  	[sflag:s15] =	ssyncset.done $0x0  }
0x45: {  	[sflag:s15] =	ssyncadd.s32 $0xFFFFFD80  }
0x46: {  	[spmem:s6] =	stream.linear.scatter [tilespmem:s14], [sflag:$0x2], $0x280, $0x38;
	[tilespmem:$0x5700] =	vst v63  }
0x47: {  	_ =	swait.ge [sflag:s15], $0x280  }
0x48: {  	[sflag:s15] =	ssyncset.done $0x0  }
0x49: {  	[sflag:s15] =	ssyncadd.s32 $0xFFFFFD80  }
0x4a: {  	[tilespmem:s16], [sflag:$0x2] =	stream.linear.gather [hbm4b:s7+s4], $0x2700, $0x38;
	[tilespmem:$0x5700] =	vst v63  }
0x4b: {  	_ =	swait.ge [sflag:s15], $0x2700  }
0x4c: {  	[sflag:s15] =	ssyncset.done $0x0  }
0x4d: {  	[sflag:s15] =	ssyncadd.s32 $0xFFFFD900  }
0x4e: {  	[tilespmem:s17], [sflag:$0x2] =	stream.linear.gather [hbm4b:s8+s4], $0x2700, $0x38;
	[tilespmem:$0x5700] =	vst v63  }
0x4f: {  	_ =	swait.ge [sflag:s15], $0x2700  }
0x50: {  	[sflag:s15] =	ssyncset.done $0x0  }
0x51: {  	s22 =	simm.s32 @!p0 $0x0;
	s23 =	simm.s32 @!p0 $0x5600;
	[sflag:s15] =	ssyncadd.s32 $0xFFFFD900  }
0x52: {  	[tilespmem:s23], [sflag:$0x2] =	stream.linear.gather @!p0 [hbm4b:s9+s22], $0x80, $0x38;
	[tilespmem:$0x5700] =	vst v63  }
0x53: {  	s23 =	simm.s32 @!p0 $0x2  }
0x54: {  	_ =	swait.ge @!p0 [sflag:s23], $0x80  }
0x55: {  	[sflag:s23] =	ssyncset.done @!p0 $0x0  }
0x56: {  	s24 =	simm.s32 @!p0 $0x5680;
	[sflag:s23] =	ssyncadd.s32 @!p0 $0xFFFFFF80  }
0x57: {  	[tilespmem:s24], [sflag:$0x2] =	stream.linear.gather @!p0 [hbm4b:s10+s22], $0x80, $0x38;
	[tilespmem:$0x5700] =	vst v63  }
0x58: {  	_ =	swait.ge @!p0 [sflag:s23], $0x80  }
0x59: {  	[sflag:s23] =	ssyncset.done @!p0 $0x0  }
0x5a: {  	[sflag:s23] =	ssyncadd.s32 @!p0 $0xFFFFFF80  }
0x5b: {  	s28 =	simm.s32 $0x800;
	[bflag:$0x0] =	sbarrier.arrive $0xFFFF  }
0x5c: {  	[spmem:s2] =	stream.indirect.scatter.add.f32 [tilespmem:s19], [sflag:$0x1], $0x1, s28, s18, $0xb8;
	[tilespmem:$0x5700] =	vst v63  }
0x5d: {  	s29 =	simm.s32 $0x2F00  }
0x5e: {  	[spmem:s3] =	stream.indirect.scatter.add.f32 [tilespmem:s19], [sflag:$0x1], $0x1, s29, s18, $0xb8;
	[tilespmem:$0x5700] =	vst v63  }
0x5f: {  	s30 =	simm.s32 $0x880  }
0x60: {  	[spmem:s2] =	stream.indirect.scatter.add.f32 [tilespmem:s19], [sflag:$0x1], $0x1, s30, s18, $0xb8;
	[tilespmem:$0x5700] =	vst v63  }
0x61: {  	s31 =	simm.s32 $0x2F80  }
0x62: {  	[spmem:s3] =	stream.indirect.scatter.add.f32 [tilespmem:s19], [sflag:$0x1], $0x1, s31, s18, $0xb8;
	[tilespmem:$0x5700] =	vst v63  }
0x63: {  	s23 =	simm.s32 $0x900  }
0x64: {  	[spmem:s2] =	stream.indirect.scatter.add.f32 [tilespmem:s19], [sflag:$0x1], $0x1, s23, s18, $0xb8;
	[tilespmem:$0x5700] =	vst v63  }
0x65: {  	s24 =	simm.s32 $0x3000  }
0x66: {  	[spmem:s3] =	stream.indirect.scatter.add.f32 [tilespmem:s19], [sflag:$0x1], $0x1, s24, s18, $0xb8;
	[tilespmem:$0x5700] =	vst v63  }
0x67: {  	s25 =	simm.s32 $0x980  }
0x68: {  	[spmem:s2] =	stream.indirect.scatter.add.f32 [tilespmem:s19], [sflag:$0x1], $0x1, s25, s18, $0xb8;
	[tilespmem:$0x5700] =	vst v63  }
0x69: {  	s26 =	simm.s32 $0x3080  }
0x6a: {  	[spmem:s3] =	stream.indirect.scatter.add.f32 [tilespmem:s19], [sflag:$0x1], $0x1, s26, s18, $0xb8;
	[tilespmem:$0x5700] =	vst v63  }
0x6b: {  	s28 =	simm.s32 $0xA00  }
0x6c: {  	[spmem:s2] =	stream.indirect.scatter.add.f32 [tilespmem:s19], [sflag:$0x1], $0x1, s28, s18, $0xb8;
	[tilespmem:$0x5700] =	vst v63  }
0x6d: {  	s29 =	simm.s32 $0x3100  }
0x6e: {  	[spmem:s3] =	stream.indirect.scatter.add.f32 [tilespmem:s19], [sflag:$0x1], $0x1, s29, s18, $0xb8;
	[tilespmem:$0x5700] =	vst v63  }
0x6f: {  	s30 =	simm.s32 $0xA80  }
0x70: {  	[spmem:s2] =	stream.indirect.scatter.add.f32 [tilespmem:s19], [sflag:$0x1], $0x1, s30, s18, $0xb8;
	[tilespmem:$0x5700] =	vst v63  }
0x71: {  	s31 =	simm.s32 $0x3180  }
0x72: {  	[spmem:s3] =	stream.indirect.scatter.add.f32 [tilespmem:s19], [sflag:$0x1], $0x1, s31, s18, $0xb8;
	[tilespmem:$0x5700] =	vst v63  }
0x73: {  	_ =	swait.ge [sflag:s20], $0x80  }
0x74: {  	[sflag:s20] =	ssyncset.done $0x0  }
0x75: {  	[sflag:s20] =	ssyncadd.s32 $0xFFFFFF80  }
0x76: {  	_ =	swait.ge [sflag:s20], $0x80  }
0x77: {  	[sflag:s20] =	ssyncset.done $0x0  }
0x78: {  	[sflag:s20] =	ssyncadd.s32 $0xFFFFFF80  }
0x79: {  	_ =	swait.ge [sflag:s20], $0x80  }
0x7a: {  	[sflag:s20] =	ssyncset.done $0x0  }
0x7b: {  	[sflag:s20] =	ssyncadd.s32 $0xFFFFFF80  }
0x7c: {  	_ =	swait.ge [sflag:s20], $0x80  }
0x7d: {  	[sflag:s20] =	ssyncset.done $0x0  }
0x7e: {  	[sflag:s20] =	ssyncadd.s32 $0xFFFFFF80  }
0x7f: {  	_ =	swait.ge [sflag:s20], $0x80  }
0x80: {  	[sflag:s20] =	ssyncset.done $0x0  }
0x81: {  	[sflag:s20] =	ssyncadd.s32 $0xFFFFFF80  }
0x82: {  	_ =	swait.ge [sflag:s20], $0x80  }
0x83: {  	[sflag:s20] =	ssyncset.done $0x0  }
0x84: {  	[sflag:s20] =	ssyncadd.s32 $0xFFFFFF80  }
0x85: {  	_ =	swait.ge [sflag:s20], $0x80  }
0x86: {  	[sflag:s20] =	ssyncset.done $0x0  }
0x87: {  	[sflag:s20] =	ssyncadd.s32 $0xFFFFFF80  }
0x88: {  	_ =	swait.ge [sflag:s20], $0x80  }
0x89: {  	[sflag:s20] =	ssyncset.done $0x0  }
0x8a: {  	[sflag:s20] =	ssyncadd.s32 $0xFFFFFF80  }
0x8b: {  	_ =	swait.ge [sflag:s20], $0x80  }
0x8c: {  	[sflag:s20] =	ssyncset.done $0x0  }
0x8d: {  	[sflag:s20] =	ssyncadd.s32 $0xFFFFFF80  }
0x8e: {  	_ =	swait.ge [sflag:s20], $0x80  }
0x8f: {  	[sflag:s20] =	ssyncset.done $0x0  }
0x90: {  	[sflag:s20] =	ssyncadd.s32 $0xFFFFFF80  }
0x91: {  	_ =	swait.ge [sflag:s20], $0x80  }
0x92: {  	[sflag:s20] =	ssyncset.done $0x0  }
0x93: {  	[sflag:s20] =	ssyncadd.s32 $0xFFFFFF80  }
0x94: {  	_ =	swait.ge [sflag:s20], $0x80  }
0x95: {  	s24 =	simm.s32 $0x300;
	s25 =	simm.s32 $0x1800;
	[sflag:s20] =	ssyncset.done $0x0  }
.LBB2_2:
0x96: {  	s26 =	sadd.s32 $0x800, s24  }
0x97: {  	[sflag:s20] =	ssyncadd.s32 $0xFFFFFF80;
	s23 =	smov.u32 s25;
	s22 =	sadd.s32 $0xC00, s25  }
0x98: {  	[spmem:s2] =	stream.indirect.scatter.add.f32 [tilespmem:s19], [sflag:$0x1], $0x1, s26, s18, $0xb8;
	[tilespmem:$0x5700] =	vst v63  }
0x99: {  	p1 =	sne.s32 s25, $0x9000;
	s25 =	sadd.s32 $0x2F00, s24  }
0x9a: {  	[spmem:s3] =	stream.indirect.scatter.add.f32 [tilespmem:s19], [sflag:$0x1], $0x1, s25, s18, $0xb8;
	[tilespmem:$0x5700] =	vst v63  }
0x9b: {  	s25 =	sadd.s32 $0x880, s24  }
0x9c: {  	[spmem:s2] =	stream.indirect.scatter.add.f32 [tilespmem:s19], [sflag:$0x1], $0x1, s25, s18, $0xb8;
	[tilespmem:$0x5700] =	vst v63  }
0x9d: {  	s25 =	sadd.s32 $0x2F80, s24  }
0x9e: {  	[spmem:s3] =	stream.indirect.scatter.add.f32 [tilespmem:s19], [sflag:$0x1], $0x1, s25, s18, $0xb8;
	[tilespmem:$0x5700] =	vst v63  }
0x9f: {  	s25 =	sadd.s32 $0x900, s24  }
0xa0: {  	[spmem:s2] =	stream.indirect.scatter.add.f32 [tilespmem:s19], [sflag:$0x1], $0x1, s25, s18, $0xb8;
	[tilespmem:$0x5700] =	vst v63  }
0xa1: {  	s25 =	sadd.s32 $0x3000, s24  }
0xa2: {  	[spmem:s3] =	stream.indirect.scatter.add.f32 [tilespmem:s19], [sflag:$0x1], $0x1, s25, s18, $0xb8;
	[tilespmem:$0x5700] =	vst v63  }
0xa3: {  	s25 =	sadd.s32 $0x980, s24  }
0xa4: {  	[spmem:s2] =	stream.indirect.scatter.add.f32 [tilespmem:s19], [sflag:$0x1], $0x1, s25, s18, $0xb8;
	[tilespmem:$0x5700] =	vst v63  }
0xa5: {  	s25 =	sadd.s32 $0x3080, s24  }
0xa6: {  	[spmem:s3] =	stream.indirect.scatter.add.f32 [tilespmem:s19], [sflag:$0x1], $0x1, s25, s18, $0xb8;
	[tilespmem:$0x5700] =	vst v63  }
0xa7: {  	s25 =	sadd.s32 $0xA00, s24  }
0xa8: {  	[spmem:s2] =	stream.indirect.scatter.add.f32 [tilespmem:s19], [sflag:$0x1], $0x1, s25, s18, $0xb8;
	[tilespmem:$0x5700] =	vst v63  }
0xa9: {  	s25 =	sadd.s32 $0x3100, s24  }
0xaa: {  	[spmem:s3] =	stream.indirect.scatter.add.f32 [tilespmem:s19], [sflag:$0x1], $0x1, s25, s18, $0xb8;
	[tilespmem:$0x5700] =	vst v63  }
0xab: {  	s25 =	sadd.s32 $0xA80, s24  }
0xac: {  	[spmem:s2] =	stream.indirect.scatter.add.f32 [tilespmem:s19], [sflag:$0x1], $0x1, s25, s18, $0xb8;
	[tilespmem:$0x5700] =	vst v63  }
0xad: {  	s24 =	sadd.s32 $0x3180, s24  }
0xae: {  	[spmem:s3] =	stream.indirect.scatter.add.f32 [tilespmem:s19], [sflag:$0x1], $0x1, s24, s18, $0xb8;
	[tilespmem:$0x5700] =	vst v63  }
0xaf: {  	_ =	swait.ge [sflag:s20], $0x80  }
0xb0: {  	[sflag:s20] =	ssyncset.done $0x0  }
0xb1: {  	[sflag:s20] =	ssyncadd.s32 $0xFFFFFF80  }
0xb2: {  	_ =	swait.ge [sflag:s20], $0x80  }
0xb3: {  	[sflag:s20] =	ssyncset.done $0x0  }
0xb4: {  	[sflag:s20] =	ssyncadd.s32 $0xFFFFFF80  }
0xb5: {  	_ =	swait.ge [sflag:s20], $0x80  }
0xb6: {  	[sflag:s20] =	ssyncset.done $0x0  }
0xb7: {  	[sflag:s20] =	ssyncadd.s32 $0xFFFFFF80  }
0xb8: {  	_ =	swait.ge [sflag:s20], $0x80  }
0xb9: {  	[sflag:s20] =	ssyncset.done $0x0  }
0xba: {  	[sflag:s20] =	ssyncadd.s32 $0xFFFFFF80  }
0xbb: {  	_ =	swait.ge [sflag:s20], $0x80  }
0xbc: {  	[sflag:s20] =	ssyncset.done $0x0  }
0xbd: {  	[sflag:s20] =	ssyncadd.s32 $0xFFFFFF80  }
0xbe: {  	_ =	swait.ge [sflag:s20], $0x80  }
0xbf: {  	[sflag:s20] =	ssyncset.done $0x0  }
0xc0: {  	[sflag:s20] =	ssyncadd.s32 $0xFFFFFF80  }
0xc1: {  	_ =	swait.ge [sflag:s20], $0x80  }
0xc2: {  	[sflag:s20] =	ssyncset.done $0x0  }
0xc3: {  	[sflag:s20] =	ssyncadd.s32 $0xFFFFFF80  }
0xc4: {  	_ =	swait.ge [sflag:s20], $0x80  }
0xc5: {  	[sflag:s20] =	ssyncset.done $0x0  }
0xc6: {  	[sflag:s20] =	ssyncadd.s32 $0xFFFFFF80  }
0xc7: {  	_ =	swait.ge [sflag:s20], $0x80  }
0xc8: {  	[sflag:s20] =	ssyncset.done $0x0  }
0xc9: {  	[sflag:s20] =	ssyncadd.s32 $0xFFFFFF80  }
0xca: {  	_ =	swait.ge [sflag:s20], $0x80  }
0xcb: {  	[sflag:s20] =	ssyncset.done $0x0  }
0xcc: {  	[sflag:s20] =	ssyncadd.s32 $0xFFFFFF80  }
.Ltmp0:
0xcd: {  	_ =	swait.ge [sflag:s20], $0x80;
	(pc) =	sbr.rel @p1 .LBB2_2-.Ltmp0, $4  }
0xce: {  	[sflag:s20] =	ssyncset.done $0x0  }
0xcf: {  	[sflag:s20] =	ssyncadd.s32 $0xFFFFFF80  }
0xd0: {  	_ =	swait.ge [sflag:s20], $0x80  }
0xd1: {  	s25 =	smov.u32 s22;
	s24 =	sshra.s32 s23, $0x2;
	[sflag:s20] =	ssyncset.done $0x0  }
0xd2: {  	s22 =	sadd.s32 $0x800, s24;
	[sflag:s20] =	ssyncadd.s32 $0xFFFFFF80  }
0xd3: {  	[spmem:s2] =	stream.indirect.scatter.add.f32 [tilespmem:s19], [sflag:$0x1], $0x1, s22, s18, $0xb8;
	[tilespmem:$0x5700] =	vst v63  }
0xd4: {  	s23 =	sadd.s32 $0x2F00, s24  }
0xd5: {  	[spmem:s3] =	stream.indirect.scatter.add.f32 [tilespmem:s19], [sflag:$0x1], $0x1, s23, s18, $0xb8;
	[tilespmem:$0x5700] =	vst v63  }
0xd6: {  	s25 =	sadd.s32 $0x880, s24  }
0xd7: {  	[spmem:s2] =	stream.indirect.scatter.add.f32 [tilespmem:s19], [sflag:$0x1], $0x1, s25, s18, $0xb8;
	[tilespmem:$0x5700] =	vst v63  }
0xd8: {  	s26 =	sadd.s32 $0x2F80, s24  }
0xd9: {  	[spmem:s3] =	stream.indirect.scatter.add.f32 [tilespmem:s19], [sflag:$0x1], $0x1, s26, s18, $0xb8;
	[tilespmem:$0x5700] =	vst v63  }
0xda: {  	s28 =	sadd.s32 $0x900, s24  }
0xdb: {  	[spmem:s2] =	stream.indirect.scatter.add.f32 [tilespmem:s19], [sflag:$0x1], $0x1, s28, s18, $0xb8;
	[tilespmem:$0x5700] =	vst v63  }
0xdc: {  	s29 =	sadd.s32 $0x3000, s24  }
0xdd: {  	[spmem:s3] =	stream.indirect.scatter.add.f32 [tilespmem:s19], [sflag:$0x1], $0x1, s29, s18, $0xb8;
	[tilespmem:$0x5700] =	vst v63  }
0xde: {  	s30 =	sadd.s32 $0x980, s24  }
0xdf: {  	[spmem:s2] =	stream.indirect.scatter.add.f32 [tilespmem:s19], [sflag:$0x1], $0x1, s30, s18, $0xb8;
	[tilespmem:$0x5700] =	vst v63  }
0xe0: {  	s31 =	sadd.s32 $0x3080, s24  }
0xe1: {  	[spmem:s3] =	stream.indirect.scatter.add.f32 [tilespmem:s19], [sflag:$0x1], $0x1, s31, s18, $0xb8;
	[tilespmem:$0x5700] =	vst v63  }
0xe2: {  	s23 =	sadd.s32 $0xA00, s24  }
0xe3: {  	[spmem:s2] =	stream.indirect.scatter.add.f32 [tilespmem:s19], [sflag:$0x1], $0x1, s23, s18, $0xb8;
	[tilespmem:$0x5700] =	vst v63  }
0xe4: {  	s25 =	sadd.s32 $0x3100, s24  }
0xe5: {  	[spmem:s3] =	stream.indirect.scatter.add.f32 [tilespmem:s19], [sflag:$0x1], $0x1, s25, s18, $0xb8;
	[tilespmem:$0x5700] =	vst v63  }
0xe6: {  	s26 =	sadd.s32 $0xA80, s24  }
0xe7: {  	[spmem:s2] =	stream.indirect.scatter.add.f32 [tilespmem:s19], [sflag:$0x1], $0x1, s26, s18, $0xb8;
	[tilespmem:$0x5700] =	vst v63  }
0xe8: {  	s28 =	sadd.s32 $0x3180, s24  }
0xe9: {  	[spmem:s3] =	stream.indirect.scatter.add.f32 [tilespmem:s19], [sflag:$0x1], $0x1, s28, s18, $0xb8;
	[tilespmem:$0x5700] =	vst v63  }
0xea: {  	_ =	swait.ge [sflag:s20], $0x80  }
0xeb: {  	[sflag:s20] =	ssyncset.done $0x0  }
0xec: {  	[sflag:s20] =	ssyncadd.s32 $0xFFFFFF80  }
0xed: {  	_ =	swait.ge [sflag:s20], $0x80  }
0xee: {  	[sflag:s20] =	ssyncset.done $0x0  }
0xef: {  	[sflag:s20] =	ssyncadd.s32 $0xFFFFFF80  }
0xf0: {  	_ =	swait.ge [sflag:s20], $0x80  }
0xf1: {  	[sflag:s20] =	ssyncset.done $0x0  }
0xf2: {  	[sflag:s20] =	ssyncadd.s32 $0xFFFFFF80  }
0xf3: {  	_ =	swait.ge [sflag:s20], $0x80  }
0xf4: {  	[sflag:s20] =	ssyncset.done $0x0  }
0xf5: {  	[sflag:s20] =	ssyncadd.s32 $0xFFFFFF80  }
0xf6: {  	_ =	swait.ge [sflag:s20], $0x80  }
0xf7: {  	[sflag:s20] =	ssyncset.done $0x0  }
0xf8: {  	[sflag:s20] =	ssyncadd.s32 $0xFFFFFF80  }
0xf9: {  	_ =	swait.ge [sflag:s20], $0x80  }
0xfa: {  	[sflag:s20] =	ssyncset.done $0x0  }
0xfb: {  	[sflag:s20] =	ssyncadd.s32 $0xFFFFFF80  }
0xfc: {  	_ =	swait.ge [sflag:s20], $0x80  }
0xfd: {  	[sflag:s20] =	ssyncset.done $0x0  }
0xfe: {  	[sflag:s20] =	ssyncadd.s32 $0xFFFFFF80  }
0xff: {  	_ =	swait.ge [sflag:s20], $0x80  }
0x100: {  	[sflag:s20] =	ssyncset.done $0x0  }
0x101: {  	[sflag:s20] =	ssyncadd.s32 $0xFFFFFF80  }
0x102: {  	_ =	swait.ge [sflag:s20], $0x80  }
0x103: {  	[sflag:s20] =	ssyncset.done $0x0  }
0x104: {  	[sflag:s20] =	ssyncadd.s32 $0xFFFFFF80  }
0x105: {  	_ =	swait.ge [sflag:s20], $0x80  }
0x106: {  	[sflag:s20] =	ssyncset.done $0x0  }
0x107: {  	[sflag:s20] =	ssyncadd.s32 $0xFFFFFF80  }
0x108: {  	_ =	swait.ge [sflag:s20], $0x80  }
0x109: {  	[sflag:s20] =	ssyncset.done $0x0  }
0x10a: {  	[sflag:s20] =	ssyncadd.s32 $0xFFFFFF80  }
0x10b: {  	_ =	swait.ge [sflag:s20], $0x80  }
0x10c: {  	s22 =	simm.s32 @!p0 $0x80;
	[sflag:s20] =	ssyncset.done $0x0  }
0x10d: {  	s24 =	simm.s32 @!p0 $0x500;
	s23 =	simm.s32 @!p0 $0x5600;
	[sflag:s20] =	ssyncadd.s32 $0xFFFFFF80  }
0x10e: {  	[spmem:s2] =	stream.indirect.scatter.add.f32 @!p0 [tilespmem:s24], [sflag:$0x1], $0x1, s23, s22, $0xb8;
	[tilespmem:$0x5700] =	vst v63  }
0x10f: {  	s23 =	simm.s32 @!p0 $0x5680  }
0x110: {  	[spmem:s3] =	stream.indirect.scatter.add.f32 @!p0 [tilespmem:s24], [sflag:$0x1], $0x1, s23, s22, $0xb8;
	[tilespmem:$0x5700] =	vst v63  }
0x111: {  	s22 =	simm.s32 @!p0 $0x1  }
0x112: {  	_ =	swait.ge @!p0 [sflag:s22], $0x80  }
0x113: {  	[sflag:s22] =	ssyncset.done @!p0 $0x0  }
0x114: {  	[sflag:s22] =	ssyncadd.s32 @!p0 $0xFFFFFF80  }
0x115: {  	_ =	swait.ge @!p0 [sflag:s22], $0x80  }
0x116: {  	[sflag:s22] =	ssyncset.done @!p0 $0x0  }
0x117: {  	s29 =	sshll.u32 s1, $0x6;
	[sflag:s22] =	ssyncadd.s32 @!p0 $0xFFFFFF80  }
0x118: {  	s30 =	sshrl.u32 s5, $0x3;
	s22 =	sor.u32 $0x1C02, s29;
	[bflag:$0x0] =	sbarrier.arrive $0xFFFF  }
0x119: {  	[hbm:s11], [sflag:s22] =	dma.local [spmem:s30], $0x50  }
0x11a: {  	s21 =	sadd.s32 $0x1, s21;
	_ =	swait.ge [sflag:s15], $0x50  }
0x11b: {  	p1 =	sne.s32 s21, s13;
	[sflag:s15] =	ssyncset.done $0x0  }
.Ltmp1:
0x11c: {  	s31 =	sshrl.u32 s6, $0x3;
	[sflag:s15] =	ssyncadd.s32 $0xFFFFFFB0;
	(pc) =	sbr.rel @p1 .LBB2_1-.Ltmp1, $4  }
0x11d: {  	[hbm:s12], [sflag:s22] =	dma.local [spmem:s31], $0x50  }
0x11e: {  	_ =	swait.ge [sflag:s15], $0x50  }
0x11f: {  	[sflag:s15] =	ssyncset.done $0x0  }
0x120: {  	[sflag:s15] =	ssyncadd.s32 $0xFFFFFFB0  }
0x121: {  	_ =	sfence.sel $0x180000  }
0x122: {  	[bflag:$0x0] =	sbarrier.arrive $0xFFFF  }
0x123: {  	p0 =	sne.s32 s1, $0x0;
	_ =	strace $0x90000047  }
0x124: {  	s0 =	sadd.s32 @!p0 $0x100000, s0;
	[bflag:$0x2] =	sbarrier.arrive $0xFFFF  }
0x125: {  	[sflag:s0] =	ssyncadd.tile.s32 @!p0 $0x1;
	_ =	shalt  }
.Lfunc_end2:
_tile_overlayer_lowered:
.L_overlay_start_2:
0x126: {  	(tag) =	ssettag $0x2  }
0x127: {  	s0 =	rddreg [dreg:$0x0];
	s2 =	stileid.u32  }
0x128: {  	s1 =	rddreg [dreg:$0x1];
	p0 =	sne.s32 s2, $0x0  }
0x129: {  	s3 =	rddreg [dreg:$0x2];
	[bflag:$0x3] =	sbarrier.arrive $0xFFFF;
	s2 =	simm.s32 @!p0 $0x1C02  }
0x12a: {  	[timem:s3], [sflag:s2] =	dma.local @!p0 [hbm:s0], s1  }
0x12b: {  	s0 =	simm.s32 @!p0 $0x2  }
0x12c: {  	_ =	swait.ge @!p0 [sflag:s0], s1  }
0x12d: {  	s1 =	ssub.s32 @!p0 $0x0, s1;
	[sflag:s0] =	ssyncset.done @!p0 $0x0  }
0x12e: {  	[sflag:s0] =	ssyncadd.s32 @!p0 s1  }
0x12f: {  	[bflag:$0x3] =	sbarrier.arrive $0xFFFF  }
0x130: {  	_ =	shalt  }

// kernel: kernel.9.cloned.1.call-start
scs
__scs_entry_jumppad:
0x0: {  	(pc) =	sbr.rel $0x88, $3  }
0x1: {  	(tag) =	ssettag $0x0;
	lr =	simm.s32 $0x1  }
0x2: {  	[smem:$0x3F9B] =	sst lr;
	_ =	strace $0xD0000000  }
0x3: {  	_ = 	snop  }
0x4: {  	_ = 	snop  }
0x5: {  	_ = 	snop  }
0x6: {  	_ = 	snop  }
0x7: {  	_ = 	snop  }
__scs_overlays_trampoline_lowered:
0x8: {  	[smem:$0x3FAA] =	sst s0  }
0x9: {  	[smem:$0x3FAB] =	sst s1  }
0xa: {  	[smem:$0x3FAC] =	sst s2  }
0xb: {  	[smem:$0x3FAD] =	sst s3  }
0xc: {  	[smem:$0x3FAE] =	sst s4  }
0xd: {  	[smem:$0x3FAF] =	sst s5  }
0xe: {  	[smem:$0x3FB0] =	sst s6  }
0xf: {  	[smem:$0x3FB1] =	sst s7  }
0x10: {  	[smem:$0x3FB2] =	sst s8  }
0x11: {  	[smem:$0x3FB3] =	sst s9;
	s0 =	simm.s32 @!p0 $0x0  }
0x12: {  	s1 =	sld [smem:$0x3F99];
	s0 =	simm.s32 @p0 $0x1  }
0x13: {  	[smem:$0x3FB4] =	sst s0;
	s0 =	simm.s32 @!p1 $0x0  }
0x14: {  	s2 =	sld [smem:$0x3F98];
	s0 =	simm.s32 @p1 $0x1  }
0x15: {  	[smem:$0x3FB5] =	sst s0;
	s0 =	simm.s32 @!p2 $0x0  }
0x16: {  	s3 =	sld [smem:$0x3FDB];
	s0 =	simm.s32 @p2 $0x1  }
0x17: {  	s4 =	simm.s32 $0x1BF5;
	[smem:$0x3FB7] =	sst s0  }
0x18: {  	s0 =	sld [smem:$0x3F9A];
	_ =	swait.ge [sflag:s4], $0x0  }
0x19: {  	s7 =	sld [smem:$0x3F9B]  }
0x1a: {  	s8 =	sadd.s32 $0xFFFFE003, lr  }
0x1b: {  	s9 =	sadd.s32 $0xFFFFFEF7, lr;
	s5 =	simm.s32 $0xFFFFFFFF;
	p2 =	slt.u32 s8, $0xFFFFF086  }
0x1c: {  	p1 =	slt.u32 s9, $0xF7A;
	s5 =	simm.s32 @!p2 $0x0  }
0x1d: {  	s5 =	simm.s32 @p1 $0x1;
	p0 =	seq.s32 s7, s2  }
0x1e: {  	s7 =	smul.u32 @!p0 $0xF7A, s2;
	p2 =	seq.s32 @!p0 s5, $0x0  }
0x1f: {  	s9 =	smul.u32 $0xF7A, s1;
	s8 =	simm.s32 @!p0 $0x1BF5;
	p2 =	por !p2, p0  }
0x20: {  	[sflag:s8] =	ssyncset.s32 @!p0 $0xFFFFF086;
	s6 =	sadd.s32 @!p0 s3, s7;
	s7 =	simm.s32 @!p0 $0x108  }
0x21: {  	s3 =	sadd.s32 s3, s9;
	s6 =	sadd.s32 @!p0 $0x88, s6;
	s7 =	simm.s32 @p2 $0x1082  }
0x22: {  	[simem:s7], [sflag:s8] =	dma.local @!p0 [hbm:s6], $0xF7A  }
0x23: {  	s9 =	sor.u32 $0xD0000000, s2;
	s6 =	simm.s32 $0x108;
	_ =	swait.ge @!p0 [sflag:s8], $0x0  }
0x24: {  	s3 =	sadd.s32 $0x88, s3;
	s6 =	simm.s32 @!p1 $0x1082;
	[sflag:s4] =	ssyncset.s32 $0xFFFFF086  }
0x25: {  	[simem:s6], [sflag:s4] =	dma.local [hbm:s3], $0xF7A  }
0x26: {  	[smem:$0x3F9B] =	sst s1;
	(tag) =	ssettag s2;
	_ =	strace s9  }
0x27: {  	s1 =	sld [smem:$0x3FAB]  }
0x28: {  	s2 =	sld [smem:$0x3FAC]  }
0x29: {  	s4 =	sld [smem:$0x3FAE]  }
0x2a: {  	p0 =	seq.s32 s5, $0x0;
	s5 =	sld [smem:$0x3FAF]  }
0x2b: {  	s6 =	sld [smem:$0x3FB0]  }
0x2c: {  	s7 =	sld [smem:$0x3FB1]  }
0x2d: {  	s3 =	simm.s32 $0x108;
	s8 =	sld [smem:$0x3FB2]  }
0x2e: {  	s3 =	simm.s32 @!p0 $0x1082;
	s9 =	sld [smem:$0x3FB3]  }
0x2f: {  	lr =	sadd.s32 s0, s3;
	s0 =	sld [smem:$0x3FAA]  }
0x30: {  	s3 =	sld [smem:$0x3FAD]  }
0x31: {  	[smem:$0x3FB6] =	sst s10  }
0x32: {  	s10 =	sld [smem:$0x3FB4];
	_ =	sdelay $0x3  }
0x33: {  	p0 =	seq.s32 s10, $0x1;
	s10 =	sld [smem:$0x3FB6];
	_ =	sdelay $0x3  }
0x34: {  	[smem:$0x3FB6] =	sst s10  }
0x35: {  	s10 =	sld [smem:$0x3FB5];
	_ =	sdelay $0x3  }
0x36: {  	p1 =	seq.s32 s10, $0x1;
	s10 =	sld [smem:$0x3FB6];
	_ =	sdelay $0x3  }
0x37: {  	[smem:$0x3FB6] =	sst s10  }
0x38: {  	s10 =	sld [smem:$0x3FB7]  }
0x39: {  	_ = 	snop;
	(pc) =	sbr.ind lr, $3  }
0x3a: {  	_ = 	snop  }
0x3b: {  	_ = 	snop  }
0x3c: {  	p2 =	seq.s32 s10, $0x1;
	s10 =	sld [smem:$0x3FB6]  }
0x3d: {  	_ =	shalt  }
0x3e: {  	_ =	shalt  }
0x3f: {  	_ =	shalt  }
0x40: {  	_ =	shalt  }
0x41: {  	_ =	shalt  }
0x42: {  	_ =	shalt  }
0x43: {  	_ =	shalt  }
0x44: {  	_ =	shalt  }
0x45: {  	_ =	shalt  }
0x46: {  	_ =	shalt  }
0x47: {  	_ =	shalt  }
0x48: {  	_ =	shalt  }
0x49: {  	_ =	shalt  }
0x4a: {  	_ =	shalt  }
0x4b: {  	_ =	shalt  }
0x4c: {  	_ =	shalt  }
0x4d: {  	_ =	shalt  }
0x4e: {  	_ =	shalt  }
0x4f: {  	_ =	shalt  }
0x50: {  	_ =	shalt  }
0x51: {  	_ =	shalt  }
0x52: {  	_ =	shalt  }
0x53: {  	_ =	shalt  }
0x54: {  	_ =	shalt  }
0x55: {  	_ =	shalt  }
0x56: {  	_ =	shalt  }
0x57: {  	_ =	shalt  }
0x58: {  	_ =	shalt  }
0x59: {  	_ =	shalt  }
0x5a: {  	_ =	shalt  }
0x5b: {  	_ =	shalt  }
0x5c: {  	_ =	shalt  }
0x5d: {  	_ =	shalt  }
0x5e: {  	_ =	shalt  }
0x5f: {  	_ =	shalt  }
0x60: {  	_ =	shalt  }
0x61: {  	_ =	shalt  }
0x62: {  	_ =	shalt  }
0x63: {  	_ =	shalt  }
0x64: {  	_ =	shalt  }
0x65: {  	_ =	shalt  }
0x66: {  	_ =	shalt  }
0x67: {  	_ =	shalt  }
0x68: {  	_ =	shalt  }
0x69: {  	_ =	shalt  }
0x6a: {  	_ =	shalt  }
0x6b: {  	_ =	shalt  }
0x6c: {  	_ =	shalt  }
0x6d: {  	_ =	shalt  }
0x6e: {  	_ =	shalt  }
0x6f: {  	_ =	shalt  }
0x70: {  	_ =	shalt  }
0x71: {  	_ =	shalt  }
0x72: {  	_ =	shalt  }
0x73: {  	_ =	shalt  }
0x74: {  	_ =	shalt  }
0x75: {  	_ =	shalt  }
0x76: {  	_ =	shalt  }
0x77: {  	_ =	shalt  }
0x78: {  	_ =	shalt  }
0x79: {  	_ =	shalt  }
0x7a: {  	_ =	shalt  }
0x7b: {  	_ =	shalt  }
0x7c: {  	_ =	shalt  }
0x7d: {  	_ =	shalt  }
0x7e: {  	_ =	shalt  }
0x7f: {  	_ =	shalt  }
0x80: {  	_ =	shalt  }
0x81: {  	_ =	shalt  }
0x82: {  	_ =	shalt  }
0x83: {  	_ =	shalt  }
0x84: {  	_ =	shalt  }
0x85: {  	_ =	shalt  }
0x86: {  	_ =	shalt  }
0x87: {  	_ =	shalt  }
.Lfunc_end0:
.L_simem_size_0:
called_computation.1_lowered:
.L_overlay_start_0:
0x88: {  	s2 =	sld [smem:$0x3FD9]  }
0x89: {  	s3 =	sld [smem:$0x3FFE];
	_ =	sdelay $0x1  }
0x8a: {  	s1 =	srdreg.scid  }
0x8b: {  	s0 =	sand.u32 $0x1, s1  }
0x8c: {  	s16 =	sshll.u32 s0, $0xA;
	s2 =	sadd.s32 s3, s2  }
0x8d: {  	s2 =	sadd.s32 s2, s16  }
0x8e: {  	[smem:$0x3FC2] =	sst s2  }
0x8f: {  	_ = 	snop  }
0x90: {  	(tm) =	ssettm $0x1  }
0x91: {  	s17 =	sld [smem:$0x3FFB];
	_ =	sdelay $0x3  }
0x92: {  	_ =	strace s17  }
0x93: {  	s2 =	sld [smem:$0x3FFC];
	_ =	sdelay $0x3  }
0x94: {  	_ =	strace s2  }
0x95: {  	s2 =	sld [smem:$0x3FFD];
	_ =	sdelay $0x3  }
0x96: {  	_ =	strace s2  }
0x97: {  	_ =	strace $0x8FFFFFFF  }
0x98: {  	s18 =	sld [smem:$0x3FDB];
	_ =	sdelay $0x1  }
0x99: {  	s19 =	simm.s32 $_scs_section_size  }
0x9a: {  	s4 =	simm.s32 $_size__tile_overlayer_lowered;
	s5 =	simm.s32 $_tile_overlayer_lowered  }
0x9b: {  	s22 =	simm.s32 $0x1BFF;
	s21 =	sshll.u32 s5, $0x1;
	s2 =	sadd.s32 s19, s18  }
0x9c: {  	s6 =	simm.s32 $0x0;
	s20 =	sshll.u32 s4, $0x1;
	s4 =	sadd.s32 s21, s2  }
0x9d: {  	[timem:s6], [sflag:s22] =	dma.local [hbm:s4], s20  }
0x9e: {  	_ =	swait.ge [sflag:s22], s20  }
0x9f: {  	s3 =	ssub.s32 $0x0, s20;
	[sflag:s22] =	ssyncset.done $0x0  }
0xa0: {  	[sflag:s22] =	ssyncadd.s32 s3;
	_ =	sdelay $0x1  }
0xa1: {  	s23 =	simm.s32 $0x1B8B  }
0xa2: {  	_ =	swait.ge [sflag:s23], $0x1  }
0xa3: {  	[sflag:s23] =	ssyncset.done $0x0  }
0xa4: {  	s25 =	simm.s32 $0x1B8E;
	s24 =	sld [smem:$0x3FFE];
	[sflag:s23] =	ssyncadd.s32 $0xFFFFFFFF  }
0xa5: {  	s26 =	simm.s32 $execute0_lowered;
	[smem:$0x3FD2] =	sst s25  }
0xa6: {  	s4 =	sshll.u32 s26, $0x1;
	_ =	strace $0x80000049;
	[dreg:$0x1] =	wrdreg $0xFFFFFFFF  }
0xa7: {  	s28 =	simm.s32 $_size_execute0_lowered;
	s2 =	sadd.s32 s2, s4;
	[dreg:$0x0] =	wrdreg $0x0  }
0xa8: {  	s4 =	sshll.u32 s28, $0x1;
	[dreg:$0x2] =	wrdreg s2  }
0xa9: {  	[dreg:$0x3] =	wrdreg s4  }
0xaa: {  	[dreg:$0x4] =	wrdreg $0xC0  }
0xab: {  	_ =	task [dreg:s6], $0x5FFFF  }
0xac: {  	[dreg:$0x1] =	wrdreg $0xFFFFFFFF  }
0xad: {  	[dreg:$0x0] =	wrdreg $0x60  }
0xae: {  	[dreg:$0x2] =	wrdreg s24  }
0xaf: {  	[dreg:$0x3] =	wrdreg $0x0  }
0xb0: {  	[dreg:$0x4] =	wrdreg $0xA0000  }
0xb1: {  	[dreg:$0x5] =	wrdreg $0x9  }
0xb2: {  	_ =	task.clear_ibuf [dreg:s6], $0x6FFFF;
	_ =	strace $0x90000049  }
0xb3: {  	s29 =	simm.s32 $0x9;
	_ =	strace $0x8000004B  }
0xb4: {  	_ =	swait.ge [sflag:s29], $0x1  }
0xb5: {  	[sflag:s29] =	ssyncadd.s32 $0xFFFFFFFF  }
0xb6: {  	_ =	strace $0x9000004B  }
0xb7: {  	_ =	sfence  }
0xb8: {  	s30 =	sld [smem:$0x0];
	_ =	sdelay $0x2  }
0xb9: {  	s31 =	sshll.u32 s1, $0xD;
	s1 =	sshrl.u32 s1, $0x2  }
0xba: {  	s3 =	sand.u32 $0x4000, s31;
	s1 =	sadd.s32 s1, s30  }
0xbb: {  	s0 =	sor.u32 s3, s0;
	s1 =	sshll.u32 s1, $0x11  }
0xbc: {  	s0 =	sor.u32 s1, s0  }
0xbd: {  	s0 =	sadd.s32 $0x8F2B, s0  }
0xbe: {  	[sflag:s0] =	ssyncadd.remote.s32 $0x1  }
0xbf: {  	_ =	sfence.sel $0xFFFF  }
0xc0: {  	[dreg:$0x0] =	wrdreg $0xFFFFFFFF;
	(pc) =	sbr.abs _section_cstart, $3  }
0xc1: {  	[dreg:$0x1] =	wrdreg $0xFFFFFFFF  }
0xc2: {  	_ =	task.clear_ibuf [dreg:s6], $0x2FFFF;
	_ =	strace $0x9FFFFFFF  }
0xc3: {  	(tm) =	ssettm $0x7FFFFFFF  }
tec
execute0_lowered:
.L_overlay_start_1:
0x0: {  	(tag) =	ssettag $0x1  }
0x1: {  	s0 =	rddreg [dreg:$0x0]  }
0x2: {  	s2 =	rddreg [dreg:$0x1]  }
0x3: {  	s3 =	rddreg [dreg:$0x2];
	s19 =	stileid.u32;
	s4 =	simm.s32 $0x0  }
0x4: {  	s5 =	srdreg.scid;
	s28 =	simm.s32 $0x80;
	s29 =	simm.s32 $0x14900  }
0x5: {  	s30 =	simm.s32 $0x16900;
	s31 =	simm.s32 $0x18900;
	s1 =	smul.u32 $0xA000, s19  }
0x6: {  	[smem:$0x7FF] =	sst s4;
	s7 =	sand.u32 $0x1, s5;
	s5 =	sadd.s32 $0x1E00, s0  }
0x7: {  	s6 =	sadd.s32 $0x29200, s0;
	s14 =	sshll.u32 s19, $0x4;
	s20 =	smul.u32 $0x2700, s19  }
0x8: {  	_ =	strace $0x8000004A;
	s8 =	ssub.s32 $0x2, s7;
	s17 =	sshll.u32 s7, $0x4  }
0x9: {  	s14 =	sadd.s32 s14, s5;
	s15 =	smul.u32 $0x27000, s7;
	p0 =	seq.s32 s7, $0x1  }
0xa: {  	s7 =	simm.s32 $0x2A600;
	s16 =	sshrl.u32 s1, $0x3;
	s10 =	sshrl.u32 s8, $0x1  }
0xb: {  	s12 =	sor.u32 s19, s17;
	s13 =	sadd.s32 s1, s2;
	s7 =	simm.s32 @!p0 $0x3E600  }
0xc: {  	p0 =	seq.s32 s19, $0xF;
	s9 =	sadd.s32 s16, s0;
	s10 =	ssub.s32 s8, s10  }
0xd: {  	s8 =	sadd.s32 s1, s3;
	s1 =	sadd.s32 $0x96000, s2;
	s11 =	smul.u32 $0x2700, s12  }
0xe: {  	s0 =	sadd.s32 $0x28400, s0;
	s16 =	sadd.s32 $0x9C00, s14;
	s14 =	sadd.s32 $0x13840, s14  }
0xf: {  	s23 =	sadd.s32 s20, s15;
	p1 =	sgt.u32 s12, $0x3;
	[dreg:$0x5] =	wrdreg s0  }
0x10: {  	s12 =	simm.s32 $0x14280;
	s18 =	sadd.s32 $0x15800, s9;
	[dreg:$0x6] =	wrdreg s16  }
0x11: {  	s0 =	sadd.s32 $0x96000, s3;
	[dreg:$0x7] =	wrdreg s14;
	s25 =	sadd.s32 $0x4E400, s23  }
0x12: {  	s10 =	smax.u32 s10, $0x1;
	s7 =	sadd.s32 s7, s9;
	s17 =	sadd.s32 $0x200, s23  }
0x13: {  	s1 =	sshrl.u32 @p0 s1, $0x3;
	s23 =	simm.s32 $0x1;
	[dreg:$0x4] =	wrdreg s18  }
0x14: {  	s9 =	simm.s32 $0x3;
	s14 =	simm.s32 $0x0;
	[dreg:$0xb] =	wrdreg s10  }
0x15: {  	s11 =	sshrl.u32 s11, $0x3;
	[dreg:$0xc] =	wrdreg s7;
	s26 =	sshrl.u32 s25, $0x3  }
0x16: {  	[dreg:$0xd] =	wrdreg s1;
	s0 =	sshrl.u32 @p0 s0, $0x3;
	s25 =	simm.s32 $0x14200  }
0x17: {  	s7 =	simm.s32 $0x2;
	s1 =	simm.s32 $0x4;
	s10 =	simm.s32 $0x14080  }
0x18: {  	s11 =	sadd.s32 s5, s11;
	[dreg:$0xe] =	wrdreg s0;
	s0 =	sshrl.u32 @!p0 s13, $0x3  }
0x19: {  	s16 =	sadd.s32 s26, s5;
	s21 =	sadd.s32 $0x9C40, s11;
	[dreg:$0xf] =	wrdreg s0  }
0x1a: {  	s26 =	simm.s32 $0x5;
	s22 =	sadd.s32 $0x4C0, s11;
	[dreg:$0x8] =	wrdreg s21  }
0x1b: {  	s13 =	simm.s32 $0x6;
	s24 =	sadd.s32 $0xA100, s11;
	[dreg:$0x9] =	wrdreg s22  }
0x1c: {  	s0 =	simm.s32 $0x1A900;
	[dreg:$0xa] =	wrdreg s24;
	s24 =	simm.s32 $0x14000  }
.LBB2_1:
0x1d: {  	s18 =	rddreg [dreg:$0x5]  }
0x1e: {  	s15 =	simm.s32 @p0 $0x1FC5;
	s20 =	rddreg [dreg:$0xd]  }
0x1f: {  	[spmem:s20], [sflag:s15] =	dma.local @p0 [hbm:s18], $0xC80  }
0x20: {  	s15 =	simm.s32 @p0 $0x1FC1;
	s18 =	rddreg [dreg:$0xe]  }
0x21: {  	[spmem:s18], [sflag:s15] =	dma.local @p0 [hbm:s6], $0x1400  }
0x22: {  	s15 =	simm.s32 @p0 $0x5  }
0x23: {  	_ =	swait.ge @p0 [sflag:s15], $0xC80  }
0x24: {  	s18 =	sshll.u32 @!p0 s19, $0x6;
	[sflag:s15] =	ssyncset.done @p0 $0x0;
	s19 =	rddreg [dreg:$0x4]  }
0x25: {  	s20 =	rddreg [dreg:$0xf];
	[sflag:s15] =	ssyncadd.s32 @p0 $0xFFFFF380;
	s15 =	sor.u32 @!p0 $0x1C05, s18  }
0x26: {  	[spmem:s20], [sflag:s15] =	dma.local @!p0 [hbm:s19], $0x1400  }
0x27: {  	s15 =	sor.u32 @!p0 $0x1C01, s18;
	s18 =	sshrl.u32 @!p0 s8, $0x3  }
0x28: {  	[spmem:s18], [sflag:s15] =	dma.local @!p0 [hbm:s6], $0x1400  }
0x29: {  	s15 =	simm.s32 @!p0 $0x5  }
0x2a: {  	_ =	swait.ge @!p0 [sflag:s15], $0x1400  }
0x2b: {  	[sflag:s15] =	ssyncset.done @!p0 $0x0  }
0x2c: {  	[sflag:s15] =	ssyncadd.s32 @!p0 $0xFFFFEC00  }
0x2d: {  	_ =	swait.ge [sflag:s23], $0x1400  }
0x2e: {  	s18 =	simm.s32 @!p1 $0x14800;
	[sflag:s23] =	ssyncset.done $0x0  }
0x2f: {  	s15 =	simm.s32 @!p1 $0x0;
	s19 =	rddreg [dreg:$0x6];
	[sflag:s23] =	ssyncadd.s32 $0xFFFFEC00  }
0x30: {  	[tilespmem:s18], [sflag:$0x6] =	stream.linear.gather @!p1 [hbm4b:s19+s15], $0x80, $0x38;
	[tilespmem:$0x1C900] =	vst v63  }
0x31: {  	s18 =	simm.s32 @!p1 $0x6  }
0x32: {  	_ =	swait.ge @!p1 [sflag:s18], $0x80  }
0x33: {  	[sflag:s18] =	ssyncset.done @!p1 $0x0  }
0x34: {  	s19 =	simm.s32 @!p1 $0x14880;
	s20 =	rddreg [dreg:$0x7];
	[sflag:s18] =	ssyncadd.s32 @!p1 $0xFFFFFF80  }
0x35: {  	[tilespmem:s19], [sflag:$0x6] =	stream.linear.gather @!p1 [hbm4b:s20+s15], $0x80, $0x38;
	[tilespmem:$0x1C900] =	vst v63  }
0x36: {  	_ =	swait.ge @!p1 [sflag:s18], $0x80  }
0x37: {  	[sflag:s18] =	ssyncset.done @!p1 $0x0  }
0x38: {  	[sflag:s18] =	ssyncadd.s32 @!p1 $0xFFFFFF80  }
0x39: {  	[tilespmem:s24], [sflag:$0x5] =	stream.linear.gather [hbm4b:s11+s4], $0x200, $0x38;
	[tilespmem:$0x1C900] =	vst v63  }
0x3a: {  	s19 =	rddreg [dreg:$0x8]  }
0x3b: {  	[tilespmem:s25], [sflag:$0x5] =	stream.linear.gather [hbm4b:s19+s4], $0x200, $0x38;
	[tilespmem:$0x1C900] =	vst v63  }
0x3c: {  	[bflag:$0x0] =	sbarrier.arrive $0xFFFF  }
0x3d: {  	_ =	swait.ge [sflag:s26], $0x200  }
0x3e: {  	[sflag:s26] =	ssyncset.done $0x0  }
0x3f: {  	[sflag:s26] =	ssyncadd.s32 $0xFFFFFE00  }
0x40: {  	s20 =	simm.s32 $0x0;
	_ =	swait.ge [sflag:s26], $0x200  }
0x41: {  	s21 =	sshrl.u32 s17, $0x3;
	s15 =	sand.u32 $0x400, s20;
	[sflag:s26] =	ssyncset.done $0x0  }
0x42: {  	s22 =	sxor.u32 $0x14400, s15;
	s18 =	sadd.s32 s5, s21;
	[sflag:s26] =	ssyncadd.s32 $0xFFFFFE00  }
0x43: {  	[tilespmem:s22], [sflag:$0x5] =	stream.linear.gather [hbm4b:s18+s4], $0x200, $0x38;
	[tilespmem:$0x1C900] =	vst v63  }
0x44: {  	s19 =	sxor.u32 $0x14600, s15  }
0x45: {  	[tilespmem:s19], [sflag:$0x5] =	stream.linear.gather [hbm4b:s16+s4], $0x200, $0x38;
	[tilespmem:$0x1C900] =	vst v63  }
0x46: {  	s20 =	sor.u32 $0x14000, s15  }
0x47: {  	[tilespmem:s29], [sflag:$0x1] =	stream.indirect.gather [spmem:s2], $0x40, s20, s28, $0xb8;
	[tilespmem:$0x1C900] =	vst v63  }
0x48: {  	s21 =	sor.u32 $0x14080, s15  }
0x49: {  	[tilespmem:s30], [sflag:$0x1] =	stream.indirect.gather [spmem:s2], $0x40, s21, s28, $0xb8;
	[tilespmem:$0x1C900] =	vst v63  }
0x4a: {  	s22 =	sor.u32 $0x14100, s15  }
0x4b: {  	[tilespmem:s31], [sflag:$0x2] =	stream.indirect.gather [spmem:s2], $0x40, s22, s28, $0xb8;
	[tilespmem:$0x1C900] =	vst v63  }
0x4c: {  	s19 =	sor.u32 $0x14180, s15  }
0x4d: {  	[tilespmem:s0], [sflag:$0x2] =	stream.indirect.gather [spmem:s2], $0x40, s19, s28, $0xb8;
	[tilespmem:$0x1C900] =	vst v63  }
0x4e: {  	_ =	swait.ge [sflag:s23], $0x2000  }
0x4f: {  	[sflag:s23] =	ssyncset.done $0x0  }
0x50: {  	[sflag:s23] =	ssyncadd.s32 $0xFFFFE000  }
0x51: {  	_ =	swait.ge [sflag:s23], $0x2000  }
0x52: {  	[sflag:s23] =	ssyncset.done $0x0  }
0x53: {  	s20 =	sor.u32 $0x14200, s15;
	[sflag:s23] =	ssyncadd.s32 $0xFFFFE000  }
0x54: {  	[spmem:s3] =	stream.indirect.scatter.add.f32 [tilespmem:s29], [sflag:$0x3], $0x40, s20, s28, $0xb8;
	[tilespmem:$0x1C900] =	vst v63  }
0x55: {  	s21 =	sor.u32 $0x14280, s15  }
0x56: {  	[spmem:s3] =	stream.indirect.scatter.add.f32 [tilespmem:s30], [sflag:$0x3], $0x40, s21, s28, $0xb8;
	[tilespmem:$0x1C900] =	vst v63  }
0x57: {  	_ =	swait.ge [sflag:s7], $0x2000  }
0x58: {  	[sflag:s7] =	ssyncset.done $0x0  }
0x59: {  	[sflag:s7] =	ssyncadd.s32 $0xFFFFE000  }
0x5a: {  	_ =	swait.ge [sflag:s7], $0x2000  }
0x5b: {  	[sflag:s7] =	ssyncset.done $0x0  }
0x5c: {  	s22 =	sor.u32 $0x14300, s15;
	[sflag:s7] =	ssyncadd.s32 $0xFFFFE000  }
0x5d: {  	[spmem:s3] =	stream.indirect.scatter.add.f32 [tilespmem:s31], [sflag:$0x4], $0x40, s22, s28, $0xb8;
	[tilespmem:$0x1C900] =	vst v63  }
0x5e: {  	s15 =	sor.u32 $0x14380, s15  }
0x5f: {  	[spmem:s3] =	stream.indirect.scatter.add.f32 [tilespmem:s0], [sflag:$0x4], $0x40, s15, s28, $0xb8;
	[tilespmem:$0x1C900] =	vst v63  }
0x60: {  	_ =	swait.ge [sflag:s9], $0x2000  }
0x61: {  	[sflag:s9] =	ssyncset.done $0x0  }
0x62: {  	[sflag:s9] =	ssyncadd.s32 $0xFFFFE000  }
0x63: {  	_ =	swait.ge [sflag:s9], $0x2000  }
0x64: {  	[sflag:s9] =	ssyncset.done $0x0  }
0x65: {  	[sflag:s9] =	ssyncadd.s32 $0xFFFFE000  }
0x66: {  	_ =	swait.ge [sflag:s1], $0x2000  }
0x67: {  	[sflag:s1] =	ssyncset.done $0x0  }
0x68: {  	[sflag:s1] =	ssyncadd.s32 $0xFFFFE000  }
0x69: {  	s18 =	smov.u32 s16;
	_ =	swait.ge [sflag:s1], $0x2000  }
0x6a: {  	s19 =	smov.u32 s17;
	s15 =	simm.s32 $0x1;
	[sflag:s1] =	ssyncset.done $0x0  }
.LBB2_2:
0x6b: {  	[sflag:s1] =	ssyncadd.s32 $0xFFFFE000  }
0x6c: {  	s18 =	sadd.s32 $0x40, s18;
	s19 =	sadd.s32 $0x200, s19;
	s20 =	smov.u32 s15  }
0x6d: {  	p2 =	sne.s32 s15, $0x11;
	s15 =	sadd.s32 $0x1, s15;
	_ =	swait.ge [sflag:s26], $0x200  }
0x6e: {  	[sflag:s26] =	ssyncset.done $0x0  }
0x6f: {  	[sflag:s26] =	ssyncadd.s32 $0xFFFFFE00  }
0x70: {  	s20 =	sshll.u32 s20, $0xA;
	_ =	swait.ge [sflag:s26], $0x200  }
0x71: {  	s21 =	sshrl.u32 s19, $0x3;
	s20 =	sand.u32 $0x400, s20;
	[sflag:s26] =	ssyncset.done $0x0  }
0x72: {  	s21 =	sadd.s32 s5, s21;
	s22 =	sxor.u32 $0x14400, s20;
	[sflag:s26] =	ssyncadd.s32 $0xFFFFFE00  }
0x73: {  	[tilespmem:s22], [sflag:$0x5] =	stream.linear.gather [hbm4b:s21+s4], $0x200, $0x38;
	[tilespmem:$0x1C900] =	vst v63  }
0x74: {  	s21 =	sxor.u32 $0x14600, s20  }
0x75: {  	[tilespmem:s21], [sflag:$0x5] =	stream.linear.gather [hbm4b:s18+s4], $0x200, $0x38;
	[tilespmem:$0x1C900] =	vst v63  }
0x76: {  	s21 =	sor.u32 $0x14000, s20  }
0x77: {  	[tilespmem:s29], [sflag:$0x1] =	stream.indirect.gather [spmem:s2], $0x40, s21, s28, $0xb8;
	[tilespmem:$0x1C900] =	vst v63  }
0x78: {  	s21 =	sor.u32 $0x14080, s20  }
0x79: {  	[tilespmem:s30], [sflag:$0x1] =	stream.indirect.gather [spmem:s2], $0x40, s21, s28, $0xb8;
	[tilespmem:$0x1C900] =	vst v63  }
0x7a: {  	s21 =	sor.u32 $0x14100, s20  }
0x7b: {  	[tilespmem:s31], [sflag:$0x2] =	stream.indirect.gather [spmem:s2], $0x40, s21, s28, $0xb8;
	[tilespmem:$0x1C900] =	vst v63  }
0x7c: {  	s21 =	sor.u32 $0x14180, s20  }
0x7d: {  	[tilespmem:s0], [sflag:$0x2] =	stream.indirect.gather [spmem:s2], $0x40, s21, s28, $0xb8;
	[tilespmem:$0x1C900] =	vst v63  }
0x7e: {  	_ =	swait.ge [sflag:s23], $0x2000  }
0x7f: {  	[sflag:s23] =	ssyncset.done $0x0  }
0x80: {  	[sflag:s23] =	ssyncadd.s32 $0xFFFFE000  }
0x81: {  	_ =	swait.ge [sflag:s23], $0x2000  }
0x82: {  	[sflag:s23] =	ssyncset.done $0x0  }
0x83: {  	s21 =	sor.u32 $0x14200, s20;
	[sflag:s23] =	ssyncadd.s32 $0xFFFFE000  }
0x84: {  	[spmem:s3] =	stream.indirect.scatter.add.f32 [tilespmem:s29], [sflag:$0x3], $0x40, s21, s28, $0xb8;
	[tilespmem:$0x1C900] =	vst v63  }
0x85: {  	s21 =	sor.u32 $0x14280, s20  }
0x86: {  	[spmem:s3] =	stream.indirect.scatter.add.f32 [tilespmem:s30], [sflag:$0x3], $0x40, s21, s28, $0xb8;
	[tilespmem:$0x1C900] =	vst v63  }
0x87: {  	_ =	swait.ge [sflag:s7], $0x2000  }
0x88: {  	[sflag:s7] =	ssyncset.done $0x0  }
0x89: {  	[sflag:s7] =	ssyncadd.s32 $0xFFFFE000  }
0x8a: {  	_ =	swait.ge [sflag:s7], $0x2000  }
0x8b: {  	[sflag:s7] =	ssyncset.done $0x0  }
0x8c: {  	s21 =	sor.u32 $0x14300, s20;
	[sflag:s7] =	ssyncadd.s32 $0xFFFFE000  }
0x8d: {  	[spmem:s3] =	stream.indirect.scatter.add.f32 [tilespmem:s31], [sflag:$0x4], $0x40, s21, s28, $0xb8;
	[tilespmem:$0x1C900] =	vst v63  }
0x8e: {  	s20 =	sor.u32 $0x14380, s20  }
0x8f: {  	[spmem:s3] =	stream.indirect.scatter.add.f32 [tilespmem:s0], [sflag:$0x4], $0x40, s20, s28, $0xb8;
	[tilespmem:$0x1C900] =	vst v63  }
0x90: {  	_ =	swait.ge [sflag:s9], $0x2000  }
0x91: {  	[sflag:s9] =	ssyncset.done $0x0  }
0x92: {  	[sflag:s9] =	ssyncadd.s32 $0xFFFFE000  }
0x93: {  	_ =	swait.ge [sflag:s9], $0x2000  }
0x94: {  	[sflag:s9] =	ssyncset.done $0x0  }
0x95: {  	[sflag:s9] =	ssyncadd.s32 $0xFFFFE000  }
.Ltmp0:
0x96: {  	_ =	swait.ge [sflag:s1], $0x2000;
	(pc) =	sbr.rel @p2 .LBB2_2-.Ltmp0, $4  }
0x97: {  	[sflag:s1] =	ssyncset.done $0x0  }
0x98: {  	[sflag:s1] =	ssyncadd.s32 $0xFFFFE000  }
0x99: {  	_ =	swait.ge [sflag:s1], $0x2000  }
0x9a: {  	[sflag:s1] =	ssyncset.done $0x0  }
0x9b: {  	[sflag:s1] =	ssyncadd.s32 $0xFFFFE000  }
0x9c: {  	_ =	swait.ge [sflag:s26], $0x200  }
0x9d: {  	[sflag:s26] =	ssyncset.done $0x0  }
0x9e: {  	[sflag:s26] =	ssyncadd.s32 $0xFFFFFE00  }
0x9f: {  	_ =	swait.ge [sflag:s26], $0x200  }
0xa0: {  	[sflag:s26] =	ssyncset.done $0x0  }
0xa1: {  	[sflag:s26] =	ssyncadd.s32 $0xFFFFFE00  }
0xa2: {  	[tilespmem:s29], [sflag:$0x1] =	stream.indirect.gather [spmem:s2], $0x40, s24, s28, $0xb8;
	[tilespmem:$0x1C900] =	vst v63  }
0xa3: {  	_ = 	snop  }
0xa4: {  	[tilespmem:s30], [sflag:$0x1] =	stream.indirect.gather [spmem:s2], $0x40, s10, s28, $0xb8;
	[tilespmem:$0x1C900] =	vst v63  }
0xa5: {  	s15 =	simm.s32 $0x14100  }
0xa6: {  	[tilespmem:s31], [sflag:$0x2] =	stream.indirect.gather [spmem:s2], $0x40, s15, s28, $0xb8;
	[tilespmem:$0x1C900] =	vst v63  }
0xa7: {  	s20 =	simm.s32 $0x14180  }
0xa8: {  	[tilespmem:s0], [sflag:$0x2] =	stream.indirect.gather [spmem:s2], $0x40, s20, s28, $0xb8;
	[tilespmem:$0x1C900] =	vst v63  }
0xa9: {  	_ =	swait.ge [sflag:s23], $0x2000  }
0xaa: {  	[sflag:s23] =	ssyncset.done $0x0  }
0xab: {  	[sflag:s23] =	ssyncadd.s32 $0xFFFFE000  }
0xac: {  	_ =	swait.ge [sflag:s23], $0x2000  }
0xad: {  	[sflag:s23] =	ssyncset.done $0x0  }
0xae: {  	[sflag:s23] =	ssyncadd.s32 $0xFFFFE000  }
0xaf: {  	[spmem:s3] =	stream.indirect.scatter.add.f32 [tilespmem:s29], [sflag:$0x3], $0x40, s25, s28, $0xb8;
	[tilespmem:$0x1C900] =	vst v63  }
0xb0: {  	_ = 	snop  }
0xb1: {  	[spmem:s3] =	stream.indirect.scatter.add.f32 [tilespmem:s30], [sflag:$0x3], $0x40, s12, s28, $0xb8;
	[tilespmem:$0x1C900] =	vst v63  }
0xb2: {  	_ =	swait.ge [sflag:s7], $0x2000  }
0xb3: {  	[sflag:s7] =	ssyncset.done $0x0  }
0xb4: {  	[sflag:s7] =	ssyncadd.s32 $0xFFFFE000  }
0xb5: {  	_ =	swait.ge [sflag:s7], $0x2000  }
0xb6: {  	[sflag:s7] =	ssyncset.done $0x0  }
0xb7: {  	s21 =	simm.s32 $0x14300;
	[sflag:s7] =	ssyncadd.s32 $0xFFFFE000  }
0xb8: {  	[spmem:s3] =	stream.indirect.scatter.add.f32 [tilespmem:s31], [sflag:$0x4], $0x40, s21, s28, $0xb8;
	[tilespmem:$0x1C900] =	vst v63  }
0xb9: {  	s22 =	simm.s32 $0x14380  }
0xba: {  	[spmem:s3] =	stream.indirect.scatter.add.f32 [tilespmem:s0], [sflag:$0x4], $0x40, s22, s28, $0xb8;
	[tilespmem:$0x1C900] =	vst v63  }
0xbb: {  	_ =	swait.ge [sflag:s9], $0x2000  }
0xbc: {  	[sflag:s9] =	ssyncset.done $0x0  }
0xbd: {  	[sflag:s9] =	ssyncadd.s32 $0xFFFFE000  }
0xbe: {  	_ =	swait.ge [sflag:s9], $0x2000  }
0xbf: {  	[sflag:s9] =	ssyncset.done $0x0  }
0xc0: {  	[sflag:s9] =	ssyncadd.s32 $0xFFFFE000  }
0xc1: {  	_ =	swait.ge [sflag:s1], $0x2000  }
0xc2: {  	[sflag:s1] =	ssyncset.done $0x0  }
0xc3: {  	[sflag:s1] =	ssyncadd.s32 $0xFFFFE000  }
0xc4: {  	_ =	swait.ge [sflag:s1], $0x2000  }
0xc5: {  	[sflag:s1] =	ssyncset.done $0x0  }
0xc6: {  	s18 =	rddreg [dreg:$0x9];
	[sflag:s1] =	ssyncadd.s32 $0xFFFFE000  }
0xc7: {  	[tilespmem:s24], [sflag:$0x6] =	stream.linear.gather [hbm4b:s18+s4], $0x100, $0x38;
	[tilespmem:$0x1C900] =	vst v63  }
0xc8: {  	_ =	swait.ge [sflag:s13], $0x100  }
0xc9: {  	[sflag:s13] =	ssyncset.done $0x0  }
0xca: {  	s19 =	rddreg [dreg:$0xa];
	[sflag:s13] =	ssyncadd.s32 $0xFFFFFF00  }
0xcb: {  	[tilespmem:s25], [sflag:$0x6] =	stream.linear.gather [hbm4b:s19+s4], $0x100, $0x38;
	[tilespmem:$0x1C900] =	vst v63  }
0xcc: {  	_ =	swait.ge [sflag:s13], $0x100  }
0xcd: {  	[sflag:s13] =	ssyncset.done $0x0  }
0xce: {  	[sflag:s13] =	ssyncadd.s32 $0xFFFFFF00  }
0xcf: {  	[tilespmem:s29], [sflag:$0x1] =	stream.indirect.gather [spmem:s2], $0x40, s24, s28, $0xb8;
	[tilespmem:$0x1C900] =	vst v63  }
0xd0: {  	_ = 	snop  }
0xd1: {  	[tilespmem:s30], [sflag:$0x1] =	stream.indirect.gather [spmem:s2], $0x40, s10, s28, $0xb8;
	[tilespmem:$0x1C900] =	vst v63  }
0xd2: {  	_ =	swait.ge [sflag:s23], $0x2000  }
0xd3: {  	[sflag:s23] =	ssyncset.done $0x0  }
0xd4: {  	[sflag:s23] =	ssyncadd.s32 $0xFFFFE000  }
0xd5: {  	_ =	swait.ge [sflag:s23], $0x2000  }
0xd6: {  	[sflag:s23] =	ssyncset.done $0x0  }
0xd7: {  	[sflag:s23] =	ssyncadd.s32 $0xFFFFE000  }
0xd8: {  	[spmem:s3] =	stream.indirect.scatter.add.f32 [tilespmem:s29], [sflag:$0x3], $0x40, s25, s28, $0xb8;
	[tilespmem:$0x1C900] =	vst v63  }
0xd9: {  	_ = 	snop  }
0xda: {  	[spmem:s3] =	stream.indirect.scatter.add.f32 [tilespmem:s30], [sflag:$0x3], $0x40, s12, s28, $0xb8;
	[tilespmem:$0x1C900] =	vst v63  }
0xdb: {  	_ =	swait.ge [sflag:s9], $0x2000  }
0xdc: {  	[sflag:s9] =	ssyncset.done $0x0  }
0xdd: {  	[sflag:s9] =	ssyncadd.s32 $0xFFFFE000  }
0xde: {  	_ =	swait.ge [sflag:s9], $0x2000  }
0xdf: {  	s15 =	simm.s32 @!p1 $0x80;
	[sflag:s9] =	ssyncset.done $0x0  }
0xe0: {  	s18 =	simm.s32 @!p1 $0x14800;
	s19 =	simm.s32 @!p1 $0x18900;
	[sflag:s9] =	ssyncadd.s32 $0xFFFFE000  }
0xe1: {  	[tilespmem:s19], [sflag:$0x2] =	stream.indirect.gather @!p1 [spmem:s2], $0x40, s18, s15, $0xb8;
	[tilespmem:$0x1C900] =	vst v63  }
0xe2: {  	s18 =	simm.s32 @!p1 $0x2  }
0xe3: {  	_ =	swait.ge @!p1 [sflag:s18], $0x2000  }
0xe4: {  	[sflag:s18] =	ssyncset.done @!p1 $0x0  }
0xe5: {  	[sflag:s18] =	ssyncadd.s32 @!p1 $0xFFFFE000;
	s18 =	simm.s32 @!p1 $0x14880  }
0xe6: {  	[spmem:s3] =	stream.indirect.scatter.add.f32 @!p1 [tilespmem:s19], [sflag:$0x4], $0x40, s18, s15, $0xb8;
	[tilespmem:$0x1C900] =	vst v63  }
0xe7: {  	s15 =	simm.s32 @!p1 $0x4  }
0xe8: {  	_ =	swait.ge @!p1 [sflag:s15], $0x2000  }
0xe9: {  	[sflag:s15] =	ssyncset.done @!p1 $0x0  }
0xea: {  	s19 =	stileid.u32;
	[sflag:s15] =	ssyncadd.s32 @!p1 $0xFFFFE000  }
0xeb: {  	s20 =	sshll.u32 s19, $0x6;
	[bflag:$0x0] =	sbarrier.arrive $0xFFFF  }
0xec: {  	s21 =	sshrl.u32 s8, $0x3;
	s15 =	sor.u32 $0x1C06, s20;
	s20 =	rddreg [dreg:$0xc]  }
0xed: {  	[hbm:s20], [sflag:s15] =	dma.local [spmem:s21], $0x1400  }
0xee: {  	_ =	swait.ge [sflag:s13], $0x1400  }
0xef: {  	s14 =	sadd.s32 $0x1, s14;
	s22 =	rddreg [dreg:$0xb]  }
0xf0: {  	p2 =	sne.s32 s14, s22  }
.Ltmp1:
0xf1: {  	_ = 	snop;
	(pc) =	sbr.rel @p2 .LBB2_1-.Ltmp1, $3  }
0xf2: {  	_ =	sdelay $0x1  }
0xf3: {  	[sflag:s13] =	ssyncset.done $0x0  }
0xf4: {  	[sflag:s13] =	ssyncadd.s32 $0xFFFFEC00  }
0xf5: {  	_ =	sfence.sel $0x180000  }
0xf6: {  	[bflag:$0x0] =	sbarrier.arrive $0xFFFF  }
0xf7: {  	_ =	strace $0x9000004A  }
0xf8: {  	[bflag:$0x2] =	sbarrier.arrive $0xFFFF  }
0xf9: {  	p0 =	sne.s32 s19, $0x0;
	s0 =	rddreg [dreg:$0x3]  }
0xfa: {  	s0 =	sadd.s32 @!p0 $0x100000, s0  }
0xfb: {  	[sflag:s0] =	ssyncadd.tile.s32 @!p0 $0x1;
	_ =	shalt  }
.Lfunc_end2:
_tile_overlayer_lowered:
.L_overlay_start_2:
0xfc: {  	(tag) =	ssettag $0x2  }
0xfd: {  	s0 =	rddreg [dreg:$0x0];
	s2 =	stileid.u32  }
0xfe: {  	s1 =	rddreg [dreg:$0x1];
	p0 =	sne.s32 s2, $0x0  }
0xff: {  	s3 =	rddreg [dreg:$0x2];
	[bflag:$0x3] =	sbarrier.arrive $0xFFFF;
	s2 =	simm.s32 @!p0 $0x1C06  }
0x100: {  	[timem:s3], [sflag:s2] =	dma.local @!p0 [hbm:s0], s1  }
0x101: {  	s0 =	simm.s32 @!p0 $0x6  }
0x102: {  	_ =	swait.ge @!p0 [sflag:s0], s1  }
0x103: {  	s1 =	ssub.s32 @!p0 $0x0, s1;
	[sflag:s0] =	ssyncset.done @!p0 $0x0  }
0x104: {  	[sflag:s0] =	ssyncadd.s32 @!p0 s1  }
0x105: {  	[bflag:$0x3] =	sbarrier.arrive $0xFFFF  }
0x106: {  	_ =	shalt  }

</sc_bundles>
